<compile_context>
chip_gen: v7x
topology: tpu7x:2x2x1
jax: 0.10.2.dev20260603
libtpu: 0.0.44.dev20260713+nightly
codegen_flags: <defaults>
</compile_context>

<pallas_src>
import jax
import jax.numpy as jnp
from jax import lax
from jax.experimental import pallas as pl
from jax.experimental.pallas import tpu as pltpu
from jax.experimental.pallas import tpu_sc as plsc

_B = 16384
_A = 18
_Z = 51
_VMIN = -10.0
_VMAX = 10.0
_GAMMA = 0.99
_DZ = (_VMAX - _VMIN) / (_Z - 1)
_LANES = 16
_NC = 2
_NS = 16
_NW = _NC * _NS
_GROUPS = _B // (_LANES * _NW)
_PER_W = _B // _NW
_TC_BS = 1024

_SUP = tuple(float.fromhex(h) for h in (
    '-0x1.4000000000000p+3', '-0x1.3333340000000p+3', '-0x1.2666660000000p+3',
    '-0x1.1999980000000p+3', '-0x1.0ccccc0000000p+3', '-0x1.0000000000000p+3',
    '-0x1.e666680000000p+2', '-0x1.ccccce0000000p+2', '-0x1.b333360000000p+2',
    '-0x1.99999a0000000p+2', '-0x1.8000000000000p+2', '-0x1.6666660000000p+2',
    '-0x1.4ccccc0000000p+2', '-0x1.3333340000000p+2', '-0x1.19999c0000000p+2',
    '-0x1.0000020000000p+2', '-0x1.ccccd00000000p+1', '-0x1.9999960000000p+1',
    '-0x1.6666640000000p+1', '-0x1.3333340000000p+1', '-0x1.0000020000000p+1',
    '-0x1.9999a00000000p+0', '-0x1.3333360000000p+0', '-0x1.9999a60000000p-1',
    '-0x1.9999a00000000p-2', '-0x1.4000000000000p-22', '0x1.9999780000000p-2',
    '0x1.9999820000000p-1', '0x1.33332c0000000p+0', '0x1.9999900000000p+0',
    '0x1.fffff20000000p+0', '0x1.3333300000000p+1', '0x1.6666620000000p+1',
    '0x1.9999940000000p+1', '0x1.cccccc0000000p+1', '0x1.fffffc0000000p+1',
    '0x1.1999980000000p+2', '0x1.3333320000000p+2', '0x1.4cccca0000000p+2',
    '0x1.6666640000000p+2', '0x1.7ffffc0000000p+2', '0x1.9999980000000p+2',
    '0x1.b333300000000p+2', '0x1.ccccc80000000p+2', '0x1.e666640000000p+2',
    '0x1.fffffc0000000p+2', '0x1.0cccca0000000p+3', '0x1.1999980000000p+3',
    '0x1.2666640000000p+3', '0x1.3333320000000p+3', '0x1.4000000000000p+3',
))


def _tc_body(sup_ref, pt_ref, qa_ref):
    s = sup_ref[...]
    pa = pt_ref[0]
    bden = jnp.sum(pa, axis=0)
    bnum = jnp.sum(pa * s, axis=0)
    qa = pa
    for a in range(1, _A):
        pa = pt_ref[a]
        da = jnp.sum(pa, axis=0)
        na = jnp.sum(pa * s, axis=0)
        take = (na * bden) > (bnum * da)
        bnum = jnp.where(take, na, bnum)
        bden = jnp.where(take, da, bden)
        qa = jnp.where(take[None, :], pa, qa)
    qa_ref[...] = qa * (1.0 / bden)[None, :]


def _tc_stage(pt):
    sup = jnp.asarray(_SUP, jnp.float32).reshape(_Z, 1)
    return pl.pallas_call(
        _tc_body,
        out_shape=jax.ShapeDtypeStruct((_Z, _B), jnp.float32),
        grid=(_B // _TC_BS,),
        in_specs=[pl.BlockSpec((_Z, 1), lambda i: (0, 0)),
                  pl.BlockSpec((_A, _Z, _TC_BS), lambda i: (0, 0, i))],
        out_specs=pl.BlockSpec((_Z, _TC_BS), lambda i: (0, i)),
    )(sup, pt)


def _sc_body(qa_hbm, rew_hbm, mask_hbm, out_hbm,
             qbuf, rewbuf, maskbuf, oslab, qsem, osem):
    wid = lax.axis_index("s") * _NC + lax.axis_index("c")
    lane = lax.iota(jnp.int32, _LANES)

    pltpu.sync_copy(rew_hbm.at[pl.ds(wid * _PER_W, _PER_W)], rewbuf)
    pltpu.sync_copy(mask_hbm.at[pl.ds(wid * _PER_W, _PER_W)], maskbuf)
    cp = pltpu.make_async_copy(
        qa_hbm.at[:, pl.ds(wid * _PER_W, _PER_W)], qbuf, qsem)
    cp.start()

    zf = jnp.zeros((_LANES,), jnp.float32)

    def zbody(k, carry):
        for i in range(_Z):
            oslab[i, pl.ds(k * _LANES, _LANES)] = zf
        return carry

    lax.fori_loop(0, _GROUPS, zbody, 0)
    cp.wait()

    def compute(g_local):
        base = g_local * _LANES
        r = rewbuf[pl.ds(base, _LANES)]
        gam = maskbuf[pl.ds(base, _LANES)] * _GAMMA
        col = base + lane
        for i in range(_Z):
            q = qbuf[i, pl.ds(base, _LANES)]
            t = r + gam * _SUP[i]
            t = jnp.minimum(jnp.maximum(t, _VMIN), _VMAX)
            b = (t - _VMIN) / _DZ
            li = b.astype(jnp.int32)
            lf = li.astype(jnp.float32)
            ui = jnp.where(b > lf, li + 1, li)
            uf = ui.astype(jnp.float32)
            plsc.addupdate_scatter(oslab, [li, col], q * (uf - b))
            plsc.addupdate_scatter(oslab, [ui, col], q * (b - lf))

    def gbody(g, carry):
        compute(g)
        return carry

    lax.fori_loop(0, _GROUPS, gbody, 0)
    ocp = pltpu.make_async_copy(
        oslab, out_hbm.at[:, pl.ds(wid * _PER_W, _PER_W)], osem)
    ocp.start()
    ocp.wait()


def kernel(probs, rewards, mask):
    pt = jnp.transpose(probs, (1, 2, 0))
    qa_t = _tc_stage(pt)
    mesh = plsc.VectorSubcoreMesh(
        core_axis_name="c", subcore_axis_name="s",
        num_cores=_NC, num_subcores=_NS)
    f = pl.kernel(
        _sc_body,
        out_type=jax.ShapeDtypeStruct((_Z, _B), jnp.float32),
        mesh=mesh,
        scratch_types=[
            pltpu.VMEM((_Z, _PER_W), jnp.float32),
            pltpu.VMEM((_PER_W,), jnp.float32),
            pltpu.VMEM((_PER_W,), jnp.float32),
            pltpu.VMEM((_Z, _PER_W), jnp.float32),
            pltpu.SemaphoreType.DMA,
            pltpu.SemaphoreType.DMA,
        ],
        compiler_params=pltpu.CompilerParams(
            needs_layout_passes=False, use_tc_tiling_on_sc=False),
    )
    out_t = f(qa_t, rewards.reshape(-1), mask.reshape(-1))
    return out_t.transpose(1, 0)

# --- scband reference (transcript-rebuilt; emitter-appended) ---
"""Pipeline reference for scband-agent-rainbow-45191645889313 (READ-ONLY COPY).

The authoritative reference and input builder live on the scoring server;
editing this copy changes nothing except your own understanding.
"""

import jax, jax.numpy as jnp
import numpy as np

BATCH = 16384
ACTIONS = 18
ATOMS = 51
V_MIN = -10.0
V_MAX = 10.0
GAMMA = 0.99
DELTA_Z = (V_MAX - V_MIN) / (ATOMS - 1)
SUPPORT = jnp.linspace(V_MIN, V_MAX, ATOMS)


def setup_inputs(seed: int = 0) -> dict:
    key = jax.random.key(seed)
    k1, k2, k3 = jax.random.split(key, 3)
    probs = jax.random.uniform(k1, (BATCH, ACTIONS, ATOMS), dtype=jnp.float32)
    rewards = jax.random.normal(k2, (BATCH, 1), dtype=jnp.float32)
    mask = jax.random.uniform(k3, (BATCH, 1), dtype=jnp.float32)
    return {"probs": probs, "rewards": rewards, "mask": mask}


def reference(probs, rewards, mask):
    # Faithful JAX port of Agent_rainbow._get_categorical (the C51 distributional
    # Bellman projection). The target_dqn network output (per-action atom
    # distributions) is provided directly as `probs`; normalize so each
    # [action, atoms] row sums to 1 like a softmax output.
    p = probs / jnp.sum(probs, axis=2, keepdims=True)
    bsz = p.shape[0]
    # qs = probs * support; greedy action under expected value
    qs = p * SUPPORT[None, None, :]
    argmax_a = jnp.argmax(jnp.sum(qs, axis=2), axis=1)  # [B]
    idx = jnp.broadcast_to(argmax_a[:, None, None], (bsz, 1, ATOMS))
    qa_probs = jnp.take_along_axis(p, idx, axis=1).reshape(bsz, ATOMS)  # gather
    gamma = mask * GAMMA  # [B,1]
    bellman_op = rewards + gamma * SUPPORT[None, :]
    bellman_op = jnp.clip(bellman_op, V_MIN, V_MAX)
    b = (bellman_op - V_MIN) / DELTA_Z
    l = jnp.floor(b).astype(jnp.int32)
    u = jnp.ceil(b).astype(jnp.int32)
    # flattened scatter-add histogram binning, exactly as the torch index_add_
    offset = (jnp.arange(bsz, dtype=jnp.int32) * ATOMS)[:, None]  # [B,1]
    m = jnp.zeros((bsz * ATOMS,), dtype=jnp.float32)
    m = m.at[(l + offset).reshape(-1)].add((qa_probs * (u.astype(jnp.float32) - b)).reshape(-1))
    m = m.at[(u + offset).reshape(-1)].add((qa_probs * (b - l.astype(jnp.float32))).reshape(-1))
    return m.reshape(bsz, ATOMS)

if __name__ == "__main__":
    import jax
    _d = setup_inputs()
    print(jax.jit(kernel)(*tuple(_d.values())))

</pallas_src>

<mosaic_0001>
#map = affine_map<(d0, d1) -> (0, 0)>
#map1 = affine_map<(d0, d1) -> (0)>
module attributes {stable_mosaic.version = 14 : i64} {
  func.func @_sc_body(%arg0: i32, %arg1: i32, %arg2: memref<51x16384xf32, #tpu.memory_space<hbm>>, %arg3: memref<16384xf32, #tpu.memory_space<hbm>>, %arg4: memref<16384xf32, #tpu.memory_space<hbm>>, %arg5: memref<51x16384xf32, #tpu.memory_space<hbm>>, %arg6: memref<51x512xf32, #tpu.memory_space<vmem>>, %arg7: memref<512xf32, #tpu.memory_space<vmem>>, %arg8: memref<512xf32, #tpu.memory_space<vmem>>, %arg9: memref<51x512xf32, #tpu.memory_space<vmem>>, %arg10: memref<!tpu.dma_semaphore, #tpu.memory_space<semaphore_mem>>, %arg11: memref<!tpu.dma_semaphore, #tpu.memory_space<semaphore_mem>>) attributes {dimension_semantics = [#tpu.dimension_semantics<core_parallel>, #tpu.dimension_semantics<subcore_parallel>], iteration_bounds = array<i64: 2, 16>, scalar_prefetch = 0 : i64, scratch_operands = 6 : i64, tpu.core_type = #tpu.core_type<sc_vector_subcore>, window_params = [{transform_indices = #map}, {transform_indices = #map1}, {transform_indices = #map1}, {transform_indices = #map}]} {
    %mul3A = arith.constant 2 : i32
    %mul3A_0 = arith.muli %arg1, %mul3A : i32
    %add3A = arith.addi %mul3A_0, %arg0 : i32
    %iota3A = tpu.iota {dimensions = array<i32: 0>} : vector<16xi32>
    %mul3A_1 = arith.constant 512 : i32
    %mul3A_2 = arith.muli %add3A, %mul3A_1 : i32
    "tpu.region"() ({
      %run_scoped3A = tpu.sem_alloc : memref<!tpu.dma_semaphore, #tpu.memory_space<semaphore_mem>>
      %dma_start3A_35 = tpu.memref_slice %arg3[%mul3A_2] : memref<16384xf32, #tpu.memory_space<hbm>> -> memref<512xf32, #tpu.memory_space<hbm>>
      %dma_start3A_36 = tpu.memref_slice %arg3[%mul3A_2] : memref<16384xf32, #tpu.memory_space<hbm>> -> memref<512xf32, #tpu.memory_space<hbm>>
      tpu.enqueue_dma source(%dma_start3A_36 : memref<512xf32, #tpu.memory_space<hbm>>) target(%arg7 : memref<512xf32, #tpu.memory_space<vmem>>) target_semaphore(%run_scoped3A : memref<!tpu.dma_semaphore, #tpu.memory_space<semaphore_mem>>)
      %dma_wait3A_37 = tpu.memref_slice %arg3[%mul3A_2] : memref<16384xf32, #tpu.memory_space<hbm>> -> memref<512xf32, #tpu.memory_space<hbm>>
      %dma_wait3A_38 = tpu.memref_slice %arg3[%mul3A_2] : memref<16384xf32, #tpu.memory_space<hbm>> -> memref<512xf32, #tpu.memory_space<hbm>>
      tpu.wait_dma2 semaphore(%run_scoped3A : memref<!tpu.dma_semaphore, #tpu.memory_space<semaphore_mem>>) src(%dma_wait3A_38 : memref<512xf32, #tpu.memory_space<hbm>>) dst(%arg7 : memref<512xf32, #tpu.memory_space<vmem>>)
      tpu.yield
    }) : () -> ()
    %mul3A_3 = arith.constant 512 : i32
    %mul3A_4 = arith.muli %add3A, %mul3A_3 : i32
    "tpu.region"() ({
      %run_scoped3A = tpu.sem_alloc : memref<!tpu.dma_semaphore, #tpu.memory_space<semaphore_mem>>
      %dma_start3A_35 = tpu.memref_slice %arg4[%mul3A_4] : memref<16384xf32, #tpu.memory_space<hbm>> -> memref<512xf32, #tpu.memory_space<hbm>>
      %dma_start3A_36 = tpu.memref_slice %arg4[%mul3A_4] : memref<16384xf32, #tpu.memory_space<hbm>> -> memref<512xf32, #tpu.memory_space<hbm>>
      tpu.enqueue_dma source(%dma_start3A_36 : memref<512xf32, #tpu.memory_space<hbm>>) target(%arg8 : memref<512xf32, #tpu.memory_space<vmem>>) target_semaphore(%run_scoped3A : memref<!tpu.dma_semaphore, #tpu.memory_space<semaphore_mem>>)
      %dma_wait3A_37 = tpu.memref_slice %arg4[%mul3A_4] : memref<16384xf32, #tpu.memory_space<hbm>> -> memref<512xf32, #tpu.memory_space<hbm>>
      %dma_wait3A_38 = tpu.memref_slice %arg4[%mul3A_4] : memref<16384xf32, #tpu.memory_space<hbm>> -> memref<512xf32, #tpu.memory_space<hbm>>
      tpu.wait_dma2 semaphore(%run_scoped3A : memref<!tpu.dma_semaphore, #tpu.memory_space<semaphore_mem>>) src(%dma_wait3A_38 : memref<512xf32, #tpu.memory_space<hbm>>) dst(%arg8 : memref<512xf32, #tpu.memory_space<vmem>>)
      tpu.yield
    }) : () -> ()
    %mul3A_5 = arith.constant 512 : i32
    %mul3A_6 = arith.muli %add3A, %mul3A_5 : i32
    %dma_start3A = arith.constant 0 : i32
    %dma_start3A_7 = tpu.memref_slice %arg2[%dma_start3A, %mul3A_6] : memref<51x16384xf32, #tpu.memory_space<hbm>> -> memref<51x512xf32, #tpu.memory_space<hbm>>
    %dma_start3A_8 = arith.constant 0 : i32
    %dma_start3A_9 = tpu.memref_slice %arg2[%dma_start3A_8, %mul3A_6] : memref<51x16384xf32, #tpu.memory_space<hbm>> -> memref<51x512xf32, #tpu.memory_space<hbm>>
    tpu.enqueue_dma source(%dma_start3A_9 : memref<51x512xf32, #tpu.memory_space<hbm>>) target(%arg6 : memref<51x512xf32, #tpu.memory_space<vmem>>) target_semaphore(%arg10 : memref<!tpu.dma_semaphore, #tpu.memory_space<semaphore_mem>>)
    %broadcast_in_dim3A = arith.constant 0.000000e+00 : f32
    %broadcast_in_dim3A_10 = vector.broadcast %broadcast_in_dim3A : f32 to vector<16xf32>
    %scan3A = arith.constant 0 : i32
    %scan3A_11 = arith.constant 0 : i32
    %scan3A_12 = arith.constant 32 : i32
    %scan3A_13 = arith.addi %scan3A_11, %scan3A_12 : i32
    %scan3A_14 = arith.constant 1 : i32
    scf.for %scan3A_35 = %scan3A_11 to %scan3A_13 step %scan3A_14  : i32 {
      %mul3A_36 = arith.constant 16 : i32
      %mul3A_37 = arith.muli %scan3A_35, %mul3A_36 : i32
      %swap3A = arith.constant 0 : i32
      %swap3A_38 = arith.index_cast %swap3A : i32 to index
      %swap3A_39 = arith.index_cast %mul3A_37 : i32 to index
      %swap3A_40 = tpu.vector_load %arg9[%swap3A_38, %swap3A_39] {strides = array<i32>} : memref<51x512xf32, #tpu.memory_space<vmem>>, vector<16xf32>,
      tpu.vector_store %arg9[%swap3A_38, %swap3A_39], %broadcast_in_dim3A_10 {strides = array<i32>} : memref<51x512xf32, #tpu.memory_space<vmem>>, vector<16xf32>,
      %mul3A_41 = arith.constant 16 : i32
      %mul3A_42 = arith.muli %scan3A_35, %mul3A_41 : i32
      %swap3A_43 = arith.constant 1 : i32
      %swap3A_44 = arith.index_cast %swap3A_43 : i32 to index
      %swap3A_45 = arith.index_cast %mul3A_42 : i32 to index
      %swap3A_46 = tpu.vector_load %arg9[%swap3A_44, %swap3A_45] {strides = array<i32>} : memref<51x512xf32, #tpu.memory_space<vmem>>, vector<16xf32>,
      tpu.vector_store %arg9[%swap3A_44, %swap3A_45], %broadcast_in_dim3A_10 {strides = array<i32>} : memref<51x512xf32, #tpu.memory_space<vmem>>, vector<16xf32>,
      %mul3A_47 = arith.constant 16 : i32
      %mul3A_48 = arith.muli %scan3A_35, %mul3A_47 : i32
      %swap3A_49 = arith.constant 2 : i32
      %swap3A_50 = arith.index_cast %swap3A_49 : i32 to index
      %swap3A_51 = arith.index_cast %mul3A_48 : i32 to index
      %swap3A_52 = tpu.vector_load %arg9[%swap3A_50, %swap3A_51] {strides = array<i32>} : memref<51x512xf32, #tpu.memory_space<vmem>>, vector<16xf32>,
      tpu.vector_store %arg9[%swap3A_50, %swap3A_51], %broadcast_in_dim3A_10 {strides = array<i32>} : memref<51x512xf32, #tpu.memory_space<vmem>>, vector<16xf32>,
      %mul3A_53 = arith.constant 16 : i32
      %mul3A_54 = arith.muli %scan3A_35, %mul3A_53 : i32
      %swap3A_55 = arith.constant 3 : i32
      %swap3A_56 = arith.index_cast %swap3A_55 : i32 to index
      %swap3A_57 = arith.index_cast %mul3A_54 : i32 to index
      %swap3A_58 = tpu.vector_load %arg9[%swap3A_56, %swap3A_57] {strides = array<i32>} : memref<51x512xf32, #tpu.memory_space<vmem>>, vector<16xf32>,
      tpu.vector_store %arg9[%swap3A_56, %swap3A_57], %broadcast_in_dim3A_10 {strides = array<i32>} : memref<51x512xf32, #tpu.memory_space<vmem>>, vector<16xf32>,
      %mul3A_59 = arith.constant 16 : i32
      %mul3A_60 = arith.muli %scan3A_35, %mul3A_59 : i32
      %swap3A_61 = arith.constant 4 : i32
      %swap3A_62 = arith.index_cast %swap3A_61 : i32 to index
      %swap3A_63 = arith.index_cast %mul3A_60 : i32 to index
      %swap3A_64 = tpu.vector_load %arg9[%swap3A_62, %swap3A_63] {strides = array<i32>} : memref<51x512xf32, #tpu.memory_space<vmem>>, vector<16xf32>,
      tpu.vector_store %arg9[%swap3A_62, %swap3A_63], %broadcast_in_dim3A_10 {strides = array<i32>} : memref<51x512xf32, #tpu.memory_space<vmem>>, vector<16xf32>,
      %mul3A_65 = arith.constant 16 : i32
      %mul3A_66 = arith.muli %scan3A_35, %mul3A_65 : i32
      %swap3A_67 = arith.constant 5 : i32
      %swap3A_68 = arith.index_cast %swap3A_67 : i32 to index
      %swap3A_69 = arith.index_cast %mul3A_66 : i32 to index
      %swap3A_70 = tpu.vector_load %arg9[%swap3A_68, %swap3A_69] {strides = array<i32>} : memref<51x512xf32, #tpu.memory_space<vmem>>, vector<16xf32>,
      tpu.vector_store %arg9[%swap3A_68, %swap3A_69], %broadcast_in_dim3A_10 {strides = array<i32>} : memref<51x512xf32, #tpu.memory_space<vmem>>, vector<16xf32>,
      %mul3A_71 = arith.constant 16 : i32
      %mul3A_72 = arith.muli %scan3A_35, %mul3A_71 : i32
      %swap3A_73 = arith.constant 6 : i32
      %swap3A_74 = arith.index_cast %swap3A_73 : i32 to index
      %swap3A_75 = arith.index_cast %mul3A_72 : i32 to index
      %swap3A_76 = tpu.vector_load %arg9[%swap3A_74, %swap3A_75] {strides = array<i32>} : memref<51x512xf32, #tpu.memory_space<vmem>>, vector<16xf32>,
      tpu.vector_store %arg9[%swap3A_74, %swap3A_75], %broadcast_in_dim3A_10 {strides = array<i32>} : memref<51x512xf32, #tpu.memory_space<vmem>>, vector<16xf32>,
      %mul3A_77 = arith.constant 16 : i32
      %mul3A_78 = arith.muli %scan3A_35, %mul3A_77 : i32
      %swap3A_79 = arith.constant 7 : i32
      %swap3A_80 = arith.index_cast %swap3A_79 : i32 to index
      %swap3A_81 = arith.index_cast %mul3A_78 : i32 to index
      %swap3A_82 = tpu.vector_load %arg9[%swap3A_80, %swap3A_81] {strides = array<i32>} : memref<51x512xf32, #tpu.memory_space<vmem>>, vector<16xf32>,
      tpu.vector_store %arg9[%swap3A_80, %swap3A_81], %broadcast_in_dim3A_10 {strides = array<i32>} : memref<51x512xf32, #tpu.memory_space<vmem>>, vector<16xf32>,
      %mul3A_83 = arith.constant 16 : i32
      %mul3A_84 = arith.muli %scan3A_35, %mul3A_83 : i32
      %swap3A_85 = arith.constant 8 : i32
      %swap3A_86 = arith.index_cast %swap3A_85 : i32 to index
      %swap3A_87 = arith.index_cast %mul3A_84 : i32 to index
      %swap3A_88 = tpu.vector_load %arg9[%swap3A_86, %swap3A_87] {strides = array<i32>} : memref<51x512xf32, #tpu.memory_space<vmem>>, vector<16xf32>,
      tpu.vector_store %arg9[%swap3A_86, %swap3A_87], %broadcast_in_dim3A_10 {strides = array<i32>} : memref<51x512xf32, #tpu.memory_space<vmem>>, vector<16xf32>,
      %mul3A_89 = arith.constant 16 : i32
      %mul3A_90 = arith.muli %scan3A_35, %mul3A_89 : i32
      %swap3A_91 = arith.constant 9 : i32
      %swap3A_92 = arith.index_cast %swap3A_91 : i32 to index
      %swap3A_93 = arith.index_cast %mul3A_90 : i32 to index
      %swap3A_94 = tpu.vector_load %arg9[%swap3A_92, %swap3A_93] {strides = array<i32>} : memref<51x512xf32, #tpu.memory_space<vmem>>, vector<16xf32>,
      tpu.vector_store %arg9[%swap3A_92, %swap3A_93], %broadcast_in_dim3A_10 {strides = array<i32>} : memref<51x512xf32, #tpu.memory_space<vmem>>, vector<16xf32>,
      %mul3A_95 = arith.constant 16 : i32
      %mul3A_96 = arith.muli %scan3A_35, %mul3A_95 : i32
      %swap3A_97 = arith.constant 10 : i32
      %swap3A_98 = arith.index_cast %swap3A_97 : i32 to index
      %swap3A_99 = arith.index_cast %mul3A_96 : i32 to index
      %swap3A_100 = tpu.vector_load %arg9[%swap3A_98, %swap3A_99] {strides = array<i32>} : memref<51x512xf32, #tpu.memory_space<vmem>>, vector<16xf32>,
      tpu.vector_store %arg9[%swap3A_98, %swap3A_99], %broadcast_in_dim3A_10 {strides = array<i32>} : memref<51x512xf32, #tpu.memory_space<vmem>>, vector<16xf32>,
      %mul3A_101 = arith.constant 16 : i32
      %mul3A_102 = arith.muli %scan3A_35, %mul3A_101 : i32
      %swap3A_103 = arith.constant 11 : i32
      %swap3A_104 = arith.index_cast %swap3A_103 : i32 to index
      %swap3A_105 = arith.index_cast %mul3A_102 : i32 to index
      %swap3A_106 = tpu.vector_load %arg9[%swap3A_104, %swap3A_105] {strides = array<i32>} : memref<51x512xf32, #tpu.memory_space<vmem>>, vector<16xf32>,
      tpu.vector_store %arg9[%swap3A_104, %swap3A_105], %broadcast_in_dim3A_10 {strides = array<i32>} : memref<51x512xf32, #tpu.memory_space<vmem>>, vector<16xf32>,
      %mul3A_107 = arith.constant 16 : i32
      %mul3A_108 = arith.muli %scan3A_35, %mul3A_107 : i32
      %swap3A_109 = arith.constant 12 : i32
      %swap3A_110 = arith.index_cast %swap3A_109 : i32 to index
      %swap3A_111 = arith.index_cast %mul3A_108 : i32 to index
      %swap3A_112 = tpu.vector_load %arg9[%swap3A_110, %swap3A_111] {strides = array<i32>} : memref<51x512xf32, #tpu.memory_space<vmem>>, vector<16xf32>,
      tpu.vector_store %arg9[%swap3A_110, %swap3A_111], %broadcast_in_dim3A_10 {strides = array<i32>} : memref<51x512xf32, #tpu.memory_space<vmem>>, vector<16xf32>,
      %mul3A_113 = arith.constant 16 : i32
      %mul3A_114 = arith.muli %scan3A_35, %mul3A_113 : i32
      %swap3A_115 = arith.constant 13 : i32
      %swap3A_116 = arith.index_cast %swap3A_115 : i32 to index
      %swap3A_117 = arith.index_cast %mul3A_114 : i32 to index
      %swap3A_118 = tpu.vector_load %arg9[%swap3A_116, %swap3A_117] {strides = array<i32>} : memref<51x512xf32, #tpu.memory_space<vmem>>, vector<16xf32>,
      tpu.vector_store %arg9[%swap3A_116, %swap3A_117], %broadcast_in_dim3A_10 {strides = array<i32>} : memref<51x512xf32, #tpu.memory_space<vmem>>, vector<16xf32>,
      %mul3A_119 = arith.constant 16 : i32
      %mul3A_120 = arith.muli %scan3A_35, %mul3A_119 : i32
      %swap3A_121 = arith.constant 14 : i32
      %swap3A_122 = arith.index_cast %swap3A_121 : i32 to index
      %swap3A_123 = arith.index_cast %mul3A_120 : i32 to index
      %swap3A_124 = tpu.vector_load %arg9[%swap3A_122, %swap3A_123] {strides = array<i32>} : memref<51x512xf32, #tpu.memory_space<vmem>>, vector<16xf32>,
      tpu.vector_store %arg9[%swap3A_122, %swap3A_123], %broadcast_in_dim3A_10 {strides = array<i32>} : memref<51x512xf32, #tpu.memory_space<vmem>>, vector<16xf32>,
      %mul3A_125 = arith.constant 16 : i32
      %mul3A_126 = arith.muli %scan3A_35, %mul3A_125 : i32
      %swap3A_127 = arith.constant 15 : i32
      %swap3A_128 = arith.index_cast %swap3A_127 : i32 to index
      %swap3A_129 = arith.index_cast %mul3A_126 : i32 to index
      %swap3A_130 = tpu.vector_load %arg9[%swap3A_128, %swap3A_129] {strides = array<i32>} : memref<51x512xf32, #tpu.memory_space<vmem>>, vector<16xf32>,
      tpu.vector_store %arg9[%swap3A_128, %swap3A_129], %broadcast_in_dim3A_10 {strides = array<i32>} : memref<51x512xf32, #tpu.memory_space<vmem>>, vector<16xf32>,
      %mul3A_131 = arith.constant 16 : i32
      %mul3A_132 = arith.muli %scan3A_35, %mul3A_131 : i32
      %swap3A_133 = arith.constant 16 : i32
      %swap3A_134 = arith.index_cast %swap3A_133 : i32 to index
      %swap3A_135 = arith.index_cast %mul3A_132 : i32 to index
      %swap3A_136 = tpu.vector_load %arg9[%swap3A_134, %swap3A_135] {strides = array<i32>} : memref<51x512xf32, #tpu.memory_space<vmem>>, vector<16xf32>,
      tpu.vector_store %arg9[%swap3A_134, %swap3A_135], %broadcast_in_dim3A_10 {strides = array<i32>} : memref<51x512xf32, #tpu.memory_space<vmem>>, vector<16xf32>,
      %mul3A_137 = arith.constant 16 : i32
      %mul3A_138 = arith.muli %scan3A_35, %mul3A_137 : i32
      %swap3A_139 = arith.constant 17 : i32
      %swap3A_140 = arith.index_cast %swap3A_139 : i32 to index
      %swap3A_141 = arith.index_cast %mul3A_138 : i32 to index
      %swap3A_142 = tpu.vector_load %arg9[%swap3A_140, %swap3A_141] {strides = array<i32>} : memref<51x512xf32, #tpu.memory_space<vmem>>, vector<16xf32>,
      tpu.vector_store %arg9[%swap3A_140, %swap3A_141], %broadcast_in_dim3A_10 {strides = array<i32>} : memref<51x512xf32, #tpu.memory_space<vmem>>, vector<16xf32>,
      %mul3A_143 = arith.constant 16 : i32
      %mul3A_144 = arith.muli %scan3A_35, %mul3A_143 : i32
      %swap3A_145 = arith.constant 18 : i32
      %swap3A_146 = arith.index_cast %swap3A_145 : i32 to index
      %swap3A_147 = arith.index_cast %mul3A_144 : i32 to index
      %swap3A_148 = tpu.vector_load %arg9[%swap3A_146, %swap3A_147] {strides = array<i32>} : memref<51x512xf32, #tpu.memory_space<vmem>>, vector<16xf32>,
      tpu.vector_store %arg9[%swap3A_146, %swap3A_147], %broadcast_in_dim3A_10 {strides = array<i32>} : memref<51x512xf32, #tpu.memory_space<vmem>>, vector<16xf32>,
      %mul3A_149 = arith.constant 16 : i32
      %mul3A_150 = arith.muli %scan3A_35, %mul3A_149 : i32
      %swap3A_151 = arith.constant 19 : i32
      %swap3A_152 = arith.index_cast %swap3A_151 : i32 to index
      %swap3A_153 = arith.index_cast %mul3A_150 : i32 to index
      %swap3A_154 = tpu.vector_load %arg9[%swap3A_152, %swap3A_153] {strides = array<i32>} : memref<51x512xf32, #tpu.memory_space<vmem>>, vector<16xf32>,
      tpu.vector_store %arg9[%swap3A_152, %swap3A_153], %broadcast_in_dim3A_10 {strides = array<i32>} : memref<51x512xf32, #tpu.memory_space<vmem>>, vector<16xf32>,
      %mul3A_155 = arith.constant 16 : i32
      %mul3A_156 = arith.muli %scan3A_35, %mul3A_155 : i32
      %swap3A_157 = arith.constant 20 : i32
      %swap3A_158 = arith.index_cast %swap3A_157 : i32 to index
      %swap3A_159 = arith.index_cast %mul3A_156 : i32 to index
      %swap3A_160 = tpu.vector_load %arg9[%swap3A_158, %swap3A_159] {strides = array<i32>} : memref<51x512xf32, #tpu.memory_space<vmem>>, vector<16xf32>,
      tpu.vector_store %arg9[%swap3A_158, %swap3A_159], %broadcast_in_dim3A_10 {strides = array<i32>} : memref<51x512xf32, #tpu.memory_space<vmem>>, vector<16xf32>,
      %mul3A_161 = arith.constant 16 : i32
      %mul3A_162 = arith.muli %scan3A_35, %mul3A_161 : i32
      %swap3A_163 = arith.constant 21 : i32
      %swap3A_164 = arith.index_cast %swap3A_163 : i32 to index
      %swap3A_165 = arith.index_cast %mul3A_162 : i32 to index
      %swap3A_166 = tpu.vector_load %arg9[%swap3A_164, %swap3A_165] {strides = array<i32>} : memref<51x512xf32, #tpu.memory_space<vmem>>, vector<16xf32>,
      tpu.vector_store %arg9[%swap3A_164, %swap3A_165], %broadcast_in_dim3A_10 {strides = array<i32>} : memref<51x512xf32, #tpu.memory_space<vmem>>, vector<16xf32>,
      %mul3A_167 = arith.constant 16 : i32
      %mul3A_168 = arith.muli %scan3A_35, %mul3A_167 : i32
      %swap3A_169 = arith.constant 22 : i32
      %swap3A_170 = arith.index_cast %swap3A_169 : i32 to index
      %swap3A_171 = arith.index_cast %mul3A_168 : i32 to index
      %swap3A_172 = tpu.vector_load %arg9[%swap3A_170, %swap3A_171] {strides = array<i32>} : memref<51x512xf32, #tpu.memory_space<vmem>>, vector<16xf32>,
      tpu.vector_store %arg9[%swap3A_170, %swap3A_171], %broadcast_in_dim3A_10 {strides = array<i32>} : memref<51x512xf32, #tpu.memory_space<vmem>>, vector<16xf32>,
      %mul3A_173 = arith.constant 16 : i32
      %mul3A_174 = arith.muli %scan3A_35, %mul3A_173 : i32
      %swap3A_175 = arith.constant 23 : i32
      %swap3A_176 = arith.index_cast %swap3A_175 : i32 to index
      %swap3A_177 = arith.index_cast %mul3A_174 : i32 to index
      %swap3A_178 = tpu.vector_load %arg9[%swap3A_176, %swap3A_177] {strides = array<i32>} : memref<51x512xf32, #tpu.memory_space<vmem>>, vector<16xf32>,
      tpu.vector_store %arg9[%swap3A_176, %swap3A_177], %broadcast_in_dim3A_10 {strides = array<i32>} : memref<51x512xf32, #tpu.memory_space<vmem>>, vector<16xf32>,
      %mul3A_179 = arith.constant 16 : i32
      %mul3A_180 = arith.muli %scan3A_35, %mul3A_179 : i32
      %swap3A_181 = arith.constant 24 : i32
      %swap3A_182 = arith.index_cast %swap3A_181 : i32 to index
      %swap3A_183 = arith.index_cast %mul3A_180 : i32 to index
      %swap3A_184 = tpu.vector_load %arg9[%swap3A_182, %swap3A_183] {strides = array<i32>} : memref<51x512xf32, #tpu.memory_space<vmem>>, vector<16xf32>,
      tpu.vector_store %arg9[%swap3A_182, %swap3A_183], %broadcast_in_dim3A_10 {strides = array<i32>} : memref<51x512xf32, #tpu.memory_space<vmem>>, vector<16xf32>,
      %mul3A_185 = arith.constant 16 : i32
      %mul3A_186 = arith.muli %scan3A_35, %mul3A_185 : i32
      %swap3A_187 = arith.constant 25 : i32
      %swap3A_188 = arith.index_cast %swap3A_187 : i32 to index
      %swap3A_189 = arith.index_cast %mul3A_186 : i32 to index
      %swap3A_190 = tpu.vector_load %arg9[%swap3A_188, %swap3A_189] {strides = array<i32>} : memref<51x512xf32, #tpu.memory_space<vmem>>, vector<16xf32>,
      tpu.vector_store %arg9[%swap3A_188, %swap3A_189], %broadcast_in_dim3A_10 {strides = array<i32>} : memref<51x512xf32, #tpu.memory_space<vmem>>, vector<16xf32>,
      %mul3A_191 = arith.constant 16 : i32
      %mul3A_192 = arith.muli %scan3A_35, %mul3A_191 : i32
      %swap3A_193 = arith.constant 26 : i32
      %swap3A_194 = arith.index_cast %swap3A_193 : i32 to index
      %swap3A_195 = arith.index_cast %mul3A_192 : i32 to index
      %swap3A_196 = tpu.vector_load %arg9[%swap3A_194, %swap3A_195] {strides = array<i32>} : memref<51x512xf32, #tpu.memory_space<vmem>>, vector<16xf32>,
      tpu.vector_store %arg9[%swap3A_194, %swap3A_195], %broadcast_in_dim3A_10 {strides = array<i32>} : memref<51x512xf32, #tpu.memory_space<vmem>>, vector<16xf32>,
      %mul3A_197 = arith.constant 16 : i32
      %mul3A_198 = arith.muli %scan3A_35, %mul3A_197 : i32
      %swap3A_199 = arith.constant 27 : i32
      %swap3A_200 = arith.index_cast %swap3A_199 : i32 to index
      %swap3A_201 = arith.index_cast %mul3A_198 : i32 to index
      %swap3A_202 = tpu.vector_load %arg9[%swap3A_200, %swap3A_201] {strides = array<i32>} : memref<51x512xf32, #tpu.memory_space<vmem>>, vector<16xf32>,
      tpu.vector_store %arg9[%swap3A_200, %swap3A_201], %broadcast_in_dim3A_10 {strides = array<i32>} : memref<51x512xf32, #tpu.memory_space<vmem>>, vector<16xf32>,
      %mul3A_203 = arith.constant 16 : i32
      %mul3A_204 = arith.muli %scan3A_35, %mul3A_203 : i32
      %swap3A_205 = arith.constant 28 : i32
      %swap3A_206 = arith.index_cast %swap3A_205 : i32 to index
      %swap3A_207 = arith.index_cast %mul3A_204 : i32 to index
      %swap3A_208 = tpu.vector_load %arg9[%swap3A_206, %swap3A_207] {strides = array<i32>} : memref<51x512xf32, #tpu.memory_space<vmem>>, vector<16xf32>,
      tpu.vector_store %arg9[%swap3A_206, %swap3A_207], %broadcast_in_dim3A_10 {strides = array<i32>} : memref<51x512xf32, #tpu.memory_space<vmem>>, vector<16xf32>,
      %mul3A_209 = arith.constant 16 : i32
      %mul3A_210 = arith.muli %scan3A_35, %mul3A_209 : i32
      %swap3A_211 = arith.constant 29 : i32
      %swap3A_212 = arith.index_cast %swap3A_211 : i32 to index
      %swap3A_213 = arith.index_cast %mul3A_210 : i32 to index
      %swap3A_214 = tpu.vector_load %arg9[%swap3A_212, %swap3A_213] {strides = array<i32>} : memref<51x512xf32, #tpu.memory_space<vmem>>, vector<16xf32>,
      tpu.vector_store %arg9[%swap3A_212, %swap3A_213], %broadcast_in_dim3A_10 {strides = array<i32>} : memref<51x512xf32, #tpu.memory_space<vmem>>, vector<16xf32>,
      %mul3A_215 = arith.constant 16 : i32
      %mul3A_216 = arith.muli %scan3A_35, %mul3A_215 : i32
      %swap3A_217 = arith.constant 30 : i32
      %swap3A_218 = arith.index_cast %swap3A_217 : i32 to index
      %swap3A_219 = arith.index_cast %mul3A_216 : i32 to index
      %swap3A_220 = tpu.vector_load %arg9[%swap3A_218, %swap3A_219] {strides = array<i32>} : memref<51x512xf32, #tpu.memory_space<vmem>>, vector<16xf32>,
      tpu.vector_store %arg9[%swap3A_218, %swap3A_219], %broadcast_in_dim3A_10 {strides = array<i32>} : memref<51x512xf32, #tpu.memory_space<vmem>>, vector<16xf32>,
      %mul3A_221 = arith.constant 16 : i32
      %mul3A_222 = arith.muli %scan3A_35, %mul3A_221 : i32
      %swap3A_223 = arith.constant 31 : i32
      %swap3A_224 = arith.index_cast %swap3A_223 : i32 to index
      %swap3A_225 = arith.index_cast %mul3A_222 : i32 to index
      %swap3A_226 = tpu.vector_load %arg9[%swap3A_224, %swap3A_225] {strides = array<i32>} : memref<51x512xf32, #tpu.memory_space<vmem>>, vector<16xf32>,
      tpu.vector_store %arg9[%swap3A_224, %swap3A_225], %broadcast_in_dim3A_10 {strides = array<i32>} : memref<51x512xf32, #tpu.memory_space<vmem>>, vector<16xf32>,
      %mul3A_227 = arith.constant 16 : i32
      %mul3A_228 = arith.muli %scan3A_35, %mul3A_227 : i32
      %swap3A_229 = arith.constant 32 : i32
      %swap3A_230 = arith.index_cast %swap3A_229 : i32 to index
      %swap3A_231 = arith.index_cast %mul3A_228 : i32 to index
      %swap3A_232 = tpu.vector_load %arg9[%swap3A_230, %swap3A_231] {strides = array<i32>} : memref<51x512xf32, #tpu.memory_space<vmem>>, vector<16xf32>,
      tpu.vector_store %arg9[%swap3A_230, %swap3A_231], %broadcast_in_dim3A_10 {strides = array<i32>} : memref<51x512xf32, #tpu.memory_space<vmem>>, vector<16xf32>,
      %mul3A_233 = arith.constant 16 : i32
      %mul3A_234 = arith.muli %scan3A_35, %mul3A_233 : i32
      %swap3A_235 = arith.constant 33 : i32
      %swap3A_236 = arith.index_cast %swap3A_235 : i32 to index
      %swap3A_237 = arith.index_cast %mul3A_234 : i32 to index
      %swap3A_238 = tpu.vector_load %arg9[%swap3A_236, %swap3A_237] {strides = array<i32>} : memref<51x512xf32, #tpu.memory_space<vmem>>, vector<16xf32>,
      tpu.vector_store %arg9[%swap3A_236, %swap3A_237], %broadcast_in_dim3A_10 {strides = array<i32>} : memref<51x512xf32, #tpu.memory_space<vmem>>, vector<16xf32>,
      %mul3A_239 = arith.constant 16 : i32
      %mul3A_240 = arith.muli %scan3A_35, %mul3A_239 : i32
      %swap3A_241 = arith.constant 34 : i32
      %swap3A_242 = arith.index_cast %swap3A_241 : i32 to index
      %swap3A_243 = arith.index_cast %mul3A_240 : i32 to index
      %swap3A_244 = tpu.vector_load %arg9[%swap3A_242, %swap3A_243] {strides = array<i32>} : memref<51x512xf32, #tpu.memory_space<vmem>>, vector<16xf32>,
      tpu.vector_store %arg9[%swap3A_242, %swap3A_243], %broadcast_in_dim3A_10 {strides = array<i32>} : memref<51x512xf32, #tpu.memory_space<vmem>>, vector<16xf32>,
      %mul3A_245 = arith.constant 16 : i32
      %mul3A_246 = arith.muli %scan3A_35, %mul3A_245 : i32
      %swap3A_247 = arith.constant 35 : i32
      %swap3A_248 = arith.index_cast %swap3A_247 : i32 to index
      %swap3A_249 = arith.index_cast %mul3A_246 : i32 to index
      %swap3A_250 = tpu.vector_load %arg9[%swap3A_248, %swap3A_249] {strides = array<i32>} : memref<51x512xf32, #tpu.memory_space<vmem>>, vector<16xf32>,
      tpu.vector_store %arg9[%swap3A_248, %swap3A_249], %broadcast_in_dim3A_10 {strides = array<i32>} : memref<51x512xf32, #tpu.memory_space<vmem>>, vector<16xf32>,
      %mul3A_251 = arith.constant 16 : i32
      %mul3A_252 = arith.muli %scan3A_35, %mul3A_251 : i32
      %swap3A_253 = arith.constant 36 : i32
      %swap3A_254 = arith.index_cast %swap3A_253 : i32 to index
      %swap3A_255 = arith.index_cast %mul3A_252 : i32 to index
      %swap3A_256 = tpu.vector_load %arg9[%swap3A_254, %swap3A_255] {strides = array<i32>} : memref<51x512xf32, #tpu.memory_space<vmem>>, vector<16xf32>,
      tpu.vector_store %arg9[%swap3A_254, %swap3A_255], %broadcast_in_dim3A_10 {strides = array<i32>} : memref<51x512xf32, #tpu.memory_space<vmem>>, vector<16xf32>,
      %mul3A_257 = arith.constant 16 : i32
      %mul3A_258 = arith.muli %scan3A_35, %mul3A_257 : i32
      %swap3A_259 = arith.constant 37 : i32
      %swap3A_260 = arith.index_cast %swap3A_259 : i32 to index
      %swap3A_261 = arith.index_cast %mul3A_258 : i32 to index
      %swap3A_262 = tpu.vector_load %arg9[%swap3A_260, %swap3A_261] {strides = array<i32>} : memref<51x512xf32, #tpu.memory_space<vmem>>, vector<16xf32>,
      tpu.vector_store %arg9[%swap3A_260, %swap3A_261], %broadcast_in_dim3A_10 {strides = array<i32>} : memref<51x512xf32, #tpu.memory_space<vmem>>, vector<16xf32>,
      %mul3A_263 = arith.constant 16 : i32
      %mul3A_264 = arith.muli %scan3A_35, %mul3A_263 : i32
      %swap3A_265 = arith.constant 38 : i32
      %swap3A_266 = arith.index_cast %swap3A_265 : i32 to index
      %swap3A_267 = arith.index_cast %mul3A_264 : i32 to index
      %swap3A_268 = tpu.vector_load %arg9[%swap3A_266, %swap3A_267] {strides = array<i32>} : memref<51x512xf32, #tpu.memory_space<vmem>>, vector<16xf32>,
      tpu.vector_store %arg9[%swap3A_266, %swap3A_267], %broadcast_in_dim3A_10 {strides = array<i32>} : memref<51x512xf32, #tpu.memory_space<vmem>>, vector<16xf32>,
      %mul3A_269 = arith.constant 16 : i32
      %mul3A_270 = arith.muli %scan3A_35, %mul3A_269 : i32
      %swap3A_271 = arith.constant 39 : i32
      %swap3A_272 = arith.index_cast %swap3A_271 : i32 to index
      %swap3A_273 = arith.index_cast %mul3A_270 : i32 to index
      %swap3A_274 = tpu.vector_load %arg9[%swap3A_272, %swap3A_273] {strides = array<i32>} : memref<51x512xf32, #tpu.memory_space<vmem>>, vector<16xf32>,
      tpu.vector_store %arg9[%swap3A_272, %swap3A_273], %broadcast_in_dim3A_10 {strides = array<i32>} : memref<51x512xf32, #tpu.memory_space<vmem>>, vector<16xf32>,
      %mul3A_275 = arith.constant 16 : i32
      %mul3A_276 = arith.muli %scan3A_35, %mul3A_275 : i32
      %swap3A_277 = arith.constant 40 : i32
      %swap3A_278 = arith.index_cast %swap3A_277 : i32 to index
      %swap3A_279 = arith.index_cast %mul3A_276 : i32 to index
      %swap3A_280 = tpu.vector_load %arg9[%swap3A_278, %swap3A_279] {strides = array<i32>} : memref<51x512xf32, #tpu.memory_space<vmem>>, vector<16xf32>,
      tpu.vector_store %arg9[%swap3A_278, %swap3A_279], %broadcast_in_dim3A_10 {strides = array<i32>} : memref<51x512xf32, #tpu.memory_space<vmem>>, vector<16xf32>,
      %mul3A_281 = arith.constant 16 : i32
      %mul3A_282 = arith.muli %scan3A_35, %mul3A_281 : i32
      %swap3A_283 = arith.constant 41 : i32
      %swap3A_284 = arith.index_cast %swap3A_283 : i32 to index
      %swap3A_285 = arith.index_cast %mul3A_282 : i32 to index
      %swap3A_286 = tpu.vector_load %arg9[%swap3A_284, %swap3A_285] {strides = array<i32>} : memref<51x512xf32, #tpu.memory_space<vmem>>, vector<16xf32>,
      tpu.vector_store %arg9[%swap3A_284, %swap3A_285], %broadcast_in_dim3A_10 {strides = array<i32>} : memref<51x512xf32, #tpu.memory_space<vmem>>, vector<16xf32>,
      %mul3A_287 = arith.constant 16 : i32
      %mul3A_288 = arith.muli %scan3A_35, %mul3A_287 : i32
      %swap3A_289 = arith.constant 42 : i32
      %swap3A_290 = arith.index_cast %swap3A_289 : i32 to index
      %swap3A_291 = arith.index_cast %mul3A_288 : i32 to index
      %swap3A_292 = tpu.vector_load %arg9[%swap3A_290, %swap3A_291] {strides = array<i32>} : memref<51x512xf32, #tpu.memory_space<vmem>>, vector<16xf32>,
      tpu.vector_store %arg9[%swap3A_290, %swap3A_291], %broadcast_in_dim3A_10 {strides = array<i32>} : memref<51x512xf32, #tpu.memory_space<vmem>>, vector<16xf32>,
      %mul3A_293 = arith.constant 16 : i32
      %mul3A_294 = arith.muli %scan3A_35, %mul3A_293 : i32
      %swap3A_295 = arith.constant 43 : i32
      %swap3A_296 = arith.index_cast %swap3A_295 : i32 to index
      %swap3A_297 = arith.index_cast %mul3A_294 : i32 to index
      %swap3A_298 = tpu.vector_load %arg9[%swap3A_296, %swap3A_297] {strides = array<i32>} : memref<51x512xf32, #tpu.memory_space<vmem>>, vector<16xf32>,
      tpu.vector_store %arg9[%swap3A_296, %swap3A_297], %broadcast_in_dim3A_10 {strides = array<i32>} : memref<51x512xf32, #tpu.memory_space<vmem>>, vector<16xf32>,
      %mul3A_299 = arith.constant 16 : i32
      %mul3A_300 = arith.muli %scan3A_35, %mul3A_299 : i32
      %swap3A_301 = arith.constant 44 : i32
      %swap3A_302 = arith.index_cast %swap3A_301 : i32 to index
      %swap3A_303 = arith.index_cast %mul3A_300 : i32 to index
      %swap3A_304 = tpu.vector_load %arg9[%swap3A_302, %swap3A_303] {strides = array<i32>} : memref<51x512xf32, #tpu.memory_space<vmem>>, vector<16xf32>,
      tpu.vector_store %arg9[%swap3A_302, %swap3A_303], %broadcast_in_dim3A_10 {strides = array<i32>} : memref<51x512xf32, #tpu.memory_space<vmem>>, vector<16xf32>,
      %mul3A_305 = arith.constant 16 : i32
      %mul3A_306 = arith.muli %scan3A_35, %mul3A_305 : i32
      %swap3A_307 = arith.constant 45 : i32
      %swap3A_308 = arith.index_cast %swap3A_307 : i32 to index
      %swap3A_309 = arith.index_cast %mul3A_306 : i32 to index
      %swap3A_310 = tpu.vector_load %arg9[%swap3A_308, %swap3A_309] {strides = array<i32>} : memref<51x512xf32, #tpu.memory_space<vmem>>, vector<16xf32>,
      tpu.vector_store %arg9[%swap3A_308, %swap3A_309], %broadcast_in_dim3A_10 {strides = array<i32>} : memref<51x512xf32, #tpu.memory_space<vmem>>, vector<16xf32>,
      %mul3A_311 = arith.constant 16 : i32
      %mul3A_312 = arith.muli %scan3A_35, %mul3A_311 : i32
      %swap3A_313 = arith.constant 46 : i32
      %swap3A_314 = arith.index_cast %swap3A_313 : i32 to index
      %swap3A_315 = arith.index_cast %mul3A_312 : i32 to index
      %swap3A_316 = tpu.vector_load %arg9[%swap3A_314, %swap3A_315] {strides = array<i32>} : memref<51x512xf32, #tpu.memory_space<vmem>>, vector<16xf32>,
      tpu.vector_store %arg9[%swap3A_314, %swap3A_315], %broadcast_in_dim3A_10 {strides = array<i32>} : memref<51x512xf32, #tpu.memory_space<vmem>>, vector<16xf32>,
      %mul3A_317 = arith.constant 16 : i32
      %mul3A_318 = arith.muli %scan3A_35, %mul3A_317 : i32
      %swap3A_319 = arith.constant 47 : i32
      %swap3A_320 = arith.index_cast %swap3A_319 : i32 to index
      %swap3A_321 = arith.index_cast %mul3A_318 : i32 to index
      %swap3A_322 = tpu.vector_load %arg9[%swap3A_320, %swap3A_321] {strides = array<i32>} : memref<51x512xf32, #tpu.memory_space<vmem>>, vector<16xf32>,
      tpu.vector_store %arg9[%swap3A_320, %swap3A_321], %broadcast_in_dim3A_10 {strides = array<i32>} : memref<51x512xf32, #tpu.memory_space<vmem>>, vector<16xf32>,
      %mul3A_323 = arith.constant 16 : i32
      %mul3A_324 = arith.muli %scan3A_35, %mul3A_323 : i32
      %swap3A_325 = arith.constant 48 : i32
      %swap3A_326 = arith.index_cast %swap3A_325 : i32 to index
      %swap3A_327 = arith.index_cast %mul3A_324 : i32 to index
      %swap3A_328 = tpu.vector_load %arg9[%swap3A_326, %swap3A_327] {strides = array<i32>} : memref<51x512xf32, #tpu.memory_space<vmem>>, vector<16xf32>,
      tpu.vector_store %arg9[%swap3A_326, %swap3A_327], %broadcast_in_dim3A_10 {strides = array<i32>} : memref<51x512xf32, #tpu.memory_space<vmem>>, vector<16xf32>,
      %mul3A_329 = arith.constant 16 : i32
      %mul3A_330 = arith.muli %scan3A_35, %mul3A_329 : i32
      %swap3A_331 = arith.constant 49 : i32
      %swap3A_332 = arith.index_cast %swap3A_331 : i32 to index
      %swap3A_333 = arith.index_cast %mul3A_330 : i32 to index
      %swap3A_334 = tpu.vector_load %arg9[%swap3A_332, %swap3A_333] {strides = array<i32>} : memref<51x512xf32, #tpu.memory_space<vmem>>, vector<16xf32>,
      tpu.vector_store %arg9[%swap3A_332, %swap3A_333], %broadcast_in_dim3A_10 {strides = array<i32>} : memref<51x512xf32, #tpu.memory_space<vmem>>, vector<16xf32>,
      %mul3A_335 = arith.constant 16 : i32
      %mul3A_336 = arith.muli %scan3A_35, %mul3A_335 : i32
      %swap3A_337 = arith.constant 50 : i32
      %swap3A_338 = arith.index_cast %swap3A_337 : i32 to index
      %swap3A_339 = arith.index_cast %mul3A_336 : i32 to index
      %swap3A_340 = tpu.vector_load %arg9[%swap3A_338, %swap3A_339] {strides = array<i32>} : memref<51x512xf32, #tpu.memory_space<vmem>>, vector<16xf32>,
      tpu.vector_store %arg9[%swap3A_338, %swap3A_339], %broadcast_in_dim3A_10 {strides = array<i32>} : memref<51x512xf32, #tpu.memory_space<vmem>>, vector<16xf32>,
    }
    %scan3A_15 = arith.constant 32 : i32
    %dma_wait3A = arith.constant 0 : i32
    %dma_wait3A_16 = tpu.memref_slice %arg2[%dma_wait3A, %mul3A_6] : memref<51x16384xf32, #tpu.memory_space<hbm>> -> memref<51x512xf32, #tpu.memory_space<hbm>>
    %dma_wait3A_17 = arith.constant 0 : i32
    %dma_wait3A_18 = tpu.memref_slice %arg2[%dma_wait3A_17, %mul3A_6] : memref<51x16384xf32, #tpu.memory_space<hbm>> -> memref<51x512xf32, #tpu.memory_space<hbm>>
    tpu.wait_dma2 semaphore(%arg10 : memref<!tpu.dma_semaphore, #tpu.memory_space<semaphore_mem>>) src(%dma_wait3A_18 : memref<51x512xf32, #tpu.memory_space<hbm>>) dst(%arg6 : memref<51x512xf32, #tpu.memory_space<vmem>>)
    %scan3A_19 = arith.constant 0 : i32
    %scan3A_20 = arith.constant 0 : i32
    %scan3A_21 = arith.constant 32 : i32
    %scan3A_22 = arith.addi %scan3A_20, %scan3A_21 : i32
    %scan3A_23 = arith.constant 1 : i32
    scf.for %scan3A_35 = %scan3A_20 to %scan3A_22 step %scan3A_23  : i32 {
      %mul3A_36 = arith.constant 16 : i32
      %mul3A_37 = arith.muli %scan3A_35, %mul3A_36 : i32
      %get3A = arith.index_cast %mul3A_37 : i32 to index
      %get3A_38 = tpu.vector_load %arg7[%get3A] {strides = array<i32>} : memref<512xf32, #tpu.memory_space<vmem>>, vector<16xf32>,
      %get3A_39 = arith.index_cast %mul3A_37 : i32 to index
      %get3A_40 = tpu.vector_load %arg8[%get3A_39] {strides = array<i32>} : memref<512xf32, #tpu.memory_space<vmem>>, vector<16xf32>,
      %mul3A_41 = arith.constant 9.900000e-01 : f32
      %mul3A_42 = vector.broadcast %mul3A_41 : f32 to vector<16xf32>
      %mul3A_43 = arith.mulf %get3A_40, %mul3A_42 : vector<16xf32>
      %add3A_44 = vector.broadcast %mul3A_37 : i32 to vector<16xi32>
      %add3A_45 = arith.addi %add3A_44, %iota3A : vector<16xi32>
      %get3A_46 = arith.constant 0 : i32
      %get3A_47 = arith.index_cast %get3A_46 : i32 to index
      %get3A_48 = arith.index_cast %mul3A_37 : i32 to index
      %get3A_49 = tpu.vector_load %arg6[%get3A_47, %get3A_48] {strides = array<i32>} : memref<51x512xf32, #tpu.memory_space<vmem>>, vector<16xf32>,
      %mul3A_50 = arith.constant -1.000000e+01 : f32
      %mul3A_51 = vector.broadcast %mul3A_50 : f32 to vector<16xf32>
      %mul3A_52 = arith.mulf %mul3A_43, %mul3A_51 : vector<16xf32>
      %add3A_53 = arith.addf %get3A_38, %mul3A_52 : vector<16xf32>
      %max3A = arith.constant -1.000000e+01 : f32
      %max3A_54 = vector.broadcast %max3A : f32 to vector<16xf32>
      %max3A_55 = arith.maximumf %add3A_53, %max3A_54 : vector<16xf32>
      %min3A = arith.constant 1.000000e+01 : f32
      %min3A_56 = vector.broadcast %min3A : f32 to vector<16xf32>
      %min3A_57 = arith.minimumf %max3A_55, %min3A_56 : vector<16xf32>
      %sub3A = arith.constant -1.000000e+01 : f32
      %sub3A_58 = vector.broadcast %sub3A : f32 to vector<16xf32>
      %sub3A_59 = arith.subf %min3A_57, %sub3A_58 : vector<16xf32>
      %div3A = arith.constant 4.000000e-01 : f32
      %div3A_60 = vector.broadcast %div3A : f32 to vector<16xf32>
      %div3A_61 = arith.divf %sub3A_59, %div3A_60 : vector<16xf32>
      %convert_element_type3A = arith.fptosi %div3A_61 : vector<16xf32> to vector<16xi32>
      %convert_element_type3A_62 = arith.sitofp %convert_element_type3A : vector<16xi32> to vector<16xf32>
      %gt3A = arith.cmpf ogt, %div3A_61, %convert_element_type3A_62 : vector<16xf32>
      %add3A_63 = arith.constant 1 : i32
      %add3A_64 = vector.broadcast %add3A_63 : i32 to vector<16xi32>
      %add3A_65 = arith.addi %convert_element_type3A, %add3A_64 : vector<16xi32>
      %select_n3A = arith.select %gt3A, %add3A_65, %convert_element_type3A : vector<16xi1>, vector<16xi32>
      %convert_element_type3A_66 = arith.sitofp %select_n3A : vector<16xi32> to vector<16xf32>
      %sub3A_67 = arith.subf %convert_element_type3A_66, %div3A_61 : vector<16xf32>
      %mul3A_68 = arith.mulf %get3A_49, %sub3A_67 : vector<16xf32>
      tpu.vector_store_idx %arg9[%convert_element_type3A, %add3A_45], %mul3A_68 {add = true} : memref<51x512xf32, #tpu.memory_space<vmem>>[vector<16xi32>, vector<16xi32>], vector<16xf32>,
      %sub3A_69 = arith.subf %div3A_61, %convert_element_type3A_62 : vector<16xf32>
      %mul3A_70 = arith.mulf %get3A_49, %sub3A_69 : vector<16xf32>
      tpu.vector_store_idx %arg9[%select_n3A, %add3A_45], %mul3A_70 {add = true} : memref<51x512xf32, #tpu.memory_space<vmem>>[vector<16xi32>, vector<16xi32>], vector<16xf32>,
      %get3A_71 = arith.constant 1 : i32
      %get3A_72 = arith.index_cast %get3A_71 : i32 to index
      %get3A_73 = arith.index_cast %mul3A_37 : i32 to index
      %get3A_74 = tpu.vector_load %arg6[%get3A_72, %get3A_73] {strides = array<i32>} : memref<51x512xf32, #tpu.memory_space<vmem>>, vector<16xf32>,
      %mul3A_75 = arith.constant -9.600000e+00 : f32
      %mul3A_76 = vector.broadcast %mul3A_75 : f32 to vector<16xf32>
      %mul3A_77 = arith.mulf %mul3A_43, %mul3A_76 : vector<16xf32>
      %add3A_78 = arith.addf %get3A_38, %mul3A_77 : vector<16xf32>
      %max3A_79 = arith.constant -1.000000e+01 : f32
      %max3A_80 = vector.broadcast %max3A_79 : f32 to vector<16xf32>
      %max3A_81 = arith.maximumf %add3A_78, %max3A_80 : vector<16xf32>
      %min3A_82 = arith.constant 1.000000e+01 : f32
      %min3A_83 = vector.broadcast %min3A_82 : f32 to vector<16xf32>
      %min3A_84 = arith.minimumf %max3A_81, %min3A_83 : vector<16xf32>
      %sub3A_85 = arith.constant -1.000000e+01 : f32
      %sub3A_86 = vector.broadcast %sub3A_85 : f32 to vector<16xf32>
      %sub3A_87 = arith.subf %min3A_84, %sub3A_86 : vector<16xf32>
      %div3A_88 = arith.constant 4.000000e-01 : f32
      %div3A_89 = vector.broadcast %div3A_88 : f32 to vector<16xf32>
      %div3A_90 = arith.divf %sub3A_87, %div3A_89 : vector<16xf32>
      %convert_element_type3A_91 = arith.fptosi %div3A_90 : vector<16xf32> to vector<16xi32>
      %convert_element_type3A_92 = arith.sitofp %convert_element_type3A_91 : vector<16xi32> to vector<16xf32>
      %gt3A_93 = arith.cmpf ogt, %div3A_90, %convert_element_type3A_92 : vector<16xf32>
      %add3A_94 = arith.constant 1 : i32
      %add3A_95 = vector.broadcast %add3A_94 : i32 to vector<16xi32>
      %add3A_96 = arith.addi %convert_element_type3A_91, %add3A_95 : vector<16xi32>
      %select_n3A_97 = arith.select %gt3A_93, %add3A_96, %convert_element_type3A_91 : vector<16xi1>, vector<16xi32>
      %convert_element_type3A_98 = arith.sitofp %select_n3A_97 : vector<16xi32> to vector<16xf32>
      %sub3A_99 = arith.subf %convert_element_type3A_98, %div3A_90 : vector<16xf32>
      %mul3A_100 = arith.mulf %get3A_74, %sub3A_99 : vector<16xf32>
      tpu.vector_store_idx %arg9[%convert_element_type3A_91, %add3A_45], %mul3A_100 {add = true} : memref<51x512xf32, #tpu.memory_space<vmem>>[vector<16xi32>, vector<16xi32>], vector<16xf32>,
      %sub3A_101 = arith.subf %div3A_90, %convert_element_type3A_92 : vector<16xf32>
      %mul3A_102 = arith.mulf %get3A_74, %sub3A_101 : vector<16xf32>
      tpu.vector_store_idx %arg9[%select_n3A_97, %add3A_45], %mul3A_102 {add = true} : memref<51x512xf32, #tpu.memory_space<vmem>>[vector<16xi32>, vector<16xi32>], vector<16xf32>,
      %get3A_103 = arith.constant 2 : i32
      %get3A_104 = arith.index_cast %get3A_103 : i32 to index
      %get3A_105 = arith.index_cast %mul3A_37 : i32 to index
      %get3A_106 = tpu.vector_load %arg6[%get3A_104, %get3A_105] {strides = array<i32>} : memref<51x512xf32, #tpu.memory_space<vmem>>, vector<16xf32>,
      %mul3A_107 = arith.constant -9.1999998 : f32
      %mul3A_108 = vector.broadcast %mul3A_107 : f32 to vector<16xf32>
      %mul3A_109 = arith.mulf %mul3A_43, %mul3A_108 : vector<16xf32>
      %add3A_110 = arith.addf %get3A_38, %mul3A_109 : vector<16xf32>
      %max3A_111 = arith.constant -1.000000e+01 : f32
      %max3A_112 = vector.broadcast %max3A_111 : f32 to vector<16xf32>
      %max3A_113 = arith.maximumf %add3A_110, %max3A_112 : vector<16xf32>
      %min3A_114 = arith.constant 1.000000e+01 : f32
      %min3A_115 = vector.broadcast %min3A_114 : f32 to vector<16xf32>
      %min3A_116 = arith.minimumf %max3A_113, %min3A_115 : vector<16xf32>
      %sub3A_117 = arith.constant -1.000000e+01 : f32
      %sub3A_118 = vector.broadcast %sub3A_117 : f32 to vector<16xf32>
      %sub3A_119 = arith.subf %min3A_116, %sub3A_118 : vector<16xf32>
      %div3A_120 = arith.constant 4.000000e-01 : f32
      %div3A_121 = vector.broadcast %div3A_120 : f32 to vector<16xf32>
      %div3A_122 = arith.divf %sub3A_119, %div3A_121 : vector<16xf32>
      %convert_element_type3A_123 = arith.fptosi %div3A_122 : vector<16xf32> to vector<16xi32>
      %convert_element_type3A_124 = arith.sitofp %convert_element_type3A_123 : vector<16xi32> to vector<16xf32>
      %gt3A_125 = arith.cmpf ogt, %div3A_122, %convert_element_type3A_124 : vector<16xf32>
      %add3A_126 = arith.constant 1 : i32
      %add3A_127 = vector.broadcast %add3A_126 : i32 to vector<16xi32>
      %add3A_128 = arith.addi %convert_element_type3A_123, %add3A_127 : vector<16xi32>
      %select_n3A_129 = arith.select %gt3A_125, %add3A_128, %convert_element_type3A_123 : vector<16xi1>, vector<16xi32>
      %convert_element_type3A_130 = arith.sitofp %select_n3A_129 : vector<16xi32> to vector<16xf32>
      %sub3A_131 = arith.subf %convert_element_type3A_130, %div3A_122 : vector<16xf32>
      %mul3A_132 = arith.mulf %get3A_106, %sub3A_131 : vector<16xf32>
      tpu.vector_store_idx %arg9[%convert_element_type3A_123, %add3A_45], %mul3A_132 {add = true} : memref<51x512xf32, #tpu.memory_space<vmem>>[vector<16xi32>, vector<16xi32>], vector<16xf32>,
      %sub3A_133 = arith.subf %div3A_122, %convert_element_type3A_124 : vector<16xf32>
      %mul3A_134 = arith.mulf %get3A_106, %sub3A_133 : vector<16xf32>
      tpu.vector_store_idx %arg9[%select_n3A_129, %add3A_45], %mul3A_134 {add = true} : memref<51x512xf32, #tpu.memory_space<vmem>>[vector<16xi32>, vector<16xi32>], vector<16xf32>,
      %get3A_135 = arith.constant 3 : i32
      %get3A_136 = arith.index_cast %get3A_135 : i32 to index
      %get3A_137 = arith.index_cast %mul3A_37 : i32 to index
      %get3A_138 = tpu.vector_load %arg6[%get3A_136, %get3A_137] {strides = array<i32>} : memref<51x512xf32, #tpu.memory_space<vmem>>, vector<16xf32>,
      %mul3A_139 = arith.constant -8.79999924 : f32
      %mul3A_140 = vector.broadcast %mul3A_139 : f32 to vector<16xf32>
      %mul3A_141 = arith.mulf %mul3A_43, %mul3A_140 : vector<16xf32>
      %add3A_142 = arith.addf %get3A_38, %mul3A_141 : vector<16xf32>
      %max3A_143 = arith.constant -1.000000e+01 : f32
      %max3A_144 = vector.broadcast %max3A_143 : f32 to vector<16xf32>
      %max3A_145 = arith.maximumf %add3A_142, %max3A_144 : vector<16xf32>
      %min3A_146 = arith.constant 1.000000e+01 : f32
      %min3A_147 = vector.broadcast %min3A_146 : f32 to vector<16xf32>
      %min3A_148 = arith.minimumf %max3A_145, %min3A_147 : vector<16xf32>
      %sub3A_149 = arith.constant -1.000000e+01 : f32
      %sub3A_150 = vector.broadcast %sub3A_149 : f32 to vector<16xf32>
      %sub3A_151 = arith.subf %min3A_148, %sub3A_150 : vector<16xf32>
      %div3A_152 = arith.constant 4.000000e-01 : f32
      %div3A_153 = vector.broadcast %div3A_152 : f32 to vector<16xf32>
      %div3A_154 = arith.divf %sub3A_151, %div3A_153 : vector<16xf32>
      %convert_element_type3A_155 = arith.fptosi %div3A_154 : vector<16xf32> to vector<16xi32>
      %convert_element_type3A_156 = arith.sitofp %convert_element_type3A_155 : vector<16xi32> to vector<16xf32>
      %gt3A_157 = arith.cmpf ogt, %div3A_154, %convert_element_type3A_156 : vector<16xf32>
      %add3A_158 = arith.constant 1 : i32
      %add3A_159 = vector.broadcast %add3A_158 : i32 to vector<16xi32>
      %add3A_160 = arith.addi %convert_element_type3A_155, %add3A_159 : vector<16xi32>
      %select_n3A_161 = arith.select %gt3A_157, %add3A_160, %convert_element_type3A_155 : vector<16xi1>, vector<16xi32>
      %convert_element_type3A_162 = arith.sitofp %select_n3A_161 : vector<16xi32> to vector<16xf32>
      %sub3A_163 = arith.subf %convert_element_type3A_162, %div3A_154 : vector<16xf32>
      %mul3A_164 = arith.mulf %get3A_138, %sub3A_163 : vector<16xf32>
      tpu.vector_store_idx %arg9[%convert_element_type3A_155, %add3A_45], %mul3A_164 {add = true} : memref<51x512xf32, #tpu.memory_space<vmem>>[vector<16xi32>, vector<16xi32>], vector<16xf32>,
      %sub3A_165 = arith.subf %div3A_154, %convert_element_type3A_156 : vector<16xf32>
      %mul3A_166 = arith.mulf %get3A_138, %sub3A_165 : vector<16xf32>
      tpu.vector_store_idx %arg9[%select_n3A_161, %add3A_45], %mul3A_166 {add = true} : memref<51x512xf32, #tpu.memory_space<vmem>>[vector<16xi32>, vector<16xi32>], vector<16xf32>,
      %get3A_167 = arith.constant 4 : i32
      %get3A_168 = arith.index_cast %get3A_167 : i32 to index
      %get3A_169 = arith.index_cast %mul3A_37 : i32 to index
      %get3A_170 = tpu.vector_load %arg6[%get3A_168, %get3A_169] {strides = array<i32>} : memref<51x512xf32, #tpu.memory_space<vmem>>, vector<16xf32>,
      %mul3A_171 = arith.constant -8.39999961 : f32
      %mul3A_172 = vector.broadcast %mul3A_171 : f32 to vector<16xf32>
      %mul3A_173 = arith.mulf %mul3A_43, %mul3A_172 : vector<16xf32>
      %add3A_174 = arith.addf %get3A_38, %mul3A_173 : vector<16xf32>
      %max3A_175 = arith.constant -1.000000e+01 : f32
      %max3A_176 = vector.broadcast %max3A_175 : f32 to vector<16xf32>
      %max3A_177 = arith.maximumf %add3A_174, %max3A_176 : vector<16xf32>
      %min3A_178 = arith.constant 1.000000e+01 : f32
      %min3A_179 = vector.broadcast %min3A_178 : f32 to vector<16xf32>
      %min3A_180 = arith.minimumf %max3A_177, %min3A_179 : vector<16xf32>
      %sub3A_181 = arith.constant -1.000000e+01 : f32
      %sub3A_182 = vector.broadcast %sub3A_181 : f32 to vector<16xf32>
      %sub3A_183 = arith.subf %min3A_180, %sub3A_182 : vector<16xf32>
      %div3A_184 = arith.constant 4.000000e-01 : f32
      %div3A_185 = vector.broadcast %div3A_184 : f32 to vector<16xf32>
      %div3A_186 = arith.divf %sub3A_183, %div3A_185 : vector<16xf32>
      %convert_element_type3A_187 = arith.fptosi %div3A_186 : vector<16xf32> to vector<16xi32>
      %convert_element_type3A_188 = arith.sitofp %convert_element_type3A_187 : vector<16xi32> to vector<16xf32>
      %gt3A_189 = arith.cmpf ogt, %div3A_186, %convert_element_type3A_188 : vector<16xf32>
      %add3A_190 = arith.constant 1 : i32
      %add3A_191 = vector.broadcast %add3A_190 : i32 to vector<16xi32>
      %add3A_192 = arith.addi %convert_element_type3A_187, %add3A_191 : vector<16xi32>
      %select_n3A_193 = arith.select %gt3A_189, %add3A_192, %convert_element_type3A_187 : vector<16xi1>, vector<16xi32>
      %convert_element_type3A_194 = arith.sitofp %select_n3A_193 : vector<16xi32> to vector<16xf32>
      %sub3A_195 = arith.subf %convert_element_type3A_194, %div3A_186 : vector<16xf32>
      %mul3A_196 = arith.mulf %get3A_170, %sub3A_195 : vector<16xf32>
      tpu.vector_store_idx %arg9[%convert_element_type3A_187, %add3A_45], %mul3A_196 {add = true} : memref<51x512xf32, #tpu.memory_space<vmem>>[vector<16xi32>, vector<16xi32>], vector<16xf32>,
      %sub3A_197 = arith.subf %div3A_186, %convert_element_type3A_188 : vector<16xf32>
      %mul3A_198 = arith.mulf %get3A_170, %sub3A_197 : vector<16xf32>
      tpu.vector_store_idx %arg9[%select_n3A_193, %add3A_45], %mul3A_198 {add = true} : memref<51x512xf32, #tpu.memory_space<vmem>>[vector<16xi32>, vector<16xi32>], vector<16xf32>,
      %get3A_199 = arith.constant 5 : i32
      %get3A_200 = arith.index_cast %get3A_199 : i32 to index
      %get3A_201 = arith.index_cast %mul3A_37 : i32 to index
      %get3A_202 = tpu.vector_load %arg6[%get3A_200, %get3A_201] {strides = array<i32>} : memref<51x512xf32, #tpu.memory_space<vmem>>, vector<16xf32>,
      %mul3A_203 = arith.constant -8.000000e+00 : f32
      %mul3A_204 = vector.broadcast %mul3A_203 : f32 to vector<16xf32>
      %mul3A_205 = arith.mulf %mul3A_43, %mul3A_204 : vector<16xf32>
      %add3A_206 = arith.addf %get3A_38, %mul3A_205 : vector<16xf32>
      %max3A_207 = arith.constant -1.000000e+01 : f32
      %max3A_208 = vector.broadcast %max3A_207 : f32 to vector<16xf32>
      %max3A_209 = arith.maximumf %add3A_206, %max3A_208 : vector<16xf32>
      %min3A_210 = arith.constant 1.000000e+01 : f32
      %min3A_211 = vector.broadcast %min3A_210 : f32 to vector<16xf32>
      %min3A_212 = arith.minimumf %max3A_209, %min3A_211 : vector<16xf32>
      %sub3A_213 = arith.constant -1.000000e+01 : f32
      %sub3A_214 = vector.broadcast %sub3A_213 : f32 to vector<16xf32>
      %sub3A_215 = arith.subf %min3A_212, %sub3A_214 : vector<16xf32>
      %div3A_216 = arith.constant 4.000000e-01 : f32
      %div3A_217 = vector.broadcast %div3A_216 : f32 to vector<16xf32>
      %div3A_218 = arith.divf %sub3A_215, %div3A_217 : vector<16xf32>
      %convert_element_type3A_219 = arith.fptosi %div3A_218 : vector<16xf32> to vector<16xi32>
      %convert_element_type3A_220 = arith.sitofp %convert_element_type3A_219 : vector<16xi32> to vector<16xf32>
      %gt3A_221 = arith.cmpf ogt, %div3A_218, %convert_element_type3A_220 : vector<16xf32>
      %add3A_222 = arith.constant 1 : i32
      %add3A_223 = vector.broadcast %add3A_222 : i32 to vector<16xi32>
      %add3A_224 = arith.addi %convert_element_type3A_219, %add3A_223 : vector<16xi32>
      %select_n3A_225 = arith.select %gt3A_221, %add3A_224, %convert_element_type3A_219 : vector<16xi1>, vector<16xi32>
      %convert_element_type3A_226 = arith.sitofp %select_n3A_225 : vector<16xi32> to vector<16xf32>
      %sub3A_227 = arith.subf %convert_element_type3A_226, %div3A_218 : vector<16xf32>
      %mul3A_228 = arith.mulf %get3A_202, %sub3A_227 : vector<16xf32>
      tpu.vector_store_idx %arg9[%convert_element_type3A_219, %add3A_45], %mul3A_228 {add = true} : memref<51x512xf32, #tpu.memory_space<vmem>>[vector<16xi32>, vector<16xi32>], vector<16xf32>,
      %sub3A_229 = arith.subf %div3A_218, %convert_element_type3A_220 : vector<16xf32>
      %mul3A_230 = arith.mulf %get3A_202, %sub3A_229 : vector<16xf32>
      tpu.vector_store_idx %arg9[%select_n3A_225, %add3A_45], %mul3A_230 {add = true} : memref<51x512xf32, #tpu.memory_space<vmem>>[vector<16xi32>, vector<16xi32>], vector<16xf32>,
      %get3A_231 = arith.constant 6 : i32
      %get3A_232 = arith.index_cast %get3A_231 : i32 to index
      %get3A_233 = arith.index_cast %mul3A_37 : i32 to index
      %get3A_234 = tpu.vector_load %arg6[%get3A_232, %get3A_233] {strides = array<i32>} : memref<51x512xf32, #tpu.memory_space<vmem>>, vector<16xf32>,
      %mul3A_235 = arith.constant -7.60000038 : f32
      %mul3A_236 = vector.broadcast %mul3A_235 : f32 to vector<16xf32>
      %mul3A_237 = arith.mulf %mul3A_43, %mul3A_236 : vector<16xf32>
      %add3A_238 = arith.addf %get3A_38, %mul3A_237 : vector<16xf32>
      %max3A_239 = arith.constant -1.000000e+01 : f32
      %max3A_240 = vector.broadcast %max3A_239 : f32 to vector<16xf32>
      %max3A_241 = arith.maximumf %add3A_238, %max3A_240 : vector<16xf32>
      %min3A_242 = arith.constant 1.000000e+01 : f32
      %min3A_243 = vector.broadcast %min3A_242 : f32 to vector<16xf32>
      %min3A_244 = arith.minimumf %max3A_241, %min3A_243 : vector<16xf32>
      %sub3A_245 = arith.constant -1.000000e+01 : f32
      %sub3A_246 = vector.broadcast %sub3A_245 : f32 to vector<16xf32>
      %sub3A_247 = arith.subf %min3A_244, %sub3A_246 : vector<16xf32>
      %div3A_248 = arith.constant 4.000000e-01 : f32
      %div3A_249 = vector.broadcast %div3A_248 : f32 to vector<16xf32>
      %div3A_250 = arith.divf %sub3A_247, %div3A_249 : vector<16xf32>
      %convert_element_type3A_251 = arith.fptosi %div3A_250 : vector<16xf32> to vector<16xi32>
      %convert_element_type3A_252 = arith.sitofp %convert_element_type3A_251 : vector<16xi32> to vector<16xf32>
      %gt3A_253 = arith.cmpf ogt, %div3A_250, %convert_element_type3A_252 : vector<16xf32>
      %add3A_254 = arith.constant 1 : i32
      %add3A_255 = vector.broadcast %add3A_254 : i32 to vector<16xi32>
      %add3A_256 = arith.addi %convert_element_type3A_251, %add3A_255 : vector<16xi32>
      %select_n3A_257 = arith.select %gt3A_253, %add3A_256, %convert_element_type3A_251 : vector<16xi1>, vector<16xi32>
      %convert_element_type3A_258 = arith.sitofp %select_n3A_257 : vector<16xi32> to vector<16xf32>
      %sub3A_259 = arith.subf %convert_element_type3A_258, %div3A_250 : vector<16xf32>
      %mul3A_260 = arith.mulf %get3A_234, %sub3A_259 : vector<16xf32>
      tpu.vector_store_idx %arg9[%convert_element_type3A_251, %add3A_45], %mul3A_260 {add = true} : memref<51x512xf32, #tpu.memory_space<vmem>>[vector<16xi32>, vector<16xi32>], vector<16xf32>,
      %sub3A_261 = arith.subf %div3A_250, %convert_element_type3A_252 : vector<16xf32>
      %mul3A_262 = arith.mulf %get3A_234, %sub3A_261 : vector<16xf32>
      tpu.vector_store_idx %arg9[%select_n3A_257, %add3A_45], %mul3A_262 {add = true} : memref<51x512xf32, #tpu.memory_space<vmem>>[vector<16xi32>, vector<16xi32>], vector<16xf32>,
      %get3A_263 = arith.constant 7 : i32
      %get3A_264 = arith.index_cast %get3A_263 : i32 to index
      %get3A_265 = arith.index_cast %mul3A_37 : i32 to index
      %get3A_266 = tpu.vector_load %arg6[%get3A_264, %get3A_265] {strides = array<i32>} : memref<51x512xf32, #tpu.memory_space<vmem>>, vector<16xf32>,
      %mul3A_267 = arith.constant -7.20000029 : f32
      %mul3A_268 = vector.broadcast %mul3A_267 : f32 to vector<16xf32>
      %mul3A_269 = arith.mulf %mul3A_43, %mul3A_268 : vector<16xf32>
      %add3A_270 = arith.addf %get3A_38, %mul3A_269 : vector<16xf32>
      %max3A_271 = arith.constant -1.000000e+01 : f32
      %max3A_272 = vector.broadcast %max3A_271 : f32 to vector<16xf32>
      %max3A_273 = arith.maximumf %add3A_270, %max3A_272 : vector<16xf32>
      %min3A_274 = arith.constant 1.000000e+01 : f32
      %min3A_275 = vector.broadcast %min3A_274 : f32 to vector<16xf32>
      %min3A_276 = arith.minimumf %max3A_273, %min3A_275 : vector<16xf32>
      %sub3A_277 = arith.constant -1.000000e+01 : f32
      %sub3A_278 = vector.broadcast %sub3A_277 : f32 to vector<16xf32>
      %sub3A_279 = arith.subf %min3A_276, %sub3A_278 : vector<16xf32>
      %div3A_280 = arith.constant 4.000000e-01 : f32
      %div3A_281 = vector.broadcast %div3A_280 : f32 to vector<16xf32>
      %div3A_282 = arith.divf %sub3A_279, %div3A_281 : vector<16xf32>
      %convert_element_type3A_283 = arith.fptosi %div3A_282 : vector<16xf32> to vector<16xi32>
      %convert_element_type3A_284 = arith.sitofp %convert_element_type3A_283 : vector<16xi32> to vector<16xf32>
      %gt3A_285 = arith.cmpf ogt, %div3A_282, %convert_element_type3A_284 : vector<16xf32>
      %add3A_286 = arith.constant 1 : i32
      %add3A_287 = vector.broadcast %add3A_286 : i32 to vector<16xi32>
      %add3A_288 = arith.addi %convert_element_type3A_283, %add3A_287 : vector<16xi32>
      %select_n3A_289 = arith.select %gt3A_285, %add3A_288, %convert_element_type3A_283 : vector<16xi1>, vector<16xi32>
      %convert_element_type3A_290 = arith.sitofp %select_n3A_289 : vector<16xi32> to vector<16xf32>
      %sub3A_291 = arith.subf %convert_element_type3A_290, %div3A_282 : vector<16xf32>
      %mul3A_292 = arith.mulf %get3A_266, %sub3A_291 : vector<16xf32>
      tpu.vector_store_idx %arg9[%convert_element_type3A_283, %add3A_45], %mul3A_292 {add = true} : memref<51x512xf32, #tpu.memory_space<vmem>>[vector<16xi32>, vector<16xi32>], vector<16xf32>,
      %sub3A_293 = arith.subf %div3A_282, %convert_element_type3A_284 : vector<16xf32>
      %mul3A_294 = arith.mulf %get3A_266, %sub3A_293 : vector<16xf32>
      tpu.vector_store_idx %arg9[%select_n3A_289, %add3A_45], %mul3A_294 {add = true} : memref<51x512xf32, #tpu.memory_space<vmem>>[vector<16xi32>, vector<16xi32>], vector<16xf32>,
      %get3A_295 = arith.constant 8 : i32
      %get3A_296 = arith.index_cast %get3A_295 : i32 to index
      %get3A_297 = arith.index_cast %mul3A_37 : i32 to index
      %get3A_298 = tpu.vector_load %arg6[%get3A_296, %get3A_297] {strides = array<i32>} : memref<51x512xf32, #tpu.memory_space<vmem>>, vector<16xf32>,
      %mul3A_299 = arith.constant -6.80000067 : f32
      %mul3A_300 = vector.broadcast %mul3A_299 : f32 to vector<16xf32>
      %mul3A_301 = arith.mulf %mul3A_43, %mul3A_300 : vector<16xf32>
      %add3A_302 = arith.addf %get3A_38, %mul3A_301 : vector<16xf32>
      %max3A_303 = arith.constant -1.000000e+01 : f32
      %max3A_304 = vector.broadcast %max3A_303 : f32 to vector<16xf32>
      %max3A_305 = arith.maximumf %add3A_302, %max3A_304 : vector<16xf32>
      %min3A_306 = arith.constant 1.000000e+01 : f32
      %min3A_307 = vector.broadcast %min3A_306 : f32 to vector<16xf32>
      %min3A_308 = arith.minimumf %max3A_305, %min3A_307 : vector<16xf32>
      %sub3A_309 = arith.constant -1.000000e+01 : f32
      %sub3A_310 = vector.broadcast %sub3A_309 : f32 to vector<16xf32>
      %sub3A_311 = arith.subf %min3A_308, %sub3A_310 : vector<16xf32>
      %div3A_312 = arith.constant 4.000000e-01 : f32
      %div3A_313 = vector.broadcast %div3A_312 : f32 to vector<16xf32>
      %div3A_314 = arith.divf %sub3A_311, %div3A_313 : vector<16xf32>
      %convert_element_type3A_315 = arith.fptosi %div3A_314 : vector<16xf32> to vector<16xi32>
      %convert_element_type3A_316 = arith.sitofp %convert_element_type3A_315 : vector<16xi32> to vector<16xf32>
      %gt3A_317 = arith.cmpf ogt, %div3A_314, %convert_element_type3A_316 : vector<16xf32>
      %add3A_318 = arith.constant 1 : i32
      %add3A_319 = vector.broadcast %add3A_318 : i32 to vector<16xi32>
      %add3A_320 = arith.addi %convert_element_type3A_315, %add3A_319 : vector<16xi32>
      %select_n3A_321 = arith.select %gt3A_317, %add3A_320, %convert_element_type3A_315 : vector<16xi1>, vector<16xi32>
      %convert_element_type3A_322 = arith.sitofp %select_n3A_321 : vector<16xi32> to vector<16xf32>
      %sub3A_323 = arith.subf %convert_element_type3A_322, %div3A_314 : vector<16xf32>
      %mul3A_324 = arith.mulf %get3A_298, %sub3A_323 : vector<16xf32>
      tpu.vector_store_idx %arg9[%convert_element_type3A_315, %add3A_45], %mul3A_324 {add = true} : memref<51x512xf32, #tpu.memory_space<vmem>>[vector<16xi32>, vector<16xi32>], vector<16xf32>,
      %sub3A_325 = arith.subf %div3A_314, %convert_element_type3A_316 : vector<16xf32>
      %mul3A_326 = arith.mulf %get3A_298, %sub3A_325 : vector<16xf32>
      tpu.vector_store_idx %arg9[%select_n3A_321, %add3A_45], %mul3A_326 {add = true} : memref<51x512xf32, #tpu.memory_space<vmem>>[vector<16xi32>, vector<16xi32>], vector<16xf32>,
      %get3A_327 = arith.constant 9 : i32
      %get3A_328 = arith.index_cast %get3A_327 : i32 to index
      %get3A_329 = arith.index_cast %mul3A_37 : i32 to index
      %get3A_330 = tpu.vector_load %arg6[%get3A_328, %get3A_329] {strides = array<i32>} : memref<51x512xf32, #tpu.memory_space<vmem>>, vector<16xf32>,
      %mul3A_331 = arith.constant -6.400000e+00 : f32
      %mul3A_332 = vector.broadcast %mul3A_331 : f32 to vector<16xf32>
      %mul3A_333 = arith.mulf %mul3A_43, %mul3A_332 : vector<16xf32>
      %add3A_334 = arith.addf %get3A_38, %mul3A_333 : vector<16xf32>
      %max3A_335 = arith.constant -1.000000e+01 : f32
      %max3A_336 = vector.broadcast %max3A_335 : f32 to vector<16xf32>
      %max3A_337 = arith.maximumf %add3A_334, %max3A_336 : vector<16xf32>
      %min3A_338 = arith.constant 1.000000e+01 : f32
      %min3A_339 = vector.broadcast %min3A_338 : f32 to vector<16xf32>
      %min3A_340 = arith.minimumf %max3A_337, %min3A_339 : vector<16xf32>
      %sub3A_341 = arith.constant -1.000000e+01 : f32
      %sub3A_342 = vector.broadcast %sub3A_341 : f32 to vector<16xf32>
      %sub3A_343 = arith.subf %min3A_340, %sub3A_342 : vector<16xf32>
      %div3A_344 = arith.constant 4.000000e-01 : f32
      %div3A_345 = vector.broadcast %div3A_344 : f32 to vector<16xf32>
      %div3A_346 = arith.divf %sub3A_343, %div3A_345 : vector<16xf32>
      %convert_element_type3A_347 = arith.fptosi %div3A_346 : vector<16xf32> to vector<16xi32>
      %convert_element_type3A_348 = arith.sitofp %convert_element_type3A_347 : vector<16xi32> to vector<16xf32>
      %gt3A_349 = arith.cmpf ogt, %div3A_346, %convert_element_type3A_348 : vector<16xf32>
      %add3A_350 = arith.constant 1 : i32
      %add3A_351 = vector.broadcast %add3A_350 : i32 to vector<16xi32>
      %add3A_352 = arith.addi %convert_element_type3A_347, %add3A_351 : vector<16xi32>
      %select_n3A_353 = arith.select %gt3A_349, %add3A_352, %convert_element_type3A_347 : vector<16xi1>, vector<16xi32>
      %convert_element_type3A_354 = arith.sitofp %select_n3A_353 : vector<16xi32> to vector<16xf32>
      %sub3A_355 = arith.subf %convert_element_type3A_354, %div3A_346 : vector<16xf32>
      %mul3A_356 = arith.mulf %get3A_330, %sub3A_355 : vector<16xf32>
      tpu.vector_store_idx %arg9[%convert_element_type3A_347, %add3A_45], %mul3A_356 {add = true} : memref<51x512xf32, #tpu.memory_space<vmem>>[vector<16xi32>, vector<16xi32>], vector<16xf32>,
      %sub3A_357 = arith.subf %div3A_346, %convert_element_type3A_348 : vector<16xf32>
      %mul3A_358 = arith.mulf %get3A_330, %sub3A_357 : vector<16xf32>
      tpu.vector_store_idx %arg9[%select_n3A_353, %add3A_45], %mul3A_358 {add = true} : memref<51x512xf32, #tpu.memory_space<vmem>>[vector<16xi32>, vector<16xi32>], vector<16xf32>,
      %get3A_359 = arith.constant 10 : i32
      %get3A_360 = arith.index_cast %get3A_359 : i32 to index
      %get3A_361 = arith.index_cast %mul3A_37 : i32 to index
      %get3A_362 = tpu.vector_load %arg6[%get3A_360, %get3A_361] {strides = array<i32>} : memref<51x512xf32, #tpu.memory_space<vmem>>, vector<16xf32>,
      %mul3A_363 = arith.constant -6.000000e+00 : f32
      %mul3A_364 = vector.broadcast %mul3A_363 : f32 to vector<16xf32>
      %mul3A_365 = arith.mulf %mul3A_43, %mul3A_364 : vector<16xf32>
      %add3A_366 = arith.addf %get3A_38, %mul3A_365 : vector<16xf32>
      %max3A_367 = arith.constant -1.000000e+01 : f32
      %max3A_368 = vector.broadcast %max3A_367 : f32 to vector<16xf32>
      %max3A_369 = arith.maximumf %add3A_366, %max3A_368 : vector<16xf32>
      %min3A_370 = arith.constant 1.000000e+01 : f32
      %min3A_371 = vector.broadcast %min3A_370 : f32 to vector<16xf32>
      %min3A_372 = arith.minimumf %max3A_369, %min3A_371 : vector<16xf32>
      %sub3A_373 = arith.constant -1.000000e+01 : f32
      %sub3A_374 = vector.broadcast %sub3A_373 : f32 to vector<16xf32>
      %sub3A_375 = arith.subf %min3A_372, %sub3A_374 : vector<16xf32>
      %div3A_376 = arith.constant 4.000000e-01 : f32
      %div3A_377 = vector.broadcast %div3A_376 : f32 to vector<16xf32>
      %div3A_378 = arith.divf %sub3A_375, %div3A_377 : vector<16xf32>
      %convert_element_type3A_379 = arith.fptosi %div3A_378 : vector<16xf32> to vector<16xi32>
      %convert_element_type3A_380 = arith.sitofp %convert_element_type3A_379 : vector<16xi32> to vector<16xf32>
      %gt3A_381 = arith.cmpf ogt, %div3A_378, %convert_element_type3A_380 : vector<16xf32>
      %add3A_382 = arith.constant 1 : i32
      %add3A_383 = vector.broadcast %add3A_382 : i32 to vector<16xi32>
      %add3A_384 = arith.addi %convert_element_type3A_379, %add3A_383 : vector<16xi32>
      %select_n3A_385 = arith.select %gt3A_381, %add3A_384, %convert_element_type3A_379 : vector<16xi1>, vector<16xi32>
      %convert_element_type3A_386 = arith.sitofp %select_n3A_385 : vector<16xi32> to vector<16xf32>
      %sub3A_387 = arith.subf %convert_element_type3A_386, %div3A_378 : vector<16xf32>
      %mul3A_388 = arith.mulf %get3A_362, %sub3A_387 : vector<16xf32>
      tpu.vector_store_idx %arg9[%convert_element_type3A_379, %add3A_45], %mul3A_388 {add = true} : memref<51x512xf32, #tpu.memory_space<vmem>>[vector<16xi32>, vector<16xi32>], vector<16xf32>,
      %sub3A_389 = arith.subf %div3A_378, %convert_element_type3A_380 : vector<16xf32>
      %mul3A_390 = arith.mulf %get3A_362, %sub3A_389 : vector<16xf32>
      tpu.vector_store_idx %arg9[%select_n3A_385, %add3A_45], %mul3A_390 {add = true} : memref<51x512xf32, #tpu.memory_space<vmem>>[vector<16xi32>, vector<16xi32>], vector<16xf32>,
      %get3A_391 = arith.constant 11 : i32
      %get3A_392 = arith.index_cast %get3A_391 : i32 to index
      %get3A_393 = arith.index_cast %mul3A_37 : i32 to index
      %get3A_394 = tpu.vector_load %arg6[%get3A_392, %get3A_393] {strides = array<i32>} : memref<51x512xf32, #tpu.memory_space<vmem>>, vector<16xf32>,
      %mul3A_395 = arith.constant -5.600000e+00 : f32
      %mul3A_396 = vector.broadcast %mul3A_395 : f32 to vector<16xf32>
      %mul3A_397 = arith.mulf %mul3A_43, %mul3A_396 : vector<16xf32>
      %add3A_398 = arith.addf %get3A_38, %mul3A_397 : vector<16xf32>
      %max3A_399 = arith.constant -1.000000e+01 : f32
      %max3A_400 = vector.broadcast %max3A_399 : f32 to vector<16xf32>
      %max3A_401 = arith.maximumf %add3A_398, %max3A_400 : vector<16xf32>
      %min3A_402 = arith.constant 1.000000e+01 : f32
      %min3A_403 = vector.broadcast %min3A_402 : f32 to vector<16xf32>
      %min3A_404 = arith.minimumf %max3A_401, %min3A_403 : vector<16xf32>
      %sub3A_405 = arith.constant -1.000000e+01 : f32
      %sub3A_406 = vector.broadcast %sub3A_405 : f32 to vector<16xf32>
      %sub3A_407 = arith.subf %min3A_404, %sub3A_406 : vector<16xf32>
      %div3A_408 = arith.constant 4.000000e-01 : f32
      %div3A_409 = vector.broadcast %div3A_408 : f32 to vector<16xf32>
      %div3A_410 = arith.divf %sub3A_407, %div3A_409 : vector<16xf32>
      %convert_element_type3A_411 = arith.fptosi %div3A_410 : vector<16xf32> to vector<16xi32>
      %convert_element_type3A_412 = arith.sitofp %convert_element_type3A_411 : vector<16xi32> to vector<16xf32>
      %gt3A_413 = arith.cmpf ogt, %div3A_410, %convert_element_type3A_412 : vector<16xf32>
      %add3A_414 = arith.constant 1 : i32
      %add3A_415 = vector.broadcast %add3A_414 : i32 to vector<16xi32>
      %add3A_416 = arith.addi %convert_element_type3A_411, %add3A_415 : vector<16xi32>
      %select_n3A_417 = arith.select %gt3A_413, %add3A_416, %convert_element_type3A_411 : vector<16xi1>, vector<16xi32>
      %convert_element_type3A_418 = arith.sitofp %select_n3A_417 : vector<16xi32> to vector<16xf32>
      %sub3A_419 = arith.subf %convert_element_type3A_418, %div3A_410 : vector<16xf32>
      %mul3A_420 = arith.mulf %get3A_394, %sub3A_419 : vector<16xf32>
      tpu.vector_store_idx %arg9[%convert_element_type3A_411, %add3A_45], %mul3A_420 {add = true} : memref<51x512xf32, #tpu.memory_space<vmem>>[vector<16xi32>, vector<16xi32>], vector<16xf32>,
      %sub3A_421 = arith.subf %div3A_410, %convert_element_type3A_412 : vector<16xf32>
      %mul3A_422 = arith.mulf %get3A_394, %sub3A_421 : vector<16xf32>
      tpu.vector_store_idx %arg9[%select_n3A_417, %add3A_45], %mul3A_422 {add = true} : memref<51x512xf32, #tpu.memory_space<vmem>>[vector<16xi32>, vector<16xi32>], vector<16xf32>,
      %get3A_423 = arith.constant 12 : i32
      %get3A_424 = arith.index_cast %get3A_423 : i32 to index
      %get3A_425 = arith.index_cast %mul3A_37 : i32 to index
      %get3A_426 = tpu.vector_load %arg6[%get3A_424, %get3A_425] {strides = array<i32>} : memref<51x512xf32, #tpu.memory_space<vmem>>, vector<16xf32>,
      %mul3A_427 = arith.constant -5.200000e+00 : f32
      %mul3A_428 = vector.broadcast %mul3A_427 : f32 to vector<16xf32>
      %mul3A_429 = arith.mulf %mul3A_43, %mul3A_428 : vector<16xf32>
      %add3A_430 = arith.addf %get3A_38, %mul3A_429 : vector<16xf32>
      %max3A_431 = arith.constant -1.000000e+01 : f32
      %max3A_432 = vector.broadcast %max3A_431 : f32 to vector<16xf32>
      %max3A_433 = arith.maximumf %add3A_430, %max3A_432 : vector<16xf32>
      %min3A_434 = arith.constant 1.000000e+01 : f32
      %min3A_435 = vector.broadcast %min3A_434 : f32 to vector<16xf32>
      %min3A_436 = arith.minimumf %max3A_433, %min3A_435 : vector<16xf32>
      %sub3A_437 = arith.constant -1.000000e+01 : f32
      %sub3A_438 = vector.broadcast %sub3A_437 : f32 to vector<16xf32>
      %sub3A_439 = arith.subf %min3A_436, %sub3A_438 : vector<16xf32>
      %div3A_440 = arith.constant 4.000000e-01 : f32
      %div3A_441 = vector.broadcast %div3A_440 : f32 to vector<16xf32>
      %div3A_442 = arith.divf %sub3A_439, %div3A_441 : vector<16xf32>
      %convert_element_type3A_443 = arith.fptosi %div3A_442 : vector<16xf32> to vector<16xi32>
      %convert_element_type3A_444 = arith.sitofp %convert_element_type3A_443 : vector<16xi32> to vector<16xf32>
      %gt3A_445 = arith.cmpf ogt, %div3A_442, %convert_element_type3A_444 : vector<16xf32>
      %add3A_446 = arith.constant 1 : i32
      %add3A_447 = vector.broadcast %add3A_446 : i32 to vector<16xi32>
      %add3A_448 = arith.addi %convert_element_type3A_443, %add3A_447 : vector<16xi32>
      %select_n3A_449 = arith.select %gt3A_445, %add3A_448, %convert_element_type3A_443 : vector<16xi1>, vector<16xi32>
      %convert_element_type3A_450 = arith.sitofp %select_n3A_449 : vector<16xi32> to vector<16xf32>
      %sub3A_451 = arith.subf %convert_element_type3A_450, %div3A_442 : vector<16xf32>
      %mul3A_452 = arith.mulf %get3A_426, %sub3A_451 : vector<16xf32>
      tpu.vector_store_idx %arg9[%convert_element_type3A_443, %add3A_45], %mul3A_452 {add = true} : memref<51x512xf32, #tpu.memory_space<vmem>>[vector<16xi32>, vector<16xi32>], vector<16xf32>,
      %sub3A_453 = arith.subf %div3A_442, %convert_element_type3A_444 : vector<16xf32>
      %mul3A_454 = arith.mulf %get3A_426, %sub3A_453 : vector<16xf32>
      tpu.vector_store_idx %arg9[%select_n3A_449, %add3A_45], %mul3A_454 {add = true} : memref<51x512xf32, #tpu.memory_space<vmem>>[vector<16xi32>, vector<16xi32>], vector<16xf32>,
      %get3A_455 = arith.constant 13 : i32
      %get3A_456 = arith.index_cast %get3A_455 : i32 to index
      %get3A_457 = arith.index_cast %mul3A_37 : i32 to index
      %get3A_458 = tpu.vector_load %arg6[%get3A_456, %get3A_457] {strides = array<i32>} : memref<51x512xf32, #tpu.memory_space<vmem>>, vector<16xf32>,
      %mul3A_459 = arith.constant -4.800000e+00 : f32
      %mul3A_460 = vector.broadcast %mul3A_459 : f32 to vector<16xf32>
      %mul3A_461 = arith.mulf %mul3A_43, %mul3A_460 : vector<16xf32>
      %add3A_462 = arith.addf %get3A_38, %mul3A_461 : vector<16xf32>
      %max3A_463 = arith.constant -1.000000e+01 : f32
      %max3A_464 = vector.broadcast %max3A_463 : f32 to vector<16xf32>
      %max3A_465 = arith.maximumf %add3A_462, %max3A_464 : vector<16xf32>
      %min3A_466 = arith.constant 1.000000e+01 : f32
      %min3A_467 = vector.broadcast %min3A_466 : f32 to vector<16xf32>
      %min3A_468 = arith.minimumf %max3A_465, %min3A_467 : vector<16xf32>
      %sub3A_469 = arith.constant -1.000000e+01 : f32
      %sub3A_470 = vector.broadcast %sub3A_469 : f32 to vector<16xf32>
      %sub3A_471 = arith.subf %min3A_468, %sub3A_470 : vector<16xf32>
      %div3A_472 = arith.constant 4.000000e-01 : f32
      %div3A_473 = vector.broadcast %div3A_472 : f32 to vector<16xf32>
      %div3A_474 = arith.divf %sub3A_471, %div3A_473 : vector<16xf32>
      %convert_element_type3A_475 = arith.fptosi %div3A_474 : vector<16xf32> to vector<16xi32>
      %convert_element_type3A_476 = arith.sitofp %convert_element_type3A_475 : vector<16xi32> to vector<16xf32>
      %gt3A_477 = arith.cmpf ogt, %div3A_474, %convert_element_type3A_476 : vector<16xf32>
      %add3A_478 = arith.constant 1 : i32
      %add3A_479 = vector.broadcast %add3A_478 : i32 to vector<16xi32>
      %add3A_480 = arith.addi %convert_element_type3A_475, %add3A_479 : vector<16xi32>
      %select_n3A_481 = arith.select %gt3A_477, %add3A_480, %convert_element_type3A_475 : vector<16xi1>, vector<16xi32>
      %convert_element_type3A_482 = arith.sitofp %select_n3A_481 : vector<16xi32> to vector<16xf32>
      %sub3A_483 = arith.subf %convert_element_type3A_482, %div3A_474 : vector<16xf32>
      %mul3A_484 = arith.mulf %get3A_458, %sub3A_483 : vector<16xf32>
      tpu.vector_store_idx %arg9[%convert_element_type3A_475, %add3A_45], %mul3A_484 {add = true} : memref<51x512xf32, #tpu.memory_space<vmem>>[vector<16xi32>, vector<16xi32>], vector<16xf32>,
      %sub3A_485 = arith.subf %div3A_474, %convert_element_type3A_476 : vector<16xf32>
      %mul3A_486 = arith.mulf %get3A_458, %sub3A_485 : vector<16xf32>
      tpu.vector_store_idx %arg9[%select_n3A_481, %add3A_45], %mul3A_486 {add = true} : memref<51x512xf32, #tpu.memory_space<vmem>>[vector<16xi32>, vector<16xi32>], vector<16xf32>,
      %get3A_487 = arith.constant 14 : i32
      %get3A_488 = arith.index_cast %get3A_487 : i32 to index
      %get3A_489 = arith.index_cast %mul3A_37 : i32 to index
      %get3A_490 = tpu.vector_load %arg6[%get3A_488, %get3A_489] {strides = array<i32>} : memref<51x512xf32, #tpu.memory_space<vmem>>, vector<16xf32>,
      %mul3A_491 = arith.constant -4.40000057 : f32
      %mul3A_492 = vector.broadcast %mul3A_491 : f32 to vector<16xf32>
      %mul3A_493 = arith.mulf %mul3A_43, %mul3A_492 : vector<16xf32>
      %add3A_494 = arith.addf %get3A_38, %mul3A_493 : vector<16xf32>
      %max3A_495 = arith.constant -1.000000e+01 : f32
      %max3A_496 = vector.broadcast %max3A_495 : f32 to vector<16xf32>
      %max3A_497 = arith.maximumf %add3A_494, %max3A_496 : vector<16xf32>
      %min3A_498 = arith.constant 1.000000e+01 : f32
      %min3A_499 = vector.broadcast %min3A_498 : f32 to vector<16xf32>
      %min3A_500 = arith.minimumf %max3A_497, %min3A_499 : vector<16xf32>
      %sub3A_501 = arith.constant -1.000000e+01 : f32
      %sub3A_502 = vector.broadcast %sub3A_501 : f32 to vector<16xf32>
      %sub3A_503 = arith.subf %min3A_500, %sub3A_502 : vector<16xf32>
      %div3A_504 = arith.constant 4.000000e-01 : f32
      %div3A_505 = vector.broadcast %div3A_504 : f32 to vector<16xf32>
      %div3A_506 = arith.divf %sub3A_503, %div3A_505 : vector<16xf32>
      %convert_element_type3A_507 = arith.fptosi %div3A_506 : vector<16xf32> to vector<16xi32>
      %convert_element_type3A_508 = arith.sitofp %convert_element_type3A_507 : vector<16xi32> to vector<16xf32>
      %gt3A_509 = arith.cmpf ogt, %div3A_506, %convert_element_type3A_508 : vector<16xf32>
      %add3A_510 = arith.constant 1 : i32
      %add3A_511 = vector.broadcast %add3A_510 : i32 to vector<16xi32>
      %add3A_512 = arith.addi %convert_element_type3A_507, %add3A_511 : vector<16xi32>
      %select_n3A_513 = arith.select %gt3A_509, %add3A_512, %convert_element_type3A_507 : vector<16xi1>, vector<16xi32>
      %convert_element_type3A_514 = arith.sitofp %select_n3A_513 : vector<16xi32> to vector<16xf32>
      %sub3A_515 = arith.subf %convert_element_type3A_514, %div3A_506 : vector<16xf32>
      %mul3A_516 = arith.mulf %get3A_490, %sub3A_515 : vector<16xf32>
      tpu.vector_store_idx %arg9[%convert_element_type3A_507, %add3A_45], %mul3A_516 {add = true} : memref<51x512xf32, #tpu.memory_space<vmem>>[vector<16xi32>, vector<16xi32>], vector<16xf32>,
      %sub3A_517 = arith.subf %div3A_506, %convert_element_type3A_508 : vector<16xf32>
      %mul3A_518 = arith.mulf %get3A_490, %sub3A_517 : vector<16xf32>
      tpu.vector_store_idx %arg9[%select_n3A_513, %add3A_45], %mul3A_518 {add = true} : memref<51x512xf32, #tpu.memory_space<vmem>>[vector<16xi32>, vector<16xi32>], vector<16xf32>,
      %get3A_519 = arith.constant 15 : i32
      %get3A_520 = arith.index_cast %get3A_519 : i32 to index
      %get3A_521 = arith.index_cast %mul3A_37 : i32 to index
      %get3A_522 = tpu.vector_load %arg6[%get3A_520, %get3A_521] {strides = array<i32>} : memref<51x512xf32, #tpu.memory_space<vmem>>, vector<16xf32>,
      %mul3A_523 = arith.constant -4.00000048 : f32
      %mul3A_524 = vector.broadcast %mul3A_523 : f32 to vector<16xf32>
      %mul3A_525 = arith.mulf %mul3A_43, %mul3A_524 : vector<16xf32>
      %add3A_526 = arith.addf %get3A_38, %mul3A_525 : vector<16xf32>
      %max3A_527 = arith.constant -1.000000e+01 : f32
      %max3A_528 = vector.broadcast %max3A_527 : f32 to vector<16xf32>
      %max3A_529 = arith.maximumf %add3A_526, %max3A_528 : vector<16xf32>
      %min3A_530 = arith.constant 1.000000e+01 : f32
      %min3A_531 = vector.broadcast %min3A_530 : f32 to vector<16xf32>
      %min3A_532 = arith.minimumf %max3A_529, %min3A_531 : vector<16xf32>
      %sub3A_533 = arith.constant -1.000000e+01 : f32
      %sub3A_534 = vector.broadcast %sub3A_533 : f32 to vector<16xf32>
      %sub3A_535 = arith.subf %min3A_532, %sub3A_534 : vector<16xf32>
      %div3A_536 = arith.constant 4.000000e-01 : f32
      %div3A_537 = vector.broadcast %div3A_536 : f32 to vector<16xf32>
      %div3A_538 = arith.divf %sub3A_535, %div3A_537 : vector<16xf32>
      %convert_element_type3A_539 = arith.fptosi %div3A_538 : vector<16xf32> to vector<16xi32>
      %convert_element_type3A_540 = arith.sitofp %convert_element_type3A_539 : vector<16xi32> to vector<16xf32>
      %gt3A_541 = arith.cmpf ogt, %div3A_538, %convert_element_type3A_540 : vector<16xf32>
      %add3A_542 = arith.constant 1 : i32
      %add3A_543 = vector.broadcast %add3A_542 : i32 to vector<16xi32>
      %add3A_544 = arith.addi %convert_element_type3A_539, %add3A_543 : vector<16xi32>
      %select_n3A_545 = arith.select %gt3A_541, %add3A_544, %convert_element_type3A_539 : vector<16xi1>, vector<16xi32>
      %convert_element_type3A_546 = arith.sitofp %select_n3A_545 : vector<16xi32> to vector<16xf32>
      %sub3A_547 = arith.subf %convert_element_type3A_546, %div3A_538 : vector<16xf32>
      %mul3A_548 = arith.mulf %get3A_522, %sub3A_547 : vector<16xf32>
      tpu.vector_store_idx %arg9[%convert_element_type3A_539, %add3A_45], %mul3A_548 {add = true} : memref<51x512xf32, #tpu.memory_space<vmem>>[vector<16xi32>, vector<16xi32>], vector<16xf32>,
      %sub3A_549 = arith.subf %div3A_538, %convert_element_type3A_540 : vector<16xf32>
      %mul3A_550 = arith.mulf %get3A_522, %sub3A_549 : vector<16xf32>
      tpu.vector_store_idx %arg9[%select_n3A_545, %add3A_45], %mul3A_550 {add = true} : memref<51x512xf32, #tpu.memory_space<vmem>>[vector<16xi32>, vector<16xi32>], vector<16xf32>,
      %get3A_551 = arith.constant 16 : i32
      %get3A_552 = arith.index_cast %get3A_551 : i32 to index
      %get3A_553 = arith.index_cast %mul3A_37 : i32 to index
      %get3A_554 = tpu.vector_load %arg6[%get3A_552, %get3A_553] {strides = array<i32>} : memref<51x512xf32, #tpu.memory_space<vmem>>, vector<16xf32>,
      %mul3A_555 = arith.constant -3.60000038 : f32
      %mul3A_556 = vector.broadcast %mul3A_555 : f32 to vector<16xf32>
      %mul3A_557 = arith.mulf %mul3A_43, %mul3A_556 : vector<16xf32>
      %add3A_558 = arith.addf %get3A_38, %mul3A_557 : vector<16xf32>
      %max3A_559 = arith.constant -1.000000e+01 : f32
      %max3A_560 = vector.broadcast %max3A_559 : f32 to vector<16xf32>
      %max3A_561 = arith.maximumf %add3A_558, %max3A_560 : vector<16xf32>
      %min3A_562 = arith.constant 1.000000e+01 : f32
      %min3A_563 = vector.broadcast %min3A_562 : f32 to vector<16xf32>
      %min3A_564 = arith.minimumf %max3A_561, %min3A_563 : vector<16xf32>
      %sub3A_565 = arith.constant -1.000000e+01 : f32
      %sub3A_566 = vector.broadcast %sub3A_565 : f32 to vector<16xf32>
      %sub3A_567 = arith.subf %min3A_564, %sub3A_566 : vector<16xf32>
      %div3A_568 = arith.constant 4.000000e-01 : f32
      %div3A_569 = vector.broadcast %div3A_568 : f32 to vector<16xf32>
      %div3A_570 = arith.divf %sub3A_567, %div3A_569 : vector<16xf32>
      %convert_element_type3A_571 = arith.fptosi %div3A_570 : vector<16xf32> to vector<16xi32>
      %convert_element_type3A_572 = arith.sitofp %convert_element_type3A_571 : vector<16xi32> to vector<16xf32>
      %gt3A_573 = arith.cmpf ogt, %div3A_570, %convert_element_type3A_572 : vector<16xf32>
      %add3A_574 = arith.constant 1 : i32
      %add3A_575 = vector.broadcast %add3A_574 : i32 to vector<16xi32>
      %add3A_576 = arith.addi %convert_element_type3A_571, %add3A_575 : vector<16xi32>
      %select_n3A_577 = arith.select %gt3A_573, %add3A_576, %convert_element_type3A_571 : vector<16xi1>, vector<16xi32>
      %convert_element_type3A_578 = arith.sitofp %select_n3A_577 : vector<16xi32> to vector<16xf32>
      %sub3A_579 = arith.subf %convert_element_type3A_578, %div3A_570 : vector<16xf32>
      %mul3A_580 = arith.mulf %get3A_554, %sub3A_579 : vector<16xf32>
      tpu.vector_store_idx %arg9[%convert_element_type3A_571, %add3A_45], %mul3A_580 {add = true} : memref<51x512xf32, #tpu.memory_space<vmem>>[vector<16xi32>, vector<16xi32>], vector<16xf32>,
      %sub3A_581 = arith.subf %div3A_570, %convert_element_type3A_572 : vector<16xf32>
      %mul3A_582 = arith.mulf %get3A_554, %sub3A_581 : vector<16xf32>
      tpu.vector_store_idx %arg9[%select_n3A_577, %add3A_45], %mul3A_582 {add = true} : memref<51x512xf32, #tpu.memory_space<vmem>>[vector<16xi32>, vector<16xi32>], vector<16xf32>,
      %get3A_583 = arith.constant 17 : i32
      %get3A_584 = arith.index_cast %get3A_583 : i32 to index
      %get3A_585 = arith.index_cast %mul3A_37 : i32 to index
      %get3A_586 = tpu.vector_load %arg6[%get3A_584, %get3A_585] {strides = array<i32>} : memref<51x512xf32, #tpu.memory_space<vmem>>, vector<16xf32>,
      %mul3A_587 = arith.constant -3.19999957 : f32
      %mul3A_588 = vector.broadcast %mul3A_587 : f32 to vector<16xf32>
      %mul3A_589 = arith.mulf %mul3A_43, %mul3A_588 : vector<16xf32>
      %add3A_590 = arith.addf %get3A_38, %mul3A_589 : vector<16xf32>
      %max3A_591 = arith.constant -1.000000e+01 : f32
      %max3A_592 = vector.broadcast %max3A_591 : f32 to vector<16xf32>
      %max3A_593 = arith.maximumf %add3A_590, %max3A_592 : vector<16xf32>
      %min3A_594 = arith.constant 1.000000e+01 : f32
      %min3A_595 = vector.broadcast %min3A_594 : f32 to vector<16xf32>
      %min3A_596 = arith.minimumf %max3A_593, %min3A_595 : vector<16xf32>
      %sub3A_597 = arith.constant -1.000000e+01 : f32
      %sub3A_598 = vector.broadcast %sub3A_597 : f32 to vector<16xf32>
      %sub3A_599 = arith.subf %min3A_596, %sub3A_598 : vector<16xf32>
      %div3A_600 = arith.constant 4.000000e-01 : f32
      %div3A_601 = vector.broadcast %div3A_600 : f32 to vector<16xf32>
      %div3A_602 = arith.divf %sub3A_599, %div3A_601 : vector<16xf32>
      %convert_element_type3A_603 = arith.fptosi %div3A_602 : vector<16xf32> to vector<16xi32>
      %convert_element_type3A_604 = arith.sitofp %convert_element_type3A_603 : vector<16xi32> to vector<16xf32>
      %gt3A_605 = arith.cmpf ogt, %div3A_602, %convert_element_type3A_604 : vector<16xf32>
      %add3A_606 = arith.constant 1 : i32
      %add3A_607 = vector.broadcast %add3A_606 : i32 to vector<16xi32>
      %add3A_608 = arith.addi %convert_element_type3A_603, %add3A_607 : vector<16xi32>
      %select_n3A_609 = arith.select %gt3A_605, %add3A_608, %convert_element_type3A_603 : vector<16xi1>, vector<16xi32>
      %convert_element_type3A_610 = arith.sitofp %select_n3A_609 : vector<16xi32> to vector<16xf32>
      %sub3A_611 = arith.subf %convert_element_type3A_610, %div3A_602 : vector<16xf32>
      %mul3A_612 = arith.mulf %get3A_586, %sub3A_611 : vector<16xf32>
      tpu.vector_store_idx %arg9[%convert_element_type3A_603, %add3A_45], %mul3A_612 {add = true} : memref<51x512xf32, #tpu.memory_space<vmem>>[vector<16xi32>, vector<16xi32>], vector<16xf32>,
      %sub3A_613 = arith.subf %div3A_602, %convert_element_type3A_604 : vector<16xf32>
      %mul3A_614 = arith.mulf %get3A_586, %sub3A_613 : vector<16xf32>
      tpu.vector_store_idx %arg9[%select_n3A_609, %add3A_45], %mul3A_614 {add = true} : memref<51x512xf32, #tpu.memory_space<vmem>>[vector<16xi32>, vector<16xi32>], vector<16xf32>,
      %get3A_615 = arith.constant 18 : i32
      %get3A_616 = arith.index_cast %get3A_615 : i32 to index
      %get3A_617 = arith.index_cast %mul3A_37 : i32 to index
      %get3A_618 = tpu.vector_load %arg6[%get3A_616, %get3A_617] {strides = array<i32>} : memref<51x512xf32, #tpu.memory_space<vmem>>, vector<16xf32>,
      %mul3A_619 = arith.constant -2.79999971 : f32
      %mul3A_620 = vector.broadcast %mul3A_619 : f32 to vector<16xf32>
      %mul3A_621 = arith.mulf %mul3A_43, %mul3A_620 : vector<16xf32>
      %add3A_622 = arith.addf %get3A_38, %mul3A_621 : vector<16xf32>
      %max3A_623 = arith.constant -1.000000e+01 : f32
      %max3A_624 = vector.broadcast %max3A_623 : f32 to vector<16xf32>
      %max3A_625 = arith.maximumf %add3A_622, %max3A_624 : vector<16xf32>
      %min3A_626 = arith.constant 1.000000e+01 : f32
      %min3A_627 = vector.broadcast %min3A_626 : f32 to vector<16xf32>
      %min3A_628 = arith.minimumf %max3A_625, %min3A_627 : vector<16xf32>
      %sub3A_629 = arith.constant -1.000000e+01 : f32
      %sub3A_630 = vector.broadcast %sub3A_629 : f32 to vector<16xf32>
      %sub3A_631 = arith.subf %min3A_628, %sub3A_630 : vector<16xf32>
      %div3A_632 = arith.constant 4.000000e-01 : f32
      %div3A_633 = vector.broadcast %div3A_632 : f32 to vector<16xf32>
      %div3A_634 = arith.divf %sub3A_631, %div3A_633 : vector<16xf32>
      %convert_element_type3A_635 = arith.fptosi %div3A_634 : vector<16xf32> to vector<16xi32>
      %convert_element_type3A_636 = arith.sitofp %convert_element_type3A_635 : vector<16xi32> to vector<16xf32>
      %gt3A_637 = arith.cmpf ogt, %div3A_634, %convert_element_type3A_636 : vector<16xf32>
      %add3A_638 = arith.constant 1 : i32
      %add3A_639 = vector.broadcast %add3A_638 : i32 to vector<16xi32>
      %add3A_640 = arith.addi %convert_element_type3A_635, %add3A_639 : vector<16xi32>
      %select_n3A_641 = arith.select %gt3A_637, %add3A_640, %convert_element_type3A_635 : vector<16xi1>, vector<16xi32>
      %convert_element_type3A_642 = arith.sitofp %select_n3A_641 : vector<16xi32> to vector<16xf32>
      %sub3A_643 = arith.subf %convert_element_type3A_642, %div3A_634 : vector<16xf32>
      %mul3A_644 = arith.mulf %get3A_618, %sub3A_643 : vector<16xf32>
      tpu.vector_store_idx %arg9[%convert_element_type3A_635, %add3A_45], %mul3A_644 {add = true} : memref<51x512xf32, #tpu.memory_space<vmem>>[vector<16xi32>, vector<16xi32>], vector<16xf32>,
      %sub3A_645 = arith.subf %div3A_634, %convert_element_type3A_636 : vector<16xf32>
      %mul3A_646 = arith.mulf %get3A_618, %sub3A_645 : vector<16xf32>
      tpu.vector_store_idx %arg9[%select_n3A_641, %add3A_45], %mul3A_646 {add = true} : memref<51x512xf32, #tpu.memory_space<vmem>>[vector<16xi32>, vector<16xi32>], vector<16xf32>,
      %get3A_647 = arith.constant 19 : i32
      %get3A_648 = arith.index_cast %get3A_647 : i32 to index
      %get3A_649 = arith.index_cast %mul3A_37 : i32 to index
      %get3A_650 = tpu.vector_load %arg6[%get3A_648, %get3A_649] {strides = array<i32>} : memref<51x512xf32, #tpu.memory_space<vmem>>, vector<16xf32>,
      %mul3A_651 = arith.constant -2.400000e+00 : f32
      %mul3A_652 = vector.broadcast %mul3A_651 : f32 to vector<16xf32>
      %mul3A_653 = arith.mulf %mul3A_43, %mul3A_652 : vector<16xf32>
      %add3A_654 = arith.addf %get3A_38, %mul3A_653 : vector<16xf32>
      %max3A_655 = arith.constant -1.000000e+01 : f32
      %max3A_656 = vector.broadcast %max3A_655 : f32 to vector<16xf32>
      %max3A_657 = arith.maximumf %add3A_654, %max3A_656 : vector<16xf32>
      %min3A_658 = arith.constant 1.000000e+01 : f32
      %min3A_659 = vector.broadcast %min3A_658 : f32 to vector<16xf32>
      %min3A_660 = arith.minimumf %max3A_657, %min3A_659 : vector<16xf32>
      %sub3A_661 = arith.constant -1.000000e+01 : f32
      %sub3A_662 = vector.broadcast %sub3A_661 : f32 to vector<16xf32>
      %sub3A_663 = arith.subf %min3A_660, %sub3A_662 : vector<16xf32>
      %div3A_664 = arith.constant 4.000000e-01 : f32
      %div3A_665 = vector.broadcast %div3A_664 : f32 to vector<16xf32>
      %div3A_666 = arith.divf %sub3A_663, %div3A_665 : vector<16xf32>
      %convert_element_type3A_667 = arith.fptosi %div3A_666 : vector<16xf32> to vector<16xi32>
      %convert_element_type3A_668 = arith.sitofp %convert_element_type3A_667 : vector<16xi32> to vector<16xf32>
      %gt3A_669 = arith.cmpf ogt, %div3A_666, %convert_element_type3A_668 : vector<16xf32>
      %add3A_670 = arith.constant 1 : i32
      %add3A_671 = vector.broadcast %add3A_670 : i32 to vector<16xi32>
      %add3A_672 = arith.addi %convert_element_type3A_667, %add3A_671 : vector<16xi32>
      %select_n3A_673 = arith.select %gt3A_669, %add3A_672, %convert_element_type3A_667 : vector<16xi1>, vector<16xi32>
      %convert_element_type3A_674 = arith.sitofp %select_n3A_673 : vector<16xi32> to vector<16xf32>
      %sub3A_675 = arith.subf %convert_element_type3A_674, %div3A_666 : vector<16xf32>
      %mul3A_676 = arith.mulf %get3A_650, %sub3A_675 : vector<16xf32>
      tpu.vector_store_idx %arg9[%convert_element_type3A_667, %add3A_45], %mul3A_676 {add = true} : memref<51x512xf32, #tpu.memory_space<vmem>>[vector<16xi32>, vector<16xi32>], vector<16xf32>,
      %sub3A_677 = arith.subf %div3A_666, %convert_element_type3A_668 : vector<16xf32>
      %mul3A_678 = arith.mulf %get3A_650, %sub3A_677 : vector<16xf32>
      tpu.vector_store_idx %arg9[%select_n3A_673, %add3A_45], %mul3A_678 {add = true} : memref<51x512xf32, #tpu.memory_space<vmem>>[vector<16xi32>, vector<16xi32>], vector<16xf32>,
      %get3A_679 = arith.constant 20 : i32
      %get3A_680 = arith.index_cast %get3A_679 : i32 to index
      %get3A_681 = arith.index_cast %mul3A_37 : i32 to index
      %get3A_682 = tpu.vector_load %arg6[%get3A_680, %get3A_681] {strides = array<i32>} : memref<51x512xf32, #tpu.memory_space<vmem>>, vector<16xf32>,
      %mul3A_683 = arith.constant -2.00000024 : f32
      %mul3A_684 = vector.broadcast %mul3A_683 : f32 to vector<16xf32>
      %mul3A_685 = arith.mulf %mul3A_43, %mul3A_684 : vector<16xf32>
      %add3A_686 = arith.addf %get3A_38, %mul3A_685 : vector<16xf32>
      %max3A_687 = arith.constant -1.000000e+01 : f32
      %max3A_688 = vector.broadcast %max3A_687 : f32 to vector<16xf32>
      %max3A_689 = arith.maximumf %add3A_686, %max3A_688 : vector<16xf32>
      %min3A_690 = arith.constant 1.000000e+01 : f32
      %min3A_691 = vector.broadcast %min3A_690 : f32 to vector<16xf32>
      %min3A_692 = arith.minimumf %max3A_689, %min3A_691 : vector<16xf32>
      %sub3A_693 = arith.constant -1.000000e+01 : f32
      %sub3A_694 = vector.broadcast %sub3A_693 : f32 to vector<16xf32>
      %sub3A_695 = arith.subf %min3A_692, %sub3A_694 : vector<16xf32>
      %div3A_696 = arith.constant 4.000000e-01 : f32
      %div3A_697 = vector.broadcast %div3A_696 : f32 to vector<16xf32>
      %div3A_698 = arith.divf %sub3A_695, %div3A_697 : vector<16xf32>
      %convert_element_type3A_699 = arith.fptosi %div3A_698 : vector<16xf32> to vector<16xi32>
      %convert_element_type3A_700 = arith.sitofp %convert_element_type3A_699 : vector<16xi32> to vector<16xf32>
      %gt3A_701 = arith.cmpf ogt, %div3A_698, %convert_element_type3A_700 : vector<16xf32>
      %add3A_702 = arith.constant 1 : i32
      %add3A_703 = vector.broadcast %add3A_702 : i32 to vector<16xi32>
      %add3A_704 = arith.addi %convert_element_type3A_699, %add3A_703 : vector<16xi32>
      %select_n3A_705 = arith.select %gt3A_701, %add3A_704, %convert_element_type3A_699 : vector<16xi1>, vector<16xi32>
      %convert_element_type3A_706 = arith.sitofp %select_n3A_705 : vector<16xi32> to vector<16xf32>
      %sub3A_707 = arith.subf %convert_element_type3A_706, %div3A_698 : vector<16xf32>
      %mul3A_708 = arith.mulf %get3A_682, %sub3A_707 : vector<16xf32>
      tpu.vector_store_idx %arg9[%convert_element_type3A_699, %add3A_45], %mul3A_708 {add = true} : memref<51x512xf32, #tpu.memory_space<vmem>>[vector<16xi32>, vector<16xi32>], vector<16xf32>,
      %sub3A_709 = arith.subf %div3A_698, %convert_element_type3A_700 : vector<16xf32>
      %mul3A_710 = arith.mulf %get3A_682, %sub3A_709 : vector<16xf32>
      tpu.vector_store_idx %arg9[%select_n3A_705, %add3A_45], %mul3A_710 {add = true} : memref<51x512xf32, #tpu.memory_space<vmem>>[vector<16xi32>, vector<16xi32>], vector<16xf32>,
      %get3A_711 = arith.constant 21 : i32
      %get3A_712 = arith.index_cast %get3A_711 : i32 to index
      %get3A_713 = arith.index_cast %mul3A_37 : i32 to index
      %get3A_714 = tpu.vector_load %arg6[%get3A_712, %get3A_713] {strides = array<i32>} : memref<51x512xf32, #tpu.memory_space<vmem>>, vector<16xf32>,
      %mul3A_715 = arith.constant -1.60000038 : f32
      %mul3A_716 = vector.broadcast %mul3A_715 : f32 to vector<16xf32>
      %mul3A_717 = arith.mulf %mul3A_43, %mul3A_716 : vector<16xf32>
      %add3A_718 = arith.addf %get3A_38, %mul3A_717 : vector<16xf32>
      %max3A_719 = arith.constant -1.000000e+01 : f32
      %max3A_720 = vector.broadcast %max3A_719 : f32 to vector<16xf32>
      %max3A_721 = arith.maximumf %add3A_718, %max3A_720 : vector<16xf32>
      %min3A_722 = arith.constant 1.000000e+01 : f32
      %min3A_723 = vector.broadcast %min3A_722 : f32 to vector<16xf32>
      %min3A_724 = arith.minimumf %max3A_721, %min3A_723 : vector<16xf32>
      %sub3A_725 = arith.constant -1.000000e+01 : f32
      %sub3A_726 = vector.broadcast %sub3A_725 : f32 to vector<16xf32>
      %sub3A_727 = arith.subf %min3A_724, %sub3A_726 : vector<16xf32>
      %div3A_728 = arith.constant 4.000000e-01 : f32
      %div3A_729 = vector.broadcast %div3A_728 : f32 to vector<16xf32>
      %div3A_730 = arith.divf %sub3A_727, %div3A_729 : vector<16xf32>
      %convert_element_type3A_731 = arith.fptosi %div3A_730 : vector<16xf32> to vector<16xi32>
      %convert_element_type3A_732 = arith.sitofp %convert_element_type3A_731 : vector<16xi32> to vector<16xf32>
      %gt3A_733 = arith.cmpf ogt, %div3A_730, %convert_element_type3A_732 : vector<16xf32>
      %add3A_734 = arith.constant 1 : i32
      %add3A_735 = vector.broadcast %add3A_734 : i32 to vector<16xi32>
      %add3A_736 = arith.addi %convert_element_type3A_731, %add3A_735 : vector<16xi32>
      %select_n3A_737 = arith.select %gt3A_733, %add3A_736, %convert_element_type3A_731 : vector<16xi1>, vector<16xi32>
      %convert_element_type3A_738 = arith.sitofp %select_n3A_737 : vector<16xi32> to vector<16xf32>
      %sub3A_739 = arith.subf %convert_element_type3A_738, %div3A_730 : vector<16xf32>
      %mul3A_740 = arith.mulf %get3A_714, %sub3A_739 : vector<16xf32>
      tpu.vector_store_idx %arg9[%convert_element_type3A_731, %add3A_45], %mul3A_740 {add = true} : memref<51x512xf32, #tpu.memory_space<vmem>>[vector<16xi32>, vector<16xi32>], vector<16xf32>,
      %sub3A_741 = arith.subf %div3A_730, %convert_element_type3A_732 : vector<16xf32>
      %mul3A_742 = arith.mulf %get3A_714, %sub3A_741 : vector<16xf32>
      tpu.vector_store_idx %arg9[%select_n3A_737, %add3A_45], %mul3A_742 {add = true} : memref<51x512xf32, #tpu.memory_space<vmem>>[vector<16xi32>, vector<16xi32>], vector<16xf32>,
      %get3A_743 = arith.constant 22 : i32
      %get3A_744 = arith.index_cast %get3A_743 : i32 to index
      %get3A_745 = arith.index_cast %mul3A_37 : i32 to index
      %get3A_746 = tpu.vector_load %arg6[%get3A_744, %get3A_745] {strides = array<i32>} : memref<51x512xf32, #tpu.memory_space<vmem>>, vector<16xf32>,
      %mul3A_747 = arith.constant -1.20000017 : f32
      %mul3A_748 = vector.broadcast %mul3A_747 : f32 to vector<16xf32>
      %mul3A_749 = arith.mulf %mul3A_43, %mul3A_748 : vector<16xf32>
      %add3A_750 = arith.addf %get3A_38, %mul3A_749 : vector<16xf32>
      %max3A_751 = arith.constant -1.000000e+01 : f32
      %max3A_752 = vector.broadcast %max3A_751 : f32 to vector<16xf32>
      %max3A_753 = arith.maximumf %add3A_750, %max3A_752 : vector<16xf32>
      %min3A_754 = arith.constant 1.000000e+01 : f32
      %min3A_755 = vector.broadcast %min3A_754 : f32 to vector<16xf32>
      %min3A_756 = arith.minimumf %max3A_753, %min3A_755 : vector<16xf32>
      %sub3A_757 = arith.constant -1.000000e+01 : f32
      %sub3A_758 = vector.broadcast %sub3A_757 : f32 to vector<16xf32>
      %sub3A_759 = arith.subf %min3A_756, %sub3A_758 : vector<16xf32>
      %div3A_760 = arith.constant 4.000000e-01 : f32
      %div3A_761 = vector.broadcast %div3A_760 : f32 to vector<16xf32>
      %div3A_762 = arith.divf %sub3A_759, %div3A_761 : vector<16xf32>
      %convert_element_type3A_763 = arith.fptosi %div3A_762 : vector<16xf32> to vector<16xi32>
      %convert_element_type3A_764 = arith.sitofp %convert_element_type3A_763 : vector<16xi32> to vector<16xf32>
      %gt3A_765 = arith.cmpf ogt, %div3A_762, %convert_element_type3A_764 : vector<16xf32>
      %add3A_766 = arith.constant 1 : i32
      %add3A_767 = vector.broadcast %add3A_766 : i32 to vector<16xi32>
      %add3A_768 = arith.addi %convert_element_type3A_763, %add3A_767 : vector<16xi32>
      %select_n3A_769 = arith.select %gt3A_765, %add3A_768, %convert_element_type3A_763 : vector<16xi1>, vector<16xi32>
      %convert_element_type3A_770 = arith.sitofp %select_n3A_769 : vector<16xi32> to vector<16xf32>
      %sub3A_771 = arith.subf %convert_element_type3A_770, %div3A_762 : vector<16xf32>
      %mul3A_772 = arith.mulf %get3A_746, %sub3A_771 : vector<16xf32>
      tpu.vector_store_idx %arg9[%convert_element_type3A_763, %add3A_45], %mul3A_772 {add = true} : memref<51x512xf32, #tpu.memory_space<vmem>>[vector<16xi32>, vector<16xi32>], vector<16xf32>,
      %sub3A_773 = arith.subf %div3A_762, %convert_element_type3A_764 : vector<16xf32>
      %mul3A_774 = arith.mulf %get3A_746, %sub3A_773 : vector<16xf32>
      tpu.vector_store_idx %arg9[%select_n3A_769, %add3A_45], %mul3A_774 {add = true} : memref<51x512xf32, #tpu.memory_space<vmem>>[vector<16xi32>, vector<16xi32>], vector<16xf32>,
      %get3A_775 = arith.constant 23 : i32
      %get3A_776 = arith.index_cast %get3A_775 : i32 to index
      %get3A_777 = arith.index_cast %mul3A_37 : i32 to index
      %get3A_778 = tpu.vector_load %arg6[%get3A_776, %get3A_777] {strides = array<i32>} : memref<51x512xf32, #tpu.memory_space<vmem>>, vector<16xf32>,
      %mul3A_779 = arith.constant -0.800000369 : f32
      %mul3A_780 = vector.broadcast %mul3A_779 : f32 to vector<16xf32>
      %mul3A_781 = arith.mulf %mul3A_43, %mul3A_780 : vector<16xf32>
      %add3A_782 = arith.addf %get3A_38, %mul3A_781 : vector<16xf32>
      %max3A_783 = arith.constant -1.000000e+01 : f32
      %max3A_784 = vector.broadcast %max3A_783 : f32 to vector<16xf32>
      %max3A_785 = arith.maximumf %add3A_782, %max3A_784 : vector<16xf32>
      %min3A_786 = arith.constant 1.000000e+01 : f32
      %min3A_787 = vector.broadcast %min3A_786 : f32 to vector<16xf32>
      %min3A_788 = arith.minimumf %max3A_785, %min3A_787 : vector<16xf32>
      %sub3A_789 = arith.constant -1.000000e+01 : f32
      %sub3A_790 = vector.broadcast %sub3A_789 : f32 to vector<16xf32>
      %sub3A_791 = arith.subf %min3A_788, %sub3A_790 : vector<16xf32>
      %div3A_792 = arith.constant 4.000000e-01 : f32
      %div3A_793 = vector.broadcast %div3A_792 : f32 to vector<16xf32>
      %div3A_794 = arith.divf %sub3A_791, %div3A_793 : vector<16xf32>
      %convert_element_type3A_795 = arith.fptosi %div3A_794 : vector<16xf32> to vector<16xi32>
      %convert_element_type3A_796 = arith.sitofp %convert_element_type3A_795 : vector<16xi32> to vector<16xf32>
      %gt3A_797 = arith.cmpf ogt, %div3A_794, %convert_element_type3A_796 : vector<16xf32>
      %add3A_798 = arith.constant 1 : i32
      %add3A_799 = vector.broadcast %add3A_798 : i32 to vector<16xi32>
      %add3A_800 = arith.addi %convert_element_type3A_795, %add3A_799 : vector<16xi32>
      %select_n3A_801 = arith.select %gt3A_797, %add3A_800, %convert_element_type3A_795 : vector<16xi1>, vector<16xi32>
      %convert_element_type3A_802 = arith.sitofp %select_n3A_801 : vector<16xi32> to vector<16xf32>
      %sub3A_803 = arith.subf %convert_element_type3A_802, %div3A_794 : vector<16xf32>
      %mul3A_804 = arith.mulf %get3A_778, %sub3A_803 : vector<16xf32>
      tpu.vector_store_idx %arg9[%convert_element_type3A_795, %add3A_45], %mul3A_804 {add = true} : memref<51x512xf32, #tpu.memory_space<vmem>>[vector<16xi32>, vector<16xi32>], vector<16xf32>,
      %sub3A_805 = arith.subf %div3A_794, %convert_element_type3A_796 : vector<16xf32>
      %mul3A_806 = arith.mulf %get3A_778, %sub3A_805 : vector<16xf32>
      tpu.vector_store_idx %arg9[%select_n3A_801, %add3A_45], %mul3A_806 {add = true} : memref<51x512xf32, #tpu.memory_space<vmem>>[vector<16xi32>, vector<16xi32>], vector<16xf32>,
      %get3A_807 = arith.constant 24 : i32
      %get3A_808 = arith.index_cast %get3A_807 : i32 to index
      %get3A_809 = arith.index_cast %mul3A_37 : i32 to index
      %get3A_810 = tpu.vector_load %arg6[%get3A_808, %get3A_809] {strides = array<i32>} : memref<51x512xf32, #tpu.memory_space<vmem>>, vector<16xf32>,
      %mul3A_811 = arith.constant -0.400000095 : f32
      %mul3A_812 = vector.broadcast %mul3A_811 : f32 to vector<16xf32>
      %mul3A_813 = arith.mulf %mul3A_43, %mul3A_812 : vector<16xf32>
      %add3A_814 = arith.addf %get3A_38, %mul3A_813 : vector<16xf32>
      %max3A_815 = arith.constant -1.000000e+01 : f32
      %max3A_816 = vector.broadcast %max3A_815 : f32 to vector<16xf32>
      %max3A_817 = arith.maximumf %add3A_814, %max3A_816 : vector<16xf32>
      %min3A_818 = arith.constant 1.000000e+01 : f32
      %min3A_819 = vector.broadcast %min3A_818 : f32 to vector<16xf32>
      %min3A_820 = arith.minimumf %max3A_817, %min3A_819 : vector<16xf32>
      %sub3A_821 = arith.constant -1.000000e+01 : f32
      %sub3A_822 = vector.broadcast %sub3A_821 : f32 to vector<16xf32>
      %sub3A_823 = arith.subf %min3A_820, %sub3A_822 : vector<16xf32>
      %div3A_824 = arith.constant 4.000000e-01 : f32
      %div3A_825 = vector.broadcast %div3A_824 : f32 to vector<16xf32>
      %div3A_826 = arith.divf %sub3A_823, %div3A_825 : vector<16xf32>
      %convert_element_type3A_827 = arith.fptosi %div3A_826 : vector<16xf32> to vector<16xi32>
      %convert_element_type3A_828 = arith.sitofp %convert_element_type3A_827 : vector<16xi32> to vector<16xf32>
      %gt3A_829 = arith.cmpf ogt, %div3A_826, %convert_element_type3A_828 : vector<16xf32>
      %add3A_830 = arith.constant 1 : i32
      %add3A_831 = vector.broadcast %add3A_830 : i32 to vector<16xi32>
      %add3A_832 = arith.addi %convert_element_type3A_827, %add3A_831 : vector<16xi32>
      %select_n3A_833 = arith.select %gt3A_829, %add3A_832, %convert_element_type3A_827 : vector<16xi1>, vector<16xi32>
      %convert_element_type3A_834 = arith.sitofp %select_n3A_833 : vector<16xi32> to vector<16xf32>
      %sub3A_835 = arith.subf %convert_element_type3A_834, %div3A_826 : vector<16xf32>
      %mul3A_836 = arith.mulf %get3A_810, %sub3A_835 : vector<16xf32>
      tpu.vector_store_idx %arg9[%convert_element_type3A_827, %add3A_45], %mul3A_836 {add = true} : memref<51x512xf32, #tpu.memory_space<vmem>>[vector<16xi32>, vector<16xi32>], vector<16xf32>,
      %sub3A_837 = arith.subf %div3A_826, %convert_element_type3A_828 : vector<16xf32>
      %mul3A_838 = arith.mulf %get3A_810, %sub3A_837 : vector<16xf32>
      tpu.vector_store_idx %arg9[%select_n3A_833, %add3A_45], %mul3A_838 {add = true} : memref<51x512xf32, #tpu.memory_space<vmem>>[vector<16xi32>, vector<16xi32>], vector<16xf32>,
      %get3A_839 = arith.constant 25 : i32
      %get3A_840 = arith.index_cast %get3A_839 : i32 to index
      %get3A_841 = arith.index_cast %mul3A_37 : i32 to index
      %get3A_842 = tpu.vector_load %arg6[%get3A_840, %get3A_841] {strides = array<i32>} : memref<51x512xf32, #tpu.memory_space<vmem>>, vector<16xf32>,
      %mul3A_843 = arith.constant -2.98023224E-7 : f32
      %mul3A_844 = vector.broadcast %mul3A_843 : f32 to vector<16xf32>
      %mul3A_845 = arith.mulf %mul3A_43, %mul3A_844 : vector<16xf32>
      %add3A_846 = arith.addf %get3A_38, %mul3A_845 : vector<16xf32>
      %max3A_847 = arith.constant -1.000000e+01 : f32
      %max3A_848 = vector.broadcast %max3A_847 : f32 to vector<16xf32>
      %max3A_849 = arith.maximumf %add3A_846, %max3A_848 : vector<16xf32>
      %min3A_850 = arith.constant 1.000000e+01 : f32
      %min3A_851 = vector.broadcast %min3A_850 : f32 to vector<16xf32>
      %min3A_852 = arith.minimumf %max3A_849, %min3A_851 : vector<16xf32>
      %sub3A_853 = arith.constant -1.000000e+01 : f32
      %sub3A_854 = vector.broadcast %sub3A_853 : f32 to vector<16xf32>
      %sub3A_855 = arith.subf %min3A_852, %sub3A_854 : vector<16xf32>
      %div3A_856 = arith.constant 4.000000e-01 : f32
      %div3A_857 = vector.broadcast %div3A_856 : f32 to vector<16xf32>
      %div3A_858 = arith.divf %sub3A_855, %div3A_857 : vector<16xf32>
      %convert_element_type3A_859 = arith.fptosi %div3A_858 : vector<16xf32> to vector<16xi32>
      %convert_element_type3A_860 = arith.sitofp %convert_element_type3A_859 : vector<16xi32> to vector<16xf32>
      %gt3A_861 = arith.cmpf ogt, %div3A_858, %convert_element_type3A_860 : vector<16xf32>
      %add3A_862 = arith.constant 1 : i32
      %add3A_863 = vector.broadcast %add3A_862 : i32 to vector<16xi32>
      %add3A_864 = arith.addi %convert_element_type3A_859, %add3A_863 : vector<16xi32>
      %select_n3A_865 = arith.select %gt3A_861, %add3A_864, %convert_element_type3A_859 : vector<16xi1>, vector<16xi32>
      %convert_element_type3A_866 = arith.sitofp %select_n3A_865 : vector<16xi32> to vector<16xf32>
      %sub3A_867 = arith.subf %convert_element_type3A_866, %div3A_858 : vector<16xf32>
      %mul3A_868 = arith.mulf %get3A_842, %sub3A_867 : vector<16xf32>
      tpu.vector_store_idx %arg9[%convert_element_type3A_859, %add3A_45], %mul3A_868 {add = true} : memref<51x512xf32, #tpu.memory_space<vmem>>[vector<16xi32>, vector<16xi32>], vector<16xf32>,
      %sub3A_869 = arith.subf %div3A_858, %convert_element_type3A_860 : vector<16xf32>
      %mul3A_870 = arith.mulf %get3A_842, %sub3A_869 : vector<16xf32>
      tpu.vector_store_idx %arg9[%select_n3A_865, %add3A_45], %mul3A_870 {add = true} : memref<51x512xf32, #tpu.memory_space<vmem>>[vector<16xi32>, vector<16xi32>], vector<16xf32>,
      %get3A_871 = arith.constant 26 : i32
      %get3A_872 = arith.index_cast %get3A_871 : i32 to index
      %get3A_873 = arith.index_cast %mul3A_37 : i32 to index
      %get3A_874 = tpu.vector_load %arg6[%get3A_872, %get3A_873] {strides = array<i32>} : memref<51x512xf32, #tpu.memory_space<vmem>>, vector<16xf32>,
      %mul3A_875 = arith.constant 0.399999499 : f32
      %mul3A_876 = vector.broadcast %mul3A_875 : f32 to vector<16xf32>
      %mul3A_877 = arith.mulf %mul3A_43, %mul3A_876 : vector<16xf32>
      %add3A_878 = arith.addf %get3A_38, %mul3A_877 : vector<16xf32>
      %max3A_879 = arith.constant -1.000000e+01 : f32
      %max3A_880 = vector.broadcast %max3A_879 : f32 to vector<16xf32>
      %max3A_881 = arith.maximumf %add3A_878, %max3A_880 : vector<16xf32>
      %min3A_882 = arith.constant 1.000000e+01 : f32
      %min3A_883 = vector.broadcast %min3A_882 : f32 to vector<16xf32>
      %min3A_884 = arith.minimumf %max3A_881, %min3A_883 : vector<16xf32>
      %sub3A_885 = arith.constant -1.000000e+01 : f32
      %sub3A_886 = vector.broadcast %sub3A_885 : f32 to vector<16xf32>
      %sub3A_887 = arith.subf %min3A_884, %sub3A_886 : vector<16xf32>
      %div3A_888 = arith.constant 4.000000e-01 : f32
      %div3A_889 = vector.broadcast %div3A_888 : f32 to vector<16xf32>
      %div3A_890 = arith.divf %sub3A_887, %div3A_889 : vector<16xf32>
      %convert_element_type3A_891 = arith.fptosi %div3A_890 : vector<16xf32> to vector<16xi32>
      %convert_element_type3A_892 = arith.sitofp %convert_element_type3A_891 : vector<16xi32> to vector<16xf32>
      %gt3A_893 = arith.cmpf ogt, %div3A_890, %convert_element_type3A_892 : vector<16xf32>
      %add3A_894 = arith.constant 1 : i32
      %add3A_895 = vector.broadcast %add3A_894 : i32 to vector<16xi32>
      %add3A_896 = arith.addi %convert_element_type3A_891, %add3A_895 : vector<16xi32>
      %select_n3A_897 = arith.select %gt3A_893, %add3A_896, %convert_element_type3A_891 : vector<16xi1>, vector<16xi32>
      %convert_element_type3A_898 = arith.sitofp %select_n3A_897 : vector<16xi32> to vector<16xf32>
      %sub3A_899 = arith.subf %convert_element_type3A_898, %div3A_890 : vector<16xf32>
      %mul3A_900 = arith.mulf %get3A_874, %sub3A_899 : vector<16xf32>
      tpu.vector_store_idx %arg9[%convert_element_type3A_891, %add3A_45], %mul3A_900 {add = true} : memref<51x512xf32, #tpu.memory_space<vmem>>[vector<16xi32>, vector<16xi32>], vector<16xf32>,
      %sub3A_901 = arith.subf %div3A_890, %convert_element_type3A_892 : vector<16xf32>
      %mul3A_902 = arith.mulf %get3A_874, %sub3A_901 : vector<16xf32>
      tpu.vector_store_idx %arg9[%select_n3A_897, %add3A_45], %mul3A_902 {add = true} : memref<51x512xf32, #tpu.memory_space<vmem>>[vector<16xi32>, vector<16xi32>], vector<16xf32>,
      %get3A_903 = arith.constant 27 : i32
      %get3A_904 = arith.index_cast %get3A_903 : i32 to index
      %get3A_905 = arith.index_cast %mul3A_37 : i32 to index
      %get3A_906 = tpu.vector_load %arg6[%get3A_904, %get3A_905] {strides = array<i32>} : memref<51x512xf32, #tpu.memory_space<vmem>>, vector<16xf32>,
      %mul3A_907 = arith.constant 0.799999296 : f32
      %mul3A_908 = vector.broadcast %mul3A_907 : f32 to vector<16xf32>
      %mul3A_909 = arith.mulf %mul3A_43, %mul3A_908 : vector<16xf32>
      %add3A_910 = arith.addf %get3A_38, %mul3A_909 : vector<16xf32>
      %max3A_911 = arith.constant -1.000000e+01 : f32
      %max3A_912 = vector.broadcast %max3A_911 : f32 to vector<16xf32>
      %max3A_913 = arith.maximumf %add3A_910, %max3A_912 : vector<16xf32>
      %min3A_914 = arith.constant 1.000000e+01 : f32
      %min3A_915 = vector.broadcast %min3A_914 : f32 to vector<16xf32>
      %min3A_916 = arith.minimumf %max3A_913, %min3A_915 : vector<16xf32>
      %sub3A_917 = arith.constant -1.000000e+01 : f32
      %sub3A_918 = vector.broadcast %sub3A_917 : f32 to vector<16xf32>
      %sub3A_919 = arith.subf %min3A_916, %sub3A_918 : vector<16xf32>
      %div3A_920 = arith.constant 4.000000e-01 : f32
      %div3A_921 = vector.broadcast %div3A_920 : f32 to vector<16xf32>
      %div3A_922 = arith.divf %sub3A_919, %div3A_921 : vector<16xf32>
      %convert_element_type3A_923 = arith.fptosi %div3A_922 : vector<16xf32> to vector<16xi32>
      %convert_element_type3A_924 = arith.sitofp %convert_element_type3A_923 : vector<16xi32> to vector<16xf32>
      %gt3A_925 = arith.cmpf ogt, %div3A_922, %convert_element_type3A_924 : vector<16xf32>
      %add3A_926 = arith.constant 1 : i32
      %add3A_927 = vector.broadcast %add3A_926 : i32 to vector<16xi32>
      %add3A_928 = arith.addi %convert_element_type3A_923, %add3A_927 : vector<16xi32>
      %select_n3A_929 = arith.select %gt3A_925, %add3A_928, %convert_element_type3A_923 : vector<16xi1>, vector<16xi32>
      %convert_element_type3A_930 = arith.sitofp %select_n3A_929 : vector<16xi32> to vector<16xf32>
      %sub3A_931 = arith.subf %convert_element_type3A_930, %div3A_922 : vector<16xf32>
      %mul3A_932 = arith.mulf %get3A_906, %sub3A_931 : vector<16xf32>
      tpu.vector_store_idx %arg9[%convert_element_type3A_923, %add3A_45], %mul3A_932 {add = true} : memref<51x512xf32, #tpu.memory_space<vmem>>[vector<16xi32>, vector<16xi32>], vector<16xf32>,
      %sub3A_933 = arith.subf %div3A_922, %convert_element_type3A_924 : vector<16xf32>
      %mul3A_934 = arith.mulf %get3A_906, %sub3A_933 : vector<16xf32>
      tpu.vector_store_idx %arg9[%select_n3A_929, %add3A_45], %mul3A_934 {add = true} : memref<51x512xf32, #tpu.memory_space<vmem>>[vector<16xi32>, vector<16xi32>], vector<16xf32>,
      %get3A_935 = arith.constant 28 : i32
      %get3A_936 = arith.index_cast %get3A_935 : i32 to index
      %get3A_937 = arith.index_cast %mul3A_37 : i32 to index
      %get3A_938 = tpu.vector_load %arg6[%get3A_936, %get3A_937] {strides = array<i32>} : memref<51x512xf32, #tpu.memory_space<vmem>>, vector<16xf32>,
      %mul3A_939 = arith.constant 1.19999957 : f32
      %mul3A_940 = vector.broadcast %mul3A_939 : f32 to vector<16xf32>
      %mul3A_941 = arith.mulf %mul3A_43, %mul3A_940 : vector<16xf32>
      %add3A_942 = arith.addf %get3A_38, %mul3A_941 : vector<16xf32>
      %max3A_943 = arith.constant -1.000000e+01 : f32
      %max3A_944 = vector.broadcast %max3A_943 : f32 to vector<16xf32>
      %max3A_945 = arith.maximumf %add3A_942, %max3A_944 : vector<16xf32>
      %min3A_946 = arith.constant 1.000000e+01 : f32
      %min3A_947 = vector.broadcast %min3A_946 : f32 to vector<16xf32>
      %min3A_948 = arith.minimumf %max3A_945, %min3A_947 : vector<16xf32>
      %sub3A_949 = arith.constant -1.000000e+01 : f32
      %sub3A_950 = vector.broadcast %sub3A_949 : f32 to vector<16xf32>
      %sub3A_951 = arith.subf %min3A_948, %sub3A_950 : vector<16xf32>
      %div3A_952 = arith.constant 4.000000e-01 : f32
      %div3A_953 = vector.broadcast %div3A_952 : f32 to vector<16xf32>
      %div3A_954 = arith.divf %sub3A_951, %div3A_953 : vector<16xf32>
      %convert_element_type3A_955 = arith.fptosi %div3A_954 : vector<16xf32> to vector<16xi32>
      %convert_element_type3A_956 = arith.sitofp %convert_element_type3A_955 : vector<16xi32> to vector<16xf32>
      %gt3A_957 = arith.cmpf ogt, %div3A_954, %convert_element_type3A_956 : vector<16xf32>
      %add3A_958 = arith.constant 1 : i32
      %add3A_959 = vector.broadcast %add3A_958 : i32 to vector<16xi32>
      %add3A_960 = arith.addi %convert_element_type3A_955, %add3A_959 : vector<16xi32>
      %select_n3A_961 = arith.select %gt3A_957, %add3A_960, %convert_element_type3A_955 : vector<16xi1>, vector<16xi32>
      %convert_element_type3A_962 = arith.sitofp %select_n3A_961 : vector<16xi32> to vector<16xf32>
      %sub3A_963 = arith.subf %convert_element_type3A_962, %div3A_954 : vector<16xf32>
      %mul3A_964 = arith.mulf %get3A_938, %sub3A_963 : vector<16xf32>
      tpu.vector_store_idx %arg9[%convert_element_type3A_955, %add3A_45], %mul3A_964 {add = true} : memref<51x512xf32, #tpu.memory_space<vmem>>[vector<16xi32>, vector<16xi32>], vector<16xf32>,
      %sub3A_965 = arith.subf %div3A_954, %convert_element_type3A_956 : vector<16xf32>
      %mul3A_966 = arith.mulf %get3A_938, %sub3A_965 : vector<16xf32>
      tpu.vector_store_idx %arg9[%select_n3A_961, %add3A_45], %mul3A_966 {add = true} : memref<51x512xf32, #tpu.memory_space<vmem>>[vector<16xi32>, vector<16xi32>], vector<16xf32>,
      %get3A_967 = arith.constant 29 : i32
      %get3A_968 = arith.index_cast %get3A_967 : i32 to index
      %get3A_969 = arith.index_cast %mul3A_37 : i32 to index
      %get3A_970 = tpu.vector_load %arg6[%get3A_968, %get3A_969] {strides = array<i32>} : memref<51x512xf32, #tpu.memory_space<vmem>>, vector<16xf32>,
      %mul3A_971 = arith.constant 1.59999943 : f32
      %mul3A_972 = vector.broadcast %mul3A_971 : f32 to vector<16xf32>
      %mul3A_973 = arith.mulf %mul3A_43, %mul3A_972 : vector<16xf32>
      %add3A_974 = arith.addf %get3A_38, %mul3A_973 : vector<16xf32>
      %max3A_975 = arith.constant -1.000000e+01 : f32
      %max3A_976 = vector.broadcast %max3A_975 : f32 to vector<16xf32>
      %max3A_977 = arith.maximumf %add3A_974, %max3A_976 : vector<16xf32>
      %min3A_978 = arith.constant 1.000000e+01 : f32
      %min3A_979 = vector.broadcast %min3A_978 : f32 to vector<16xf32>
      %min3A_980 = arith.minimumf %max3A_977, %min3A_979 : vector<16xf32>
      %sub3A_981 = arith.constant -1.000000e+01 : f32
      %sub3A_982 = vector.broadcast %sub3A_981 : f32 to vector<16xf32>
      %sub3A_983 = arith.subf %min3A_980, %sub3A_982 : vector<16xf32>
      %div3A_984 = arith.constant 4.000000e-01 : f32
      %div3A_985 = vector.broadcast %div3A_984 : f32 to vector<16xf32>
      %div3A_986 = arith.divf %sub3A_983, %div3A_985 : vector<16xf32>
      %convert_element_type3A_987 = arith.fptosi %div3A_986 : vector<16xf32> to vector<16xi32>
      %convert_element_type3A_988 = arith.sitofp %convert_element_type3A_987 : vector<16xi32> to vector<16xf32>
      %gt3A_989 = arith.cmpf ogt, %div3A_986, %convert_element_type3A_988 : vector<16xf32>
      %add3A_990 = arith.constant 1 : i32
      %add3A_991 = vector.broadcast %add3A_990 : i32 to vector<16xi32>
      %add3A_992 = arith.addi %convert_element_type3A_987, %add3A_991 : vector<16xi32>
      %select_n3A_993 = arith.select %gt3A_989, %add3A_992, %convert_element_type3A_987 : vector<16xi1>, vector<16xi32>
      %convert_element_type3A_994 = arith.sitofp %select_n3A_993 : vector<16xi32> to vector<16xf32>
      %sub3A_995 = arith.subf %convert_element_type3A_994, %div3A_986 : vector<16xf32>
      %mul3A_996 = arith.mulf %get3A_970, %sub3A_995 : vector<16xf32>
      tpu.vector_store_idx %arg9[%convert_element_type3A_987, %add3A_45], %mul3A_996 {add = true} : memref<51x512xf32, #tpu.memory_space<vmem>>[vector<16xi32>, vector<16xi32>], vector<16xf32>,
      %sub3A_997 = arith.subf %div3A_986, %convert_element_type3A_988 : vector<16xf32>
      %mul3A_998 = arith.mulf %get3A_970, %sub3A_997 : vector<16xf32>
      tpu.vector_store_idx %arg9[%select_n3A_993, %add3A_45], %mul3A_998 {add = true} : memref<51x512xf32, #tpu.memory_space<vmem>>[vector<16xi32>, vector<16xi32>], vector<16xf32>,
      %get3A_999 = arith.constant 30 : i32
      %get3A_1000 = arith.index_cast %get3A_999 : i32 to index
      %get3A_1001 = arith.index_cast %mul3A_37 : i32 to index
      %get3A_1002 = tpu.vector_load %arg6[%get3A_1000, %get3A_1001] {strides = array<i32>} : memref<51x512xf32, #tpu.memory_space<vmem>>, vector<16xf32>,
      %mul3A_1003 = arith.constant 1.99999917 : f32
      %mul3A_1004 = vector.broadcast %mul3A_1003 : f32 to vector<16xf32>
      %mul3A_1005 = arith.mulf %mul3A_43, %mul3A_1004 : vector<16xf32>
      %add3A_1006 = arith.addf %get3A_38, %mul3A_1005 : vector<16xf32>
      %max3A_1007 = arith.constant -1.000000e+01 : f32
      %max3A_1008 = vector.broadcast %max3A_1007 : f32 to vector<16xf32>
      %max3A_1009 = arith.maximumf %add3A_1006, %max3A_1008 : vector<16xf32>
      %min3A_1010 = arith.constant 1.000000e+01 : f32
      %min3A_1011 = vector.broadcast %min3A_1010 : f32 to vector<16xf32>
      %min3A_1012 = arith.minimumf %max3A_1009, %min3A_1011 : vector<16xf32>
      %sub3A_1013 = arith.constant -1.000000e+01 : f32
      %sub3A_1014 = vector.broadcast %sub3A_1013 : f32 to vector<16xf32>
      %sub3A_1015 = arith.subf %min3A_1012, %sub3A_1014 : vector<16xf32>
      %div3A_1016 = arith.constant 4.000000e-01 : f32
      %div3A_1017 = vector.broadcast %div3A_1016 : f32 to vector<16xf32>
      %div3A_1018 = arith.divf %sub3A_1015, %div3A_1017 : vector<16xf32>
      %convert_element_type3A_1019 = arith.fptosi %div3A_1018 : vector<16xf32> to vector<16xi32>
      %convert_element_type3A_1020 = arith.sitofp %convert_element_type3A_1019 : vector<16xi32> to vector<16xf32>
      %gt3A_1021 = arith.cmpf ogt, %div3A_1018, %convert_element_type3A_1020 : vector<16xf32>
      %add3A_1022 = arith.constant 1 : i32
      %add3A_1023 = vector.broadcast %add3A_1022 : i32 to vector<16xi32>
      %add3A_1024 = arith.addi %convert_element_type3A_1019, %add3A_1023 : vector<16xi32>
      %select_n3A_1025 = arith.select %gt3A_1021, %add3A_1024, %convert_element_type3A_1019 : vector<16xi1>, vector<16xi32>
      %convert_element_type3A_1026 = arith.sitofp %select_n3A_1025 : vector<16xi32> to vector<16xf32>
      %sub3A_1027 = arith.subf %convert_element_type3A_1026, %div3A_1018 : vector<16xf32>
      %mul3A_1028 = arith.mulf %get3A_1002, %sub3A_1027 : vector<16xf32>
      tpu.vector_store_idx %arg9[%convert_element_type3A_1019, %add3A_45], %mul3A_1028 {add = true} : memref<51x512xf32, #tpu.memory_space<vmem>>[vector<16xi32>, vector<16xi32>], vector<16xf32>,
      %sub3A_1029 = arith.subf %div3A_1018, %convert_element_type3A_1020 : vector<16xf32>
      %mul3A_1030 = arith.mulf %get3A_1002, %sub3A_1029 : vector<16xf32>
      tpu.vector_store_idx %arg9[%select_n3A_1025, %add3A_45], %mul3A_1030 {add = true} : memref<51x512xf32, #tpu.memory_space<vmem>>[vector<16xi32>, vector<16xi32>], vector<16xf32>,
      %get3A_1031 = arith.constant 31 : i32
      %get3A_1032 = arith.index_cast %get3A_1031 : i32 to index
      %get3A_1033 = arith.index_cast %mul3A_37 : i32 to index
      %get3A_1034 = tpu.vector_load %arg6[%get3A_1032, %get3A_1033] {strides = array<i32>} : memref<51x512xf32, #tpu.memory_space<vmem>>, vector<16xf32>,
      %mul3A_1035 = arith.constant 2.39999962 : f32
      %mul3A_1036 = vector.broadcast %mul3A_1035 : f32 to vector<16xf32>
      %mul3A_1037 = arith.mulf %mul3A_43, %mul3A_1036 : vector<16xf32>
      %add3A_1038 = arith.addf %get3A_38, %mul3A_1037 : vector<16xf32>
      %max3A_1039 = arith.constant -1.000000e+01 : f32
      %max3A_1040 = vector.broadcast %max3A_1039 : f32 to vector<16xf32>
      %max3A_1041 = arith.maximumf %add3A_1038, %max3A_1040 : vector<16xf32>
      %min3A_1042 = arith.constant 1.000000e+01 : f32
      %min3A_1043 = vector.broadcast %min3A_1042 : f32 to vector<16xf32>
      %min3A_1044 = arith.minimumf %max3A_1041, %min3A_1043 : vector<16xf32>
      %sub3A_1045 = arith.constant -1.000000e+01 : f32
      %sub3A_1046 = vector.broadcast %sub3A_1045 : f32 to vector<16xf32>
      %sub3A_1047 = arith.subf %min3A_1044, %sub3A_1046 : vector<16xf32>
      %div3A_1048 = arith.constant 4.000000e-01 : f32
      %div3A_1049 = vector.broadcast %div3A_1048 : f32 to vector<16xf32>
      %div3A_1050 = arith.divf %sub3A_1047, %div3A_1049 : vector<16xf32>
      %convert_element_type3A_1051 = arith.fptosi %div3A_1050 : vector<16xf32> to vector<16xi32>
      %convert_element_type3A_1052 = arith.sitofp %convert_element_type3A_1051 : vector<16xi32> to vector<16xf32>
      %gt3A_1053 = arith.cmpf ogt, %div3A_1050, %convert_element_type3A_1052 : vector<16xf32>
      %add3A_1054 = arith.constant 1 : i32
      %add3A_1055 = vector.broadcast %add3A_1054 : i32 to vector<16xi32>
      %add3A_1056 = arith.addi %convert_element_type3A_1051, %add3A_1055 : vector<16xi32>
      %select_n3A_1057 = arith.select %gt3A_1053, %add3A_1056, %convert_element_type3A_1051 : vector<16xi1>, vector<16xi32>
      %convert_element_type3A_1058 = arith.sitofp %select_n3A_1057 : vector<16xi32> to vector<16xf32>
      %sub3A_1059 = arith.subf %convert_element_type3A_1058, %div3A_1050 : vector<16xf32>
      %mul3A_1060 = arith.mulf %get3A_1034, %sub3A_1059 : vector<16xf32>
      tpu.vector_store_idx %arg9[%convert_element_type3A_1051, %add3A_45], %mul3A_1060 {add = true} : memref<51x512xf32, #tpu.memory_space<vmem>>[vector<16xi32>, vector<16xi32>], vector<16xf32>,
      %sub3A_1061 = arith.subf %div3A_1050, %convert_element_type3A_1052 : vector<16xf32>
      %mul3A_1062 = arith.mulf %get3A_1034, %sub3A_1061 : vector<16xf32>
      tpu.vector_store_idx %arg9[%select_n3A_1057, %add3A_45], %mul3A_1062 {add = true} : memref<51x512xf32, #tpu.memory_space<vmem>>[vector<16xi32>, vector<16xi32>], vector<16xf32>,
      %get3A_1063 = arith.constant 32 : i32
      %get3A_1064 = arith.index_cast %get3A_1063 : i32 to index
      %get3A_1065 = arith.index_cast %mul3A_37 : i32 to index
      %get3A_1066 = tpu.vector_load %arg6[%get3A_1064, %get3A_1065] {strides = array<i32>} : memref<51x512xf32, #tpu.memory_space<vmem>>, vector<16xf32>,
      %mul3A_1067 = arith.constant 2.79999948 : f32
      %mul3A_1068 = vector.broadcast %mul3A_1067 : f32 to vector<16xf32>
      %mul3A_1069 = arith.mulf %mul3A_43, %mul3A_1068 : vector<16xf32>
      %add3A_1070 = arith.addf %get3A_38, %mul3A_1069 : vector<16xf32>
      %max3A_1071 = arith.constant -1.000000e+01 : f32
      %max3A_1072 = vector.broadcast %max3A_1071 : f32 to vector<16xf32>
      %max3A_1073 = arith.maximumf %add3A_1070, %max3A_1072 : vector<16xf32>
      %min3A_1074 = arith.constant 1.000000e+01 : f32
      %min3A_1075 = vector.broadcast %min3A_1074 : f32 to vector<16xf32>
      %min3A_1076 = arith.minimumf %max3A_1073, %min3A_1075 : vector<16xf32>
      %sub3A_1077 = arith.constant -1.000000e+01 : f32
      %sub3A_1078 = vector.broadcast %sub3A_1077 : f32 to vector<16xf32>
      %sub3A_1079 = arith.subf %min3A_1076, %sub3A_1078 : vector<16xf32>
      %div3A_1080 = arith.constant 4.000000e-01 : f32
      %div3A_1081 = vector.broadcast %div3A_1080 : f32 to vector<16xf32>
      %div3A_1082 = arith.divf %sub3A_1079, %div3A_1081 : vector<16xf32>
      %convert_element_type3A_1083 = arith.fptosi %div3A_1082 : vector<16xf32> to vector<16xi32>
      %convert_element_type3A_1084 = arith.sitofp %convert_element_type3A_1083 : vector<16xi32> to vector<16xf32>
      %gt3A_1085 = arith.cmpf ogt, %div3A_1082, %convert_element_type3A_1084 : vector<16xf32>
      %add3A_1086 = arith.constant 1 : i32
      %add3A_1087 = vector.broadcast %add3A_1086 : i32 to vector<16xi32>
      %add3A_1088 = arith.addi %convert_element_type3A_1083, %add3A_1087 : vector<16xi32>
      %select_n3A_1089 = arith.select %gt3A_1085, %add3A_1088, %convert_element_type3A_1083 : vector<16xi1>, vector<16xi32>
      %convert_element_type3A_1090 = arith.sitofp %select_n3A_1089 : vector<16xi32> to vector<16xf32>
      %sub3A_1091 = arith.subf %convert_element_type3A_1090, %div3A_1082 : vector<16xf32>
      %mul3A_1092 = arith.mulf %get3A_1066, %sub3A_1091 : vector<16xf32>
      tpu.vector_store_idx %arg9[%convert_element_type3A_1083, %add3A_45], %mul3A_1092 {add = true} : memref<51x512xf32, #tpu.memory_space<vmem>>[vector<16xi32>, vector<16xi32>], vector<16xf32>,
      %sub3A_1093 = arith.subf %div3A_1082, %convert_element_type3A_1084 : vector<16xf32>
      %mul3A_1094 = arith.mulf %get3A_1066, %sub3A_1093 : vector<16xf32>
      tpu.vector_store_idx %arg9[%select_n3A_1089, %add3A_45], %mul3A_1094 {add = true} : memref<51x512xf32, #tpu.memory_space<vmem>>[vector<16xi32>, vector<16xi32>], vector<16xf32>,
      %get3A_1095 = arith.constant 33 : i32
      %get3A_1096 = arith.index_cast %get3A_1095 : i32 to index
      %get3A_1097 = arith.index_cast %mul3A_37 : i32 to index
      %get3A_1098 = tpu.vector_load %arg6[%get3A_1096, %get3A_1097] {strides = array<i32>} : memref<51x512xf32, #tpu.memory_space<vmem>>, vector<16xf32>,
      %mul3A_1099 = arith.constant 3.19999933 : f32
      %mul3A_1100 = vector.broadcast %mul3A_1099 : f32 to vector<16xf32>
      %mul3A_1101 = arith.mulf %mul3A_43, %mul3A_1100 : vector<16xf32>
      %add3A_1102 = arith.addf %get3A_38, %mul3A_1101 : vector<16xf32>
      %max3A_1103 = arith.constant -1.000000e+01 : f32
      %max3A_1104 = vector.broadcast %max3A_1103 : f32 to vector<16xf32>
      %max3A_1105 = arith.maximumf %add3A_1102, %max3A_1104 : vector<16xf32>
      %min3A_1106 = arith.constant 1.000000e+01 : f32
      %min3A_1107 = vector.broadcast %min3A_1106 : f32 to vector<16xf32>
      %min3A_1108 = arith.minimumf %max3A_1105, %min3A_1107 : vector<16xf32>
      %sub3A_1109 = arith.constant -1.000000e+01 : f32
      %sub3A_1110 = vector.broadcast %sub3A_1109 : f32 to vector<16xf32>
      %sub3A_1111 = arith.subf %min3A_1108, %sub3A_1110 : vector<16xf32>
      %div3A_1112 = arith.constant 4.000000e-01 : f32
      %div3A_1113 = vector.broadcast %div3A_1112 : f32 to vector<16xf32>
      %div3A_1114 = arith.divf %sub3A_1111, %div3A_1113 : vector<16xf32>
      %convert_element_type3A_1115 = arith.fptosi %div3A_1114 : vector<16xf32> to vector<16xi32>
      %convert_element_type3A_1116 = arith.sitofp %convert_element_type3A_1115 : vector<16xi32> to vector<16xf32>
      %gt3A_1117 = arith.cmpf ogt, %div3A_1114, %convert_element_type3A_1116 : vector<16xf32>
      %add3A_1118 = arith.constant 1 : i32
      %add3A_1119 = vector.broadcast %add3A_1118 : i32 to vector<16xi32>
      %add3A_1120 = arith.addi %convert_element_type3A_1115, %add3A_1119 : vector<16xi32>
      %select_n3A_1121 = arith.select %gt3A_1117, %add3A_1120, %convert_element_type3A_1115 : vector<16xi1>, vector<16xi32>
      %convert_element_type3A_1122 = arith.sitofp %select_n3A_1121 : vector<16xi32> to vector<16xf32>
      %sub3A_1123 = arith.subf %convert_element_type3A_1122, %div3A_1114 : vector<16xf32>
      %mul3A_1124 = arith.mulf %get3A_1098, %sub3A_1123 : vector<16xf32>
      tpu.vector_store_idx %arg9[%convert_element_type3A_1115, %add3A_45], %mul3A_1124 {add = true} : memref<51x512xf32, #tpu.memory_space<vmem>>[vector<16xi32>, vector<16xi32>], vector<16xf32>,
      %sub3A_1125 = arith.subf %div3A_1114, %convert_element_type3A_1116 : vector<16xf32>
      %mul3A_1126 = arith.mulf %get3A_1098, %sub3A_1125 : vector<16xf32>
      tpu.vector_store_idx %arg9[%select_n3A_1121, %add3A_45], %mul3A_1126 {add = true} : memref<51x512xf32, #tpu.memory_space<vmem>>[vector<16xi32>, vector<16xi32>], vector<16xf32>,
      %get3A_1127 = arith.constant 34 : i32
      %get3A_1128 = arith.index_cast %get3A_1127 : i32 to index
      %get3A_1129 = arith.index_cast %mul3A_37 : i32 to index
      %get3A_1130 = tpu.vector_load %arg6[%get3A_1128, %get3A_1129] {strides = array<i32>} : memref<51x512xf32, #tpu.memory_space<vmem>>, vector<16xf32>,
      %mul3A_1131 = arith.constant 3.600000e+00 : f32
      %mul3A_1132 = vector.broadcast %mul3A_1131 : f32 to vector<16xf32>
      %mul3A_1133 = arith.mulf %mul3A_43, %mul3A_1132 : vector<16xf32>
      %add3A_1134 = arith.addf %get3A_38, %mul3A_1133 : vector<16xf32>
      %max3A_1135 = arith.constant -1.000000e+01 : f32
      %max3A_1136 = vector.broadcast %max3A_1135 : f32 to vector<16xf32>
      %max3A_1137 = arith.maximumf %add3A_1134, %max3A_1136 : vector<16xf32>
      %min3A_1138 = arith.constant 1.000000e+01 : f32
      %min3A_1139 = vector.broadcast %min3A_1138 : f32 to vector<16xf32>
      %min3A_1140 = arith.minimumf %max3A_1137, %min3A_1139 : vector<16xf32>
      %sub3A_1141 = arith.constant -1.000000e+01 : f32
      %sub3A_1142 = vector.broadcast %sub3A_1141 : f32 to vector<16xf32>
      %sub3A_1143 = arith.subf %min3A_1140, %sub3A_1142 : vector<16xf32>
      %div3A_1144 = arith.constant 4.000000e-01 : f32
      %div3A_1145 = vector.broadcast %div3A_1144 : f32 to vector<16xf32>
      %div3A_1146 = arith.divf %sub3A_1143, %div3A_1145 : vector<16xf32>
      %convert_element_type3A_1147 = arith.fptosi %div3A_1146 : vector<16xf32> to vector<16xi32>
      %convert_element_type3A_1148 = arith.sitofp %convert_element_type3A_1147 : vector<16xi32> to vector<16xf32>
      %gt3A_1149 = arith.cmpf ogt, %div3A_1146, %convert_element_type3A_1148 : vector<16xf32>
      %add3A_1150 = arith.constant 1 : i32
      %add3A_1151 = vector.broadcast %add3A_1150 : i32 to vector<16xi32>
      %add3A_1152 = arith.addi %convert_element_type3A_1147, %add3A_1151 : vector<16xi32>
      %select_n3A_1153 = arith.select %gt3A_1149, %add3A_1152, %convert_element_type3A_1147 : vector<16xi1>, vector<16xi32>
      %convert_element_type3A_1154 = arith.sitofp %select_n3A_1153 : vector<16xi32> to vector<16xf32>
      %sub3A_1155 = arith.subf %convert_element_type3A_1154, %div3A_1146 : vector<16xf32>
      %mul3A_1156 = arith.mulf %get3A_1130, %sub3A_1155 : vector<16xf32>
      tpu.vector_store_idx %arg9[%convert_element_type3A_1147, %add3A_45], %mul3A_1156 {add = true} : memref<51x512xf32, #tpu.memory_space<vmem>>[vector<16xi32>, vector<16xi32>], vector<16xf32>,
      %sub3A_1157 = arith.subf %div3A_1146, %convert_element_type3A_1148 : vector<16xf32>
      %mul3A_1158 = arith.mulf %get3A_1130, %sub3A_1157 : vector<16xf32>
      tpu.vector_store_idx %arg9[%select_n3A_1153, %add3A_45], %mul3A_1158 {add = true} : memref<51x512xf32, #tpu.memory_space<vmem>>[vector<16xi32>, vector<16xi32>], vector<16xf32>,
      %get3A_1159 = arith.constant 35 : i32
      %get3A_1160 = arith.index_cast %get3A_1159 : i32 to index
      %get3A_1161 = arith.index_cast %mul3A_37 : i32 to index
      %get3A_1162 = tpu.vector_load %arg6[%get3A_1160, %get3A_1161] {strides = array<i32>} : memref<51x512xf32, #tpu.memory_space<vmem>>, vector<16xf32>,
      %mul3A_1163 = arith.constant 3.99999952 : f32
      %mul3A_1164 = vector.broadcast %mul3A_1163 : f32 to vector<16xf32>
      %mul3A_1165 = arith.mulf %mul3A_43, %mul3A_1164 : vector<16xf32>
      %add3A_1166 = arith.addf %get3A_38, %mul3A_1165 : vector<16xf32>
      %max3A_1167 = arith.constant -1.000000e+01 : f32
      %max3A_1168 = vector.broadcast %max3A_1167 : f32 to vector<16xf32>
      %max3A_1169 = arith.maximumf %add3A_1166, %max3A_1168 : vector<16xf32>
      %min3A_1170 = arith.constant 1.000000e+01 : f32
      %min3A_1171 = vector.broadcast %min3A_1170 : f32 to vector<16xf32>
      %min3A_1172 = arith.minimumf %max3A_1169, %min3A_1171 : vector<16xf32>
      %sub3A_1173 = arith.constant -1.000000e+01 : f32
      %sub3A_1174 = vector.broadcast %sub3A_1173 : f32 to vector<16xf32>
      %sub3A_1175 = arith.subf %min3A_1172, %sub3A_1174 : vector<16xf32>
      %div3A_1176 = arith.constant 4.000000e-01 : f32
      %div3A_1177 = vector.broadcast %div3A_1176 : f32 to vector<16xf32>
      %div3A_1178 = arith.divf %sub3A_1175, %div3A_1177 : vector<16xf32>
      %convert_element_type3A_1179 = arith.fptosi %div3A_1178 : vector<16xf32> to vector<16xi32>
      %convert_element_type3A_1180 = arith.sitofp %convert_element_type3A_1179 : vector<16xi32> to vector<16xf32>
      %gt3A_1181 = arith.cmpf ogt, %div3A_1178, %convert_element_type3A_1180 : vector<16xf32>
      %add3A_1182 = arith.constant 1 : i32
      %add3A_1183 = vector.broadcast %add3A_1182 : i32 to vector<16xi32>
      %add3A_1184 = arith.addi %convert_element_type3A_1179, %add3A_1183 : vector<16xi32>
      %select_n3A_1185 = arith.select %gt3A_1181, %add3A_1184, %convert_element_type3A_1179 : vector<16xi1>, vector<16xi32>
      %convert_element_type3A_1186 = arith.sitofp %select_n3A_1185 : vector<16xi32> to vector<16xf32>
      %sub3A_1187 = arith.subf %convert_element_type3A_1186, %div3A_1178 : vector<16xf32>
      %mul3A_1188 = arith.mulf %get3A_1162, %sub3A_1187 : vector<16xf32>
      tpu.vector_store_idx %arg9[%convert_element_type3A_1179, %add3A_45], %mul3A_1188 {add = true} : memref<51x512xf32, #tpu.memory_space<vmem>>[vector<16xi32>, vector<16xi32>], vector<16xf32>,
      %sub3A_1189 = arith.subf %div3A_1178, %convert_element_type3A_1180 : vector<16xf32>
      %mul3A_1190 = arith.mulf %get3A_1162, %sub3A_1189 : vector<16xf32>
      tpu.vector_store_idx %arg9[%select_n3A_1185, %add3A_45], %mul3A_1190 {add = true} : memref<51x512xf32, #tpu.memory_space<vmem>>[vector<16xi32>, vector<16xi32>], vector<16xf32>,
      %get3A_1191 = arith.constant 36 : i32
      %get3A_1192 = arith.index_cast %get3A_1191 : i32 to index
      %get3A_1193 = arith.index_cast %mul3A_37 : i32 to index
      %get3A_1194 = tpu.vector_load %arg6[%get3A_1192, %get3A_1193] {strides = array<i32>} : memref<51x512xf32, #tpu.memory_space<vmem>>, vector<16xf32>,
      %mul3A_1195 = arith.constant 4.39999962 : f32
      %mul3A_1196 = vector.broadcast %mul3A_1195 : f32 to vector<16xf32>
      %mul3A_1197 = arith.mulf %mul3A_43, %mul3A_1196 : vector<16xf32>
      %add3A_1198 = arith.addf %get3A_38, %mul3A_1197 : vector<16xf32>
      %max3A_1199 = arith.constant -1.000000e+01 : f32
      %max3A_1200 = vector.broadcast %max3A_1199 : f32 to vector<16xf32>
      %max3A_1201 = arith.maximumf %add3A_1198, %max3A_1200 : vector<16xf32>
      %min3A_1202 = arith.constant 1.000000e+01 : f32
      %min3A_1203 = vector.broadcast %min3A_1202 : f32 to vector<16xf32>
      %min3A_1204 = arith.minimumf %max3A_1201, %min3A_1203 : vector<16xf32>
      %sub3A_1205 = arith.constant -1.000000e+01 : f32
      %sub3A_1206 = vector.broadcast %sub3A_1205 : f32 to vector<16xf32>
      %sub3A_1207 = arith.subf %min3A_1204, %sub3A_1206 : vector<16xf32>
      %div3A_1208 = arith.constant 4.000000e-01 : f32
      %div3A_1209 = vector.broadcast %div3A_1208 : f32 to vector<16xf32>
      %div3A_1210 = arith.divf %sub3A_1207, %div3A_1209 : vector<16xf32>
      %convert_element_type3A_1211 = arith.fptosi %div3A_1210 : vector<16xf32> to vector<16xi32>
      %convert_element_type3A_1212 = arith.sitofp %convert_element_type3A_1211 : vector<16xi32> to vector<16xf32>
      %gt3A_1213 = arith.cmpf ogt, %div3A_1210, %convert_element_type3A_1212 : vector<16xf32>
      %add3A_1214 = arith.constant 1 : i32
      %add3A_1215 = vector.broadcast %add3A_1214 : i32 to vector<16xi32>
      %add3A_1216 = arith.addi %convert_element_type3A_1211, %add3A_1215 : vector<16xi32>
      %select_n3A_1217 = arith.select %gt3A_1213, %add3A_1216, %convert_element_type3A_1211 : vector<16xi1>, vector<16xi32>
      %convert_element_type3A_1218 = arith.sitofp %select_n3A_1217 : vector<16xi32> to vector<16xf32>
      %sub3A_1219 = arith.subf %convert_element_type3A_1218, %div3A_1210 : vector<16xf32>
      %mul3A_1220 = arith.mulf %get3A_1194, %sub3A_1219 : vector<16xf32>
      tpu.vector_store_idx %arg9[%convert_element_type3A_1211, %add3A_45], %mul3A_1220 {add = true} : memref<51x512xf32, #tpu.memory_space<vmem>>[vector<16xi32>, vector<16xi32>], vector<16xf32>,
      %sub3A_1221 = arith.subf %div3A_1210, %convert_element_type3A_1212 : vector<16xf32>
      %mul3A_1222 = arith.mulf %get3A_1194, %sub3A_1221 : vector<16xf32>
      tpu.vector_store_idx %arg9[%select_n3A_1217, %add3A_45], %mul3A_1222 {add = true} : memref<51x512xf32, #tpu.memory_space<vmem>>[vector<16xi32>, vector<16xi32>], vector<16xf32>,
      %get3A_1223 = arith.constant 37 : i32
      %get3A_1224 = arith.index_cast %get3A_1223 : i32 to index
      %get3A_1225 = arith.index_cast %mul3A_37 : i32 to index
      %get3A_1226 = tpu.vector_load %arg6[%get3A_1224, %get3A_1225] {strides = array<i32>} : memref<51x512xf32, #tpu.memory_space<vmem>>, vector<16xf32>,
      %mul3A_1227 = arith.constant 4.79999971 : f32
      %mul3A_1228 = vector.broadcast %mul3A_1227 : f32 to vector<16xf32>
      %mul3A_1229 = arith.mulf %mul3A_43, %mul3A_1228 : vector<16xf32>
      %add3A_1230 = arith.addf %get3A_38, %mul3A_1229 : vector<16xf32>
      %max3A_1231 = arith.constant -1.000000e+01 : f32
      %max3A_1232 = vector.broadcast %max3A_1231 : f32 to vector<16xf32>
      %max3A_1233 = arith.maximumf %add3A_1230, %max3A_1232 : vector<16xf32>
      %min3A_1234 = arith.constant 1.000000e+01 : f32
      %min3A_1235 = vector.broadcast %min3A_1234 : f32 to vector<16xf32>
      %min3A_1236 = arith.minimumf %max3A_1233, %min3A_1235 : vector<16xf32>
      %sub3A_1237 = arith.constant -1.000000e+01 : f32
      %sub3A_1238 = vector.broadcast %sub3A_1237 : f32 to vector<16xf32>
      %sub3A_1239 = arith.subf %min3A_1236, %sub3A_1238 : vector<16xf32>
      %div3A_1240 = arith.constant 4.000000e-01 : f32
      %div3A_1241 = vector.broadcast %div3A_1240 : f32 to vector<16xf32>
      %div3A_1242 = arith.divf %sub3A_1239, %div3A_1241 : vector<16xf32>
      %convert_element_type3A_1243 = arith.fptosi %div3A_1242 : vector<16xf32> to vector<16xi32>
      %convert_element_type3A_1244 = arith.sitofp %convert_element_type3A_1243 : vector<16xi32> to vector<16xf32>
      %gt3A_1245 = arith.cmpf ogt, %div3A_1242, %convert_element_type3A_1244 : vector<16xf32>
      %add3A_1246 = arith.constant 1 : i32
      %add3A_1247 = vector.broadcast %add3A_1246 : i32 to vector<16xi32>
      %add3A_1248 = arith.addi %convert_element_type3A_1243, %add3A_1247 : vector<16xi32>
      %select_n3A_1249 = arith.select %gt3A_1245, %add3A_1248, %convert_element_type3A_1243 : vector<16xi1>, vector<16xi32>
      %convert_element_type3A_1250 = arith.sitofp %select_n3A_1249 : vector<16xi32> to vector<16xf32>
      %sub3A_1251 = arith.subf %convert_element_type3A_1250, %div3A_1242 : vector<16xf32>
      %mul3A_1252 = arith.mulf %get3A_1226, %sub3A_1251 : vector<16xf32>
      tpu.vector_store_idx %arg9[%convert_element_type3A_1243, %add3A_45], %mul3A_1252 {add = true} : memref<51x512xf32, #tpu.memory_space<vmem>>[vector<16xi32>, vector<16xi32>], vector<16xf32>,
      %sub3A_1253 = arith.subf %div3A_1242, %convert_element_type3A_1244 : vector<16xf32>
      %mul3A_1254 = arith.mulf %get3A_1226, %sub3A_1253 : vector<16xf32>
      tpu.vector_store_idx %arg9[%select_n3A_1249, %add3A_45], %mul3A_1254 {add = true} : memref<51x512xf32, #tpu.memory_space<vmem>>[vector<16xi32>, vector<16xi32>], vector<16xf32>,
      %get3A_1255 = arith.constant 38 : i32
      %get3A_1256 = arith.index_cast %get3A_1255 : i32 to index
      %get3A_1257 = arith.index_cast %mul3A_37 : i32 to index
      %get3A_1258 = tpu.vector_load %arg6[%get3A_1256, %get3A_1257] {strides = array<i32>} : memref<51x512xf32, #tpu.memory_space<vmem>>, vector<16xf32>,
      %mul3A_1259 = arith.constant 5.19999933 : f32
      %mul3A_1260 = vector.broadcast %mul3A_1259 : f32 to vector<16xf32>
      %mul3A_1261 = arith.mulf %mul3A_43, %mul3A_1260 : vector<16xf32>
      %add3A_1262 = arith.addf %get3A_38, %mul3A_1261 : vector<16xf32>
      %max3A_1263 = arith.constant -1.000000e+01 : f32
      %max3A_1264 = vector.broadcast %max3A_1263 : f32 to vector<16xf32>
      %max3A_1265 = arith.maximumf %add3A_1262, %max3A_1264 : vector<16xf32>
      %min3A_1266 = arith.constant 1.000000e+01 : f32
      %min3A_1267 = vector.broadcast %min3A_1266 : f32 to vector<16xf32>
      %min3A_1268 = arith.minimumf %max3A_1265, %min3A_1267 : vector<16xf32>
      %sub3A_1269 = arith.constant -1.000000e+01 : f32
      %sub3A_1270 = vector.broadcast %sub3A_1269 : f32 to vector<16xf32>
      %sub3A_1271 = arith.subf %min3A_1268, %sub3A_1270 : vector<16xf32>
      %div3A_1272 = arith.constant 4.000000e-01 : f32
      %div3A_1273 = vector.broadcast %div3A_1272 : f32 to vector<16xf32>
      %div3A_1274 = arith.divf %sub3A_1271, %div3A_1273 : vector<16xf32>
      %convert_element_type3A_1275 = arith.fptosi %div3A_1274 : vector<16xf32> to vector<16xi32>
      %convert_element_type3A_1276 = arith.sitofp %convert_element_type3A_1275 : vector<16xi32> to vector<16xf32>
      %gt3A_1277 = arith.cmpf ogt, %div3A_1274, %convert_element_type3A_1276 : vector<16xf32>
      %add3A_1278 = arith.constant 1 : i32
      %add3A_1279 = vector.broadcast %add3A_1278 : i32 to vector<16xi32>
      %add3A_1280 = arith.addi %convert_element_type3A_1275, %add3A_1279 : vector<16xi32>
      %select_n3A_1281 = arith.select %gt3A_1277, %add3A_1280, %convert_element_type3A_1275 : vector<16xi1>, vector<16xi32>
      %convert_element_type3A_1282 = arith.sitofp %select_n3A_1281 : vector<16xi32> to vector<16xf32>
      %sub3A_1283 = arith.subf %convert_element_type3A_1282, %div3A_1274 : vector<16xf32>
      %mul3A_1284 = arith.mulf %get3A_1258, %sub3A_1283 : vector<16xf32>
      tpu.vector_store_idx %arg9[%convert_element_type3A_1275, %add3A_45], %mul3A_1284 {add = true} : memref<51x512xf32, #tpu.memory_space<vmem>>[vector<16xi32>, vector<16xi32>], vector<16xf32>,
      %sub3A_1285 = arith.subf %div3A_1274, %convert_element_type3A_1276 : vector<16xf32>
      %mul3A_1286 = arith.mulf %get3A_1258, %sub3A_1285 : vector<16xf32>
      tpu.vector_store_idx %arg9[%select_n3A_1281, %add3A_45], %mul3A_1286 {add = true} : memref<51x512xf32, #tpu.memory_space<vmem>>[vector<16xi32>, vector<16xi32>], vector<16xf32>,
      %get3A_1287 = arith.constant 39 : i32
      %get3A_1288 = arith.index_cast %get3A_1287 : i32 to index
      %get3A_1289 = arith.index_cast %mul3A_37 : i32 to index
      %get3A_1290 = tpu.vector_load %arg6[%get3A_1288, %get3A_1289] {strides = array<i32>} : memref<51x512xf32, #tpu.memory_space<vmem>>, vector<16xf32>,
      %mul3A_1291 = arith.constant 5.59999943 : f32
      %mul3A_1292 = vector.broadcast %mul3A_1291 : f32 to vector<16xf32>
      %mul3A_1293 = arith.mulf %mul3A_43, %mul3A_1292 : vector<16xf32>
      %add3A_1294 = arith.addf %get3A_38, %mul3A_1293 : vector<16xf32>
      %max3A_1295 = arith.constant -1.000000e+01 : f32
      %max3A_1296 = vector.broadcast %max3A_1295 : f32 to vector<16xf32>
      %max3A_1297 = arith.maximumf %add3A_1294, %max3A_1296 : vector<16xf32>
      %min3A_1298 = arith.constant 1.000000e+01 : f32
      %min3A_1299 = vector.broadcast %min3A_1298 : f32 to vector<16xf32>
      %min3A_1300 = arith.minimumf %max3A_1297, %min3A_1299 : vector<16xf32>
      %sub3A_1301 = arith.constant -1.000000e+01 : f32
      %sub3A_1302 = vector.broadcast %sub3A_1301 : f32 to vector<16xf32>
      %sub3A_1303 = arith.subf %min3A_1300, %sub3A_1302 : vector<16xf32>
      %div3A_1304 = arith.constant 4.000000e-01 : f32
      %div3A_1305 = vector.broadcast %div3A_1304 : f32 to vector<16xf32>
      %div3A_1306 = arith.divf %sub3A_1303, %div3A_1305 : vector<16xf32>
      %convert_element_type3A_1307 = arith.fptosi %div3A_1306 : vector<16xf32> to vector<16xi32>
      %convert_element_type3A_1308 = arith.sitofp %convert_element_type3A_1307 : vector<16xi32> to vector<16xf32>
      %gt3A_1309 = arith.cmpf ogt, %div3A_1306, %convert_element_type3A_1308 : vector<16xf32>
      %add3A_1310 = arith.constant 1 : i32
      %add3A_1311 = vector.broadcast %add3A_1310 : i32 to vector<16xi32>
      %add3A_1312 = arith.addi %convert_element_type3A_1307, %add3A_1311 : vector<16xi32>
      %select_n3A_1313 = arith.select %gt3A_1309, %add3A_1312, %convert_element_type3A_1307 : vector<16xi1>, vector<16xi32>
      %convert_element_type3A_1314 = arith.sitofp %select_n3A_1313 : vector<16xi32> to vector<16xf32>
      %sub3A_1315 = arith.subf %convert_element_type3A_1314, %div3A_1306 : vector<16xf32>
      %mul3A_1316 = arith.mulf %get3A_1290, %sub3A_1315 : vector<16xf32>
      tpu.vector_store_idx %arg9[%convert_element_type3A_1307, %add3A_45], %mul3A_1316 {add = true} : memref<51x512xf32, #tpu.memory_space<vmem>>[vector<16xi32>, vector<16xi32>], vector<16xf32>,
      %sub3A_1317 = arith.subf %div3A_1306, %convert_element_type3A_1308 : vector<16xf32>
      %mul3A_1318 = arith.mulf %get3A_1290, %sub3A_1317 : vector<16xf32>
      tpu.vector_store_idx %arg9[%select_n3A_1313, %add3A_45], %mul3A_1318 {add = true} : memref<51x512xf32, #tpu.memory_space<vmem>>[vector<16xi32>, vector<16xi32>], vector<16xf32>,
      %get3A_1319 = arith.constant 40 : i32
      %get3A_1320 = arith.index_cast %get3A_1319 : i32 to index
      %get3A_1321 = arith.index_cast %mul3A_37 : i32 to index
      %get3A_1322 = tpu.vector_load %arg6[%get3A_1320, %get3A_1321] {strides = array<i32>} : memref<51x512xf32, #tpu.memory_space<vmem>>, vector<16xf32>,
      %mul3A_1323 = arith.constant 5.99999904 : f32
      %mul3A_1324 = vector.broadcast %mul3A_1323 : f32 to vector<16xf32>
      %mul3A_1325 = arith.mulf %mul3A_43, %mul3A_1324 : vector<16xf32>
      %add3A_1326 = arith.addf %get3A_38, %mul3A_1325 : vector<16xf32>
      %max3A_1327 = arith.constant -1.000000e+01 : f32
      %max3A_1328 = vector.broadcast %max3A_1327 : f32 to vector<16xf32>
      %max3A_1329 = arith.maximumf %add3A_1326, %max3A_1328 : vector<16xf32>
      %min3A_1330 = arith.constant 1.000000e+01 : f32
      %min3A_1331 = vector.broadcast %min3A_1330 : f32 to vector<16xf32>
      %min3A_1332 = arith.minimumf %max3A_1329, %min3A_1331 : vector<16xf32>
      %sub3A_1333 = arith.constant -1.000000e+01 : f32
      %sub3A_1334 = vector.broadcast %sub3A_1333 : f32 to vector<16xf32>
      %sub3A_1335 = arith.subf %min3A_1332, %sub3A_1334 : vector<16xf32>
      %div3A_1336 = arith.constant 4.000000e-01 : f32
      %div3A_1337 = vector.broadcast %div3A_1336 : f32 to vector<16xf32>
      %div3A_1338 = arith.divf %sub3A_1335, %div3A_1337 : vector<16xf32>
      %convert_element_type3A_1339 = arith.fptosi %div3A_1338 : vector<16xf32> to vector<16xi32>
      %convert_element_type3A_1340 = arith.sitofp %convert_element_type3A_1339 : vector<16xi32> to vector<16xf32>
      %gt3A_1341 = arith.cmpf ogt, %div3A_1338, %convert_element_type3A_1340 : vector<16xf32>
      %add3A_1342 = arith.constant 1 : i32
      %add3A_1343 = vector.broadcast %add3A_1342 : i32 to vector<16xi32>
      %add3A_1344 = arith.addi %convert_element_type3A_1339, %add3A_1343 : vector<16xi32>
      %select_n3A_1345 = arith.select %gt3A_1341, %add3A_1344, %convert_element_type3A_1339 : vector<16xi1>, vector<16xi32>
      %convert_element_type3A_1346 = arith.sitofp %select_n3A_1345 : vector<16xi32> to vector<16xf32>
      %sub3A_1347 = arith.subf %convert_element_type3A_1346, %div3A_1338 : vector<16xf32>
      %mul3A_1348 = arith.mulf %get3A_1322, %sub3A_1347 : vector<16xf32>
      tpu.vector_store_idx %arg9[%convert_element_type3A_1339, %add3A_45], %mul3A_1348 {add = true} : memref<51x512xf32, #tpu.memory_space<vmem>>[vector<16xi32>, vector<16xi32>], vector<16xf32>,
      %sub3A_1349 = arith.subf %div3A_1338, %convert_element_type3A_1340 : vector<16xf32>
      %mul3A_1350 = arith.mulf %get3A_1322, %sub3A_1349 : vector<16xf32>
      tpu.vector_store_idx %arg9[%select_n3A_1345, %add3A_45], %mul3A_1350 {add = true} : memref<51x512xf32, #tpu.memory_space<vmem>>[vector<16xi32>, vector<16xi32>], vector<16xf32>,
      %get3A_1351 = arith.constant 41 : i32
      %get3A_1352 = arith.index_cast %get3A_1351 : i32 to index
      %get3A_1353 = arith.index_cast %mul3A_37 : i32 to index
      %get3A_1354 = tpu.vector_load %arg6[%get3A_1352, %get3A_1353] {strides = array<i32>} : memref<51x512xf32, #tpu.memory_space<vmem>>, vector<16xf32>,
      %mul3A_1355 = arith.constant 6.39999962 : f32
      %mul3A_1356 = vector.broadcast %mul3A_1355 : f32 to vector<16xf32>
      %mul3A_1357 = arith.mulf %mul3A_43, %mul3A_1356 : vector<16xf32>
      %add3A_1358 = arith.addf %get3A_38, %mul3A_1357 : vector<16xf32>
      %max3A_1359 = arith.constant -1.000000e+01 : f32
      %max3A_1360 = vector.broadcast %max3A_1359 : f32 to vector<16xf32>
      %max3A_1361 = arith.maximumf %add3A_1358, %max3A_1360 : vector<16xf32>
      %min3A_1362 = arith.constant 1.000000e+01 : f32
      %min3A_1363 = vector.broadcast %min3A_1362 : f32 to vector<16xf32>
      %min3A_1364 = arith.minimumf %max3A_1361, %min3A_1363 : vector<16xf32>
      %sub3A_1365 = arith.constant -1.000000e+01 : f32
      %sub3A_1366 = vector.broadcast %sub3A_1365 : f32 to vector<16xf32>
      %sub3A_1367 = arith.subf %min3A_1364, %sub3A_1366 : vector<16xf32>
      %div3A_1368 = arith.constant 4.000000e-01 : f32
      %div3A_1369 = vector.broadcast %div3A_1368 : f32 to vector<16xf32>
      %div3A_1370 = arith.divf %sub3A_1367, %div3A_1369 : vector<16xf32>
      %convert_element_type3A_1371 = arith.fptosi %div3A_1370 : vector<16xf32> to vector<16xi32>
      %convert_element_type3A_1372 = arith.sitofp %convert_element_type3A_1371 : vector<16xi32> to vector<16xf32>
      %gt3A_1373 = arith.cmpf ogt, %div3A_1370, %convert_element_type3A_1372 : vector<16xf32>
      %add3A_1374 = arith.constant 1 : i32
      %add3A_1375 = vector.broadcast %add3A_1374 : i32 to vector<16xi32>
      %add3A_1376 = arith.addi %convert_element_type3A_1371, %add3A_1375 : vector<16xi32>
      %select_n3A_1377 = arith.select %gt3A_1373, %add3A_1376, %convert_element_type3A_1371 : vector<16xi1>, vector<16xi32>
      %convert_element_type3A_1378 = arith.sitofp %select_n3A_1377 : vector<16xi32> to vector<16xf32>
      %sub3A_1379 = arith.subf %convert_element_type3A_1378, %div3A_1370 : vector<16xf32>
      %mul3A_1380 = arith.mulf %get3A_1354, %sub3A_1379 : vector<16xf32>
      tpu.vector_store_idx %arg9[%convert_element_type3A_1371, %add3A_45], %mul3A_1380 {add = true} : memref<51x512xf32, #tpu.memory_space<vmem>>[vector<16xi32>, vector<16xi32>], vector<16xf32>,
      %sub3A_1381 = arith.subf %div3A_1370, %convert_element_type3A_1372 : vector<16xf32>
      %mul3A_1382 = arith.mulf %get3A_1354, %sub3A_1381 : vector<16xf32>
      tpu.vector_store_idx %arg9[%select_n3A_1377, %add3A_45], %mul3A_1382 {add = true} : memref<51x512xf32, #tpu.memory_space<vmem>>[vector<16xi32>, vector<16xi32>], vector<16xf32>,
      %get3A_1383 = arith.constant 42 : i32
      %get3A_1384 = arith.index_cast %get3A_1383 : i32 to index
      %get3A_1385 = arith.index_cast %mul3A_37 : i32 to index
      %get3A_1386 = tpu.vector_load %arg6[%get3A_1384, %get3A_1385] {strides = array<i32>} : memref<51x512xf32, #tpu.memory_space<vmem>>, vector<16xf32>,
      %mul3A_1387 = arith.constant 6.79999924 : f32
      %mul3A_1388 = vector.broadcast %mul3A_1387 : f32 to vector<16xf32>
      %mul3A_1389 = arith.mulf %mul3A_43, %mul3A_1388 : vector<16xf32>
      %add3A_1390 = arith.addf %get3A_38, %mul3A_1389 : vector<16xf32>
      %max3A_1391 = arith.constant -1.000000e+01 : f32
      %max3A_1392 = vector.broadcast %max3A_1391 : f32 to vector<16xf32>
      %max3A_1393 = arith.maximumf %add3A_1390, %max3A_1392 : vector<16xf32>
      %min3A_1394 = arith.constant 1.000000e+01 : f32
      %min3A_1395 = vector.broadcast %min3A_1394 : f32 to vector<16xf32>
      %min3A_1396 = arith.minimumf %max3A_1393, %min3A_1395 : vector<16xf32>
      %sub3A_1397 = arith.constant -1.000000e+01 : f32
      %sub3A_1398 = vector.broadcast %sub3A_1397 : f32 to vector<16xf32>
      %sub3A_1399 = arith.subf %min3A_1396, %sub3A_1398 : vector<16xf32>
      %div3A_1400 = arith.constant 4.000000e-01 : f32
      %div3A_1401 = vector.broadcast %div3A_1400 : f32 to vector<16xf32>
      %div3A_1402 = arith.divf %sub3A_1399, %div3A_1401 : vector<16xf32>
      %convert_element_type3A_1403 = arith.fptosi %div3A_1402 : vector<16xf32> to vector<16xi32>
      %convert_element_type3A_1404 = arith.sitofp %convert_element_type3A_1403 : vector<16xi32> to vector<16xf32>
      %gt3A_1405 = arith.cmpf ogt, %div3A_1402, %convert_element_type3A_1404 : vector<16xf32>
      %add3A_1406 = arith.constant 1 : i32
      %add3A_1407 = vector.broadcast %add3A_1406 : i32 to vector<16xi32>
      %add3A_1408 = arith.addi %convert_element_type3A_1403, %add3A_1407 : vector<16xi32>
      %select_n3A_1409 = arith.select %gt3A_1405, %add3A_1408, %convert_element_type3A_1403 : vector<16xi1>, vector<16xi32>
      %convert_element_type3A_1410 = arith.sitofp %select_n3A_1409 : vector<16xi32> to vector<16xf32>
      %sub3A_1411 = arith.subf %convert_element_type3A_1410, %div3A_1402 : vector<16xf32>
      %mul3A_1412 = arith.mulf %get3A_1386, %sub3A_1411 : vector<16xf32>
      tpu.vector_store_idx %arg9[%convert_element_type3A_1403, %add3A_45], %mul3A_1412 {add = true} : memref<51x512xf32, #tpu.memory_space<vmem>>[vector<16xi32>, vector<16xi32>], vector<16xf32>,
      %sub3A_1413 = arith.subf %div3A_1402, %convert_element_type3A_1404 : vector<16xf32>
      %mul3A_1414 = arith.mulf %get3A_1386, %sub3A_1413 : vector<16xf32>
      tpu.vector_store_idx %arg9[%select_n3A_1409, %add3A_45], %mul3A_1414 {add = true} : memref<51x512xf32, #tpu.memory_space<vmem>>[vector<16xi32>, vector<16xi32>], vector<16xf32>,
      %get3A_1415 = arith.constant 43 : i32
      %get3A_1416 = arith.index_cast %get3A_1415 : i32 to index
      %get3A_1417 = arith.index_cast %mul3A_37 : i32 to index
      %get3A_1418 = tpu.vector_load %arg6[%get3A_1416, %get3A_1417] {strides = array<i32>} : memref<51x512xf32, #tpu.memory_space<vmem>>, vector<16xf32>,
      %mul3A_1419 = arith.constant 7.19999886 : f32
      %mul3A_1420 = vector.broadcast %mul3A_1419 : f32 to vector<16xf32>
      %mul3A_1421 = arith.mulf %mul3A_43, %mul3A_1420 : vector<16xf32>
      %add3A_1422 = arith.addf %get3A_38, %mul3A_1421 : vector<16xf32>
      %max3A_1423 = arith.constant -1.000000e+01 : f32
      %max3A_1424 = vector.broadcast %max3A_1423 : f32 to vector<16xf32>
      %max3A_1425 = arith.maximumf %add3A_1422, %max3A_1424 : vector<16xf32>
      %min3A_1426 = arith.constant 1.000000e+01 : f32
      %min3A_1427 = vector.broadcast %min3A_1426 : f32 to vector<16xf32>
      %min3A_1428 = arith.minimumf %max3A_1425, %min3A_1427 : vector<16xf32>
      %sub3A_1429 = arith.constant -1.000000e+01 : f32
      %sub3A_1430 = vector.broadcast %sub3A_1429 : f32 to vector<16xf32>
      %sub3A_1431 = arith.subf %min3A_1428, %sub3A_1430 : vector<16xf32>
      %div3A_1432 = arith.constant 4.000000e-01 : f32
      %div3A_1433 = vector.broadcast %div3A_1432 : f32 to vector<16xf32>
      %div3A_1434 = arith.divf %sub3A_1431, %div3A_1433 : vector<16xf32>
      %convert_element_type3A_1435 = arith.fptosi %div3A_1434 : vector<16xf32> to vector<16xi32>
      %convert_element_type3A_1436 = arith.sitofp %convert_element_type3A_1435 : vector<16xi32> to vector<16xf32>
      %gt3A_1437 = arith.cmpf ogt, %div3A_1434, %convert_element_type3A_1436 : vector<16xf32>
      %add3A_1438 = arith.constant 1 : i32
      %add3A_1439 = vector.broadcast %add3A_1438 : i32 to vector<16xi32>
      %add3A_1440 = arith.addi %convert_element_type3A_1435, %add3A_1439 : vector<16xi32>
      %select_n3A_1441 = arith.select %gt3A_1437, %add3A_1440, %convert_element_type3A_1435 : vector<16xi1>, vector<16xi32>
      %convert_element_type3A_1442 = arith.sitofp %select_n3A_1441 : vector<16xi32> to vector<16xf32>
      %sub3A_1443 = arith.subf %convert_element_type3A_1442, %div3A_1434 : vector<16xf32>
      %mul3A_1444 = arith.mulf %get3A_1418, %sub3A_1443 : vector<16xf32>
      tpu.vector_store_idx %arg9[%convert_element_type3A_1435, %add3A_45], %mul3A_1444 {add = true} : memref<51x512xf32, #tpu.memory_space<vmem>>[vector<16xi32>, vector<16xi32>], vector<16xf32>,
      %sub3A_1445 = arith.subf %div3A_1434, %convert_element_type3A_1436 : vector<16xf32>
      %mul3A_1446 = arith.mulf %get3A_1418, %sub3A_1445 : vector<16xf32>
      tpu.vector_store_idx %arg9[%select_n3A_1441, %add3A_45], %mul3A_1446 {add = true} : memref<51x512xf32, #tpu.memory_space<vmem>>[vector<16xi32>, vector<16xi32>], vector<16xf32>,
      %get3A_1447 = arith.constant 44 : i32
      %get3A_1448 = arith.index_cast %get3A_1447 : i32 to index
      %get3A_1449 = arith.index_cast %mul3A_37 : i32 to index
      %get3A_1450 = tpu.vector_load %arg6[%get3A_1448, %get3A_1449] {strides = array<i32>} : memref<51x512xf32, #tpu.memory_space<vmem>>, vector<16xf32>,
      %mul3A_1451 = arith.constant 7.59999942 : f32
      %mul3A_1452 = vector.broadcast %mul3A_1451 : f32 to vector<16xf32>
      %mul3A_1453 = arith.mulf %mul3A_43, %mul3A_1452 : vector<16xf32>
      %add3A_1454 = arith.addf %get3A_38, %mul3A_1453 : vector<16xf32>
      %max3A_1455 = arith.constant -1.000000e+01 : f32
      %max3A_1456 = vector.broadcast %max3A_1455 : f32 to vector<16xf32>
      %max3A_1457 = arith.maximumf %add3A_1454, %max3A_1456 : vector<16xf32>
      %min3A_1458 = arith.constant 1.000000e+01 : f32
      %min3A_1459 = vector.broadcast %min3A_1458 : f32 to vector<16xf32>
      %min3A_1460 = arith.minimumf %max3A_1457, %min3A_1459 : vector<16xf32>
      %sub3A_1461 = arith.constant -1.000000e+01 : f32
      %sub3A_1462 = vector.broadcast %sub3A_1461 : f32 to vector<16xf32>
      %sub3A_1463 = arith.subf %min3A_1460, %sub3A_1462 : vector<16xf32>
      %div3A_1464 = arith.constant 4.000000e-01 : f32
      %div3A_1465 = vector.broadcast %div3A_1464 : f32 to vector<16xf32>
      %div3A_1466 = arith.divf %sub3A_1463, %div3A_1465 : vector<16xf32>
      %convert_element_type3A_1467 = arith.fptosi %div3A_1466 : vector<16xf32> to vector<16xi32>
      %convert_element_type3A_1468 = arith.sitofp %convert_element_type3A_1467 : vector<16xi32> to vector<16xf32>
      %gt3A_1469 = arith.cmpf ogt, %div3A_1466, %convert_element_type3A_1468 : vector<16xf32>
      %add3A_1470 = arith.constant 1 : i32
      %add3A_1471 = vector.broadcast %add3A_1470 : i32 to vector<16xi32>
      %add3A_1472 = arith.addi %convert_element_type3A_1467, %add3A_1471 : vector<16xi32>
      %select_n3A_1473 = arith.select %gt3A_1469, %add3A_1472, %convert_element_type3A_1467 : vector<16xi1>, vector<16xi32>
      %convert_element_type3A_1474 = arith.sitofp %select_n3A_1473 : vector<16xi32> to vector<16xf32>
      %sub3A_1475 = arith.subf %convert_element_type3A_1474, %div3A_1466 : vector<16xf32>
      %mul3A_1476 = arith.mulf %get3A_1450, %sub3A_1475 : vector<16xf32>
      tpu.vector_store_idx %arg9[%convert_element_type3A_1467, %add3A_45], %mul3A_1476 {add = true} : memref<51x512xf32, #tpu.memory_space<vmem>>[vector<16xi32>, vector<16xi32>], vector<16xf32>,
      %sub3A_1477 = arith.subf %div3A_1466, %convert_element_type3A_1468 : vector<16xf32>
      %mul3A_1478 = arith.mulf %get3A_1450, %sub3A_1477 : vector<16xf32>
      tpu.vector_store_idx %arg9[%select_n3A_1473, %add3A_45], %mul3A_1478 {add = true} : memref<51x512xf32, #tpu.memory_space<vmem>>[vector<16xi32>, vector<16xi32>], vector<16xf32>,
      %get3A_1479 = arith.constant 45 : i32
      %get3A_1480 = arith.index_cast %get3A_1479 : i32 to index
      %get3A_1481 = arith.index_cast %mul3A_37 : i32 to index
      %get3A_1482 = tpu.vector_load %arg6[%get3A_1480, %get3A_1481] {strides = array<i32>} : memref<51x512xf32, #tpu.memory_space<vmem>>, vector<16xf32>,
      %mul3A_1483 = arith.constant 7.99999904 : f32
      %mul3A_1484 = vector.broadcast %mul3A_1483 : f32 to vector<16xf32>
      %mul3A_1485 = arith.mulf %mul3A_43, %mul3A_1484 : vector<16xf32>
      %add3A_1486 = arith.addf %get3A_38, %mul3A_1485 : vector<16xf32>
      %max3A_1487 = arith.constant -1.000000e+01 : f32
      %max3A_1488 = vector.broadcast %max3A_1487 : f32 to vector<16xf32>
      %max3A_1489 = arith.maximumf %add3A_1486, %max3A_1488 : vector<16xf32>
      %min3A_1490 = arith.constant 1.000000e+01 : f32
      %min3A_1491 = vector.broadcast %min3A_1490 : f32 to vector<16xf32>
      %min3A_1492 = arith.minimumf %max3A_1489, %min3A_1491 : vector<16xf32>
      %sub3A_1493 = arith.constant -1.000000e+01 : f32
      %sub3A_1494 = vector.broadcast %sub3A_1493 : f32 to vector<16xf32>
      %sub3A_1495 = arith.subf %min3A_1492, %sub3A_1494 : vector<16xf32>
      %div3A_1496 = arith.constant 4.000000e-01 : f32
      %div3A_1497 = vector.broadcast %div3A_1496 : f32 to vector<16xf32>
      %div3A_1498 = arith.divf %sub3A_1495, %div3A_1497 : vector<16xf32>
      %convert_element_type3A_1499 = arith.fptosi %div3A_1498 : vector<16xf32> to vector<16xi32>
      %convert_element_type3A_1500 = arith.sitofp %convert_element_type3A_1499 : vector<16xi32> to vector<16xf32>
      %gt3A_1501 = arith.cmpf ogt, %div3A_1498, %convert_element_type3A_1500 : vector<16xf32>
      %add3A_1502 = arith.constant 1 : i32
      %add3A_1503 = vector.broadcast %add3A_1502 : i32 to vector<16xi32>
      %add3A_1504 = arith.addi %convert_element_type3A_1499, %add3A_1503 : vector<16xi32>
      %select_n3A_1505 = arith.select %gt3A_1501, %add3A_1504, %convert_element_type3A_1499 : vector<16xi1>, vector<16xi32>
      %convert_element_type3A_1506 = arith.sitofp %select_n3A_1505 : vector<16xi32> to vector<16xf32>
      %sub3A_1507 = arith.subf %convert_element_type3A_1506, %div3A_1498 : vector<16xf32>
      %mul3A_1508 = arith.mulf %get3A_1482, %sub3A_1507 : vector<16xf32>
      tpu.vector_store_idx %arg9[%convert_element_type3A_1499, %add3A_45], %mul3A_1508 {add = true} : memref<51x512xf32, #tpu.memory_space<vmem>>[vector<16xi32>, vector<16xi32>], vector<16xf32>,
      %sub3A_1509 = arith.subf %div3A_1498, %convert_element_type3A_1500 : vector<16xf32>
      %mul3A_1510 = arith.mulf %get3A_1482, %sub3A_1509 : vector<16xf32>
      tpu.vector_store_idx %arg9[%select_n3A_1505, %add3A_45], %mul3A_1510 {add = true} : memref<51x512xf32, #tpu.memory_space<vmem>>[vector<16xi32>, vector<16xi32>], vector<16xf32>,
      %get3A_1511 = arith.constant 46 : i32
      %get3A_1512 = arith.index_cast %get3A_1511 : i32 to index
      %get3A_1513 = arith.index_cast %mul3A_37 : i32 to index
      %get3A_1514 = tpu.vector_load %arg6[%get3A_1512, %get3A_1513] {strides = array<i32>} : memref<51x512xf32, #tpu.memory_space<vmem>>, vector<16xf32>,
      %mul3A_1515 = arith.constant 8.39999866 : f32
      %mul3A_1516 = vector.broadcast %mul3A_1515 : f32 to vector<16xf32>
      %mul3A_1517 = arith.mulf %mul3A_43, %mul3A_1516 : vector<16xf32>
      %add3A_1518 = arith.addf %get3A_38, %mul3A_1517 : vector<16xf32>
      %max3A_1519 = arith.constant -1.000000e+01 : f32
      %max3A_1520 = vector.broadcast %max3A_1519 : f32 to vector<16xf32>
      %max3A_1521 = arith.maximumf %add3A_1518, %max3A_1520 : vector<16xf32>
      %min3A_1522 = arith.constant 1.000000e+01 : f32
      %min3A_1523 = vector.broadcast %min3A_1522 : f32 to vector<16xf32>
      %min3A_1524 = arith.minimumf %max3A_1521, %min3A_1523 : vector<16xf32>
      %sub3A_1525 = arith.constant -1.000000e+01 : f32
      %sub3A_1526 = vector.broadcast %sub3A_1525 : f32 to vector<16xf32>
      %sub3A_1527 = arith.subf %min3A_1524, %sub3A_1526 : vector<16xf32>
      %div3A_1528 = arith.constant 4.000000e-01 : f32
      %div3A_1529 = vector.broadcast %div3A_1528 : f32 to vector<16xf32>
      %div3A_1530 = arith.divf %sub3A_1527, %div3A_1529 : vector<16xf32>
      %convert_element_type3A_1531 = arith.fptosi %div3A_1530 : vector<16xf32> to vector<16xi32>
      %convert_element_type3A_1532 = arith.sitofp %convert_element_type3A_1531 : vector<16xi32> to vector<16xf32>
      %gt3A_1533 = arith.cmpf ogt, %div3A_1530, %convert_element_type3A_1532 : vector<16xf32>
      %add3A_1534 = arith.constant 1 : i32
      %add3A_1535 = vector.broadcast %add3A_1534 : i32 to vector<16xi32>
      %add3A_1536 = arith.addi %convert_element_type3A_1531, %add3A_1535 : vector<16xi32>
      %select_n3A_1537 = arith.select %gt3A_1533, %add3A_1536, %convert_element_type3A_1531 : vector<16xi1>, vector<16xi32>
      %convert_element_type3A_1538 = arith.sitofp %select_n3A_1537 : vector<16xi32> to vector<16xf32>
      %sub3A_1539 = arith.subf %convert_element_type3A_1538, %div3A_1530 : vector<16xf32>
      %mul3A_1540 = arith.mulf %get3A_1514, %sub3A_1539 : vector<16xf32>
      tpu.vector_store_idx %arg9[%convert_element_type3A_1531, %add3A_45], %mul3A_1540 {add = true} : memref<51x512xf32, #tpu.memory_space<vmem>>[vector<16xi32>, vector<16xi32>], vector<16xf32>,
      %sub3A_1541 = arith.subf %div3A_1530, %convert_element_type3A_1532 : vector<16xf32>
      %mul3A_1542 = arith.mulf %get3A_1514, %sub3A_1541 : vector<16xf32>
      tpu.vector_store_idx %arg9[%select_n3A_1537, %add3A_45], %mul3A_1542 {add = true} : memref<51x512xf32, #tpu.memory_space<vmem>>[vector<16xi32>, vector<16xi32>], vector<16xf32>,
      %get3A_1543 = arith.constant 47 : i32
      %get3A_1544 = arith.index_cast %get3A_1543 : i32 to index
      %get3A_1545 = arith.index_cast %mul3A_37 : i32 to index
      %get3A_1546 = tpu.vector_load %arg6[%get3A_1544, %get3A_1545] {strides = array<i32>} : memref<51x512xf32, #tpu.memory_space<vmem>>, vector<16xf32>,
      %mul3A_1547 = arith.constant 8.79999924 : f32
      %mul3A_1548 = vector.broadcast %mul3A_1547 : f32 to vector<16xf32>
      %mul3A_1549 = arith.mulf %mul3A_43, %mul3A_1548 : vector<16xf32>
      %add3A_1550 = arith.addf %get3A_38, %mul3A_1549 : vector<16xf32>
      %max3A_1551 = arith.constant -1.000000e+01 : f32
      %max3A_1552 = vector.broadcast %max3A_1551 : f32 to vector<16xf32>
      %max3A_1553 = arith.maximumf %add3A_1550, %max3A_1552 : vector<16xf32>
      %min3A_1554 = arith.constant 1.000000e+01 : f32
      %min3A_1555 = vector.broadcast %min3A_1554 : f32 to vector<16xf32>
      %min3A_1556 = arith.minimumf %max3A_1553, %min3A_1555 : vector<16xf32>
      %sub3A_1557 = arith.constant -1.000000e+01 : f32
      %sub3A_1558 = vector.broadcast %sub3A_1557 : f32 to vector<16xf32>
      %sub3A_1559 = arith.subf %min3A_1556, %sub3A_1558 : vector<16xf32>
      %div3A_1560 = arith.constant 4.000000e-01 : f32
      %div3A_1561 = vector.broadcast %div3A_1560 : f32 to vector<16xf32>
      %div3A_1562 = arith.divf %sub3A_1559, %div3A_1561 : vector<16xf32>
      %convert_element_type3A_1563 = arith.fptosi %div3A_1562 : vector<16xf32> to vector<16xi32>
      %convert_element_type3A_1564 = arith.sitofp %convert_element_type3A_1563 : vector<16xi32> to vector<16xf32>
      %gt3A_1565 = arith.cmpf ogt, %div3A_1562, %convert_element_type3A_1564 : vector<16xf32>
      %add3A_1566 = arith.constant 1 : i32
      %add3A_1567 = vector.broadcast %add3A_1566 : i32 to vector<16xi32>
      %add3A_1568 = arith.addi %convert_element_type3A_1563, %add3A_1567 : vector<16xi32>
      %select_n3A_1569 = arith.select %gt3A_1565, %add3A_1568, %convert_element_type3A_1563 : vector<16xi1>, vector<16xi32>
      %convert_element_type3A_1570 = arith.sitofp %select_n3A_1569 : vector<16xi32> to vector<16xf32>
      %sub3A_1571 = arith.subf %convert_element_type3A_1570, %div3A_1562 : vector<16xf32>
      %mul3A_1572 = arith.mulf %get3A_1546, %sub3A_1571 : vector<16xf32>
      tpu.vector_store_idx %arg9[%convert_element_type3A_1563, %add3A_45], %mul3A_1572 {add = true} : memref<51x512xf32, #tpu.memory_space<vmem>>[vector<16xi32>, vector<16xi32>], vector<16xf32>,
      %sub3A_1573 = arith.subf %div3A_1562, %convert_element_type3A_1564 : vector<16xf32>
      %mul3A_1574 = arith.mulf %get3A_1546, %sub3A_1573 : vector<16xf32>
      tpu.vector_store_idx %arg9[%select_n3A_1569, %add3A_45], %mul3A_1574 {add = true} : memref<51x512xf32, #tpu.memory_space<vmem>>[vector<16xi32>, vector<16xi32>], vector<16xf32>,
      %get3A_1575 = arith.constant 48 : i32
      %get3A_1576 = arith.index_cast %get3A_1575 : i32 to index
      %get3A_1577 = arith.index_cast %mul3A_37 : i32 to index
      %get3A_1578 = tpu.vector_load %arg6[%get3A_1576, %get3A_1577] {strides = array<i32>} : memref<51x512xf32, #tpu.memory_space<vmem>>, vector<16xf32>,
      %mul3A_1579 = arith.constant 9.19999885 : f32
      %mul3A_1580 = vector.broadcast %mul3A_1579 : f32 to vector<16xf32>
      %mul3A_1581 = arith.mulf %mul3A_43, %mul3A_1580 : vector<16xf32>
      %add3A_1582 = arith.addf %get3A_38, %mul3A_1581 : vector<16xf32>
      %max3A_1583 = arith.constant -1.000000e+01 : f32
      %max3A_1584 = vector.broadcast %max3A_1583 : f32 to vector<16xf32>
      %max3A_1585 = arith.maximumf %add3A_1582, %max3A_1584 : vector<16xf32>
      %min3A_1586 = arith.constant 1.000000e+01 : f32
      %min3A_1587 = vector.broadcast %min3A_1586 : f32 to vector<16xf32>
      %min3A_1588 = arith.minimumf %max3A_1585, %min3A_1587 : vector<16xf32>
      %sub3A_1589 = arith.constant -1.000000e+01 : f32
      %sub3A_1590 = vector.broadcast %sub3A_1589 : f32 to vector<16xf32>
      %sub3A_1591 = arith.subf %min3A_1588, %sub3A_1590 : vector<16xf32>
      %div3A_1592 = arith.constant 4.000000e-01 : f32
      %div3A_1593 = vector.broadcast %div3A_1592 : f32 to vector<16xf32>
      %div3A_1594 = arith.divf %sub3A_1591, %div3A_1593 : vector<16xf32>
      %convert_element_type3A_1595 = arith.fptosi %div3A_1594 : vector<16xf32> to vector<16xi32>
      %convert_element_type3A_1596 = arith.sitofp %convert_element_type3A_1595 : vector<16xi32> to vector<16xf32>
      %gt3A_1597 = arith.cmpf ogt, %div3A_1594, %convert_element_type3A_1596 : vector<16xf32>
      %add3A_1598 = arith.constant 1 : i32
      %add3A_1599 = vector.broadcast %add3A_1598 : i32 to vector<16xi32>
      %add3A_1600 = arith.addi %convert_element_type3A_1595, %add3A_1599 : vector<16xi32>
      %select_n3A_1601 = arith.select %gt3A_1597, %add3A_1600, %convert_element_type3A_1595 : vector<16xi1>, vector<16xi32>
      %convert_element_type3A_1602 = arith.sitofp %select_n3A_1601 : vector<16xi32> to vector<16xf32>
      %sub3A_1603 = arith.subf %convert_element_type3A_1602, %div3A_1594 : vector<16xf32>
      %mul3A_1604 = arith.mulf %get3A_1578, %sub3A_1603 : vector<16xf32>
      tpu.vector_store_idx %arg9[%convert_element_type3A_1595, %add3A_45], %mul3A_1604 {add = true} : memref<51x512xf32, #tpu.memory_space<vmem>>[vector<16xi32>, vector<16xi32>], vector<16xf32>,
      %sub3A_1605 = arith.subf %div3A_1594, %convert_element_type3A_1596 : vector<16xf32>
      %mul3A_1606 = arith.mulf %get3A_1578, %sub3A_1605 : vector<16xf32>
      tpu.vector_store_idx %arg9[%select_n3A_1601, %add3A_45], %mul3A_1606 {add = true} : memref<51x512xf32, #tpu.memory_space<vmem>>[vector<16xi32>, vector<16xi32>], vector<16xf32>,
      %get3A_1607 = arith.constant 49 : i32
      %get3A_1608 = arith.index_cast %get3A_1607 : i32 to index
      %get3A_1609 = arith.index_cast %mul3A_37 : i32 to index
      %get3A_1610 = tpu.vector_load %arg6[%get3A_1608, %get3A_1609] {strides = array<i32>} : memref<51x512xf32, #tpu.memory_space<vmem>>, vector<16xf32>,
      %mul3A_1611 = arith.constant 9.59999942 : f32
      %mul3A_1612 = vector.broadcast %mul3A_1611 : f32 to vector<16xf32>
      %mul3A_1613 = arith.mulf %mul3A_43, %mul3A_1612 : vector<16xf32>
      %add3A_1614 = arith.addf %get3A_38, %mul3A_1613 : vector<16xf32>
      %max3A_1615 = arith.constant -1.000000e+01 : f32
      %max3A_1616 = vector.broadcast %max3A_1615 : f32 to vector<16xf32>
      %max3A_1617 = arith.maximumf %add3A_1614, %max3A_1616 : vector<16xf32>
      %min3A_1618 = arith.constant 1.000000e+01 : f32
      %min3A_1619 = vector.broadcast %min3A_1618 : f32 to vector<16xf32>
      %min3A_1620 = arith.minimumf %max3A_1617, %min3A_1619 : vector<16xf32>
      %sub3A_1621 = arith.constant -1.000000e+01 : f32
      %sub3A_1622 = vector.broadcast %sub3A_1621 : f32 to vector<16xf32>
      %sub3A_1623 = arith.subf %min3A_1620, %sub3A_1622 : vector<16xf32>
      %div3A_1624 = arith.constant 4.000000e-01 : f32
      %div3A_1625 = vector.broadcast %div3A_1624 : f32 to vector<16xf32>
      %div3A_1626 = arith.divf %sub3A_1623, %div3A_1625 : vector<16xf32>
      %convert_element_type3A_1627 = arith.fptosi %div3A_1626 : vector<16xf32> to vector<16xi32>
      %convert_element_type3A_1628 = arith.sitofp %convert_element_type3A_1627 : vector<16xi32> to vector<16xf32>
      %gt3A_1629 = arith.cmpf ogt, %div3A_1626, %convert_element_type3A_1628 : vector<16xf32>
      %add3A_1630 = arith.constant 1 : i32
      %add3A_1631 = vector.broadcast %add3A_1630 : i32 to vector<16xi32>
      %add3A_1632 = arith.addi %convert_element_type3A_1627, %add3A_1631 : vector<16xi32>
      %select_n3A_1633 = arith.select %gt3A_1629, %add3A_1632, %convert_element_type3A_1627 : vector<16xi1>, vector<16xi32>
      %convert_element_type3A_1634 = arith.sitofp %select_n3A_1633 : vector<16xi32> to vector<16xf32>
      %sub3A_1635 = arith.subf %convert_element_type3A_1634, %div3A_1626 : vector<16xf32>
      %mul3A_1636 = arith.mulf %get3A_1610, %sub3A_1635 : vector<16xf32>
      tpu.vector_store_idx %arg9[%convert_element_type3A_1627, %add3A_45], %mul3A_1636 {add = true} : memref<51x512xf32, #tpu.memory_space<vmem>>[vector<16xi32>, vector<16xi32>], vector<16xf32>,
      %sub3A_1637 = arith.subf %div3A_1626, %convert_element_type3A_1628 : vector<16xf32>
      %mul3A_1638 = arith.mulf %get3A_1610, %sub3A_1637 : vector<16xf32>
      tpu.vector_store_idx %arg9[%select_n3A_1633, %add3A_45], %mul3A_1638 {add = true} : memref<51x512xf32, #tpu.memory_space<vmem>>[vector<16xi32>, vector<16xi32>], vector<16xf32>,
      %get3A_1639 = arith.constant 50 : i32
      %get3A_1640 = arith.index_cast %get3A_1639 : i32 to index
      %get3A_1641 = arith.index_cast %mul3A_37 : i32 to index
      %get3A_1642 = tpu.vector_load %arg6[%get3A_1640, %get3A_1641] {strides = array<i32>} : memref<51x512xf32, #tpu.memory_space<vmem>>, vector<16xf32>,
      %mul3A_1643 = arith.constant 1.000000e+01 : f32
      %mul3A_1644 = vector.broadcast %mul3A_1643 : f32 to vector<16xf32>
      %mul3A_1645 = arith.mulf %mul3A_43, %mul3A_1644 : vector<16xf32>
      %add3A_1646 = arith.addf %get3A_38, %mul3A_1645 : vector<16xf32>
      %max3A_1647 = arith.constant -1.000000e+01 : f32
      %max3A_1648 = vector.broadcast %max3A_1647 : f32 to vector<16xf32>
      %max3A_1649 = arith.maximumf %add3A_1646, %max3A_1648 : vector<16xf32>
      %min3A_1650 = arith.constant 1.000000e+01 : f32
      %min3A_1651 = vector.broadcast %min3A_1650 : f32 to vector<16xf32>
      %min3A_1652 = arith.minimumf %max3A_1649, %min3A_1651 : vector<16xf32>
      %sub3A_1653 = arith.constant -1.000000e+01 : f32
      %sub3A_1654 = vector.broadcast %sub3A_1653 : f32 to vector<16xf32>
      %sub3A_1655 = arith.subf %min3A_1652, %sub3A_1654 : vector<16xf32>
      %div3A_1656 = arith.constant 4.000000e-01 : f32
      %div3A_1657 = vector.broadcast %div3A_1656 : f32 to vector<16xf32>
      %div3A_1658 = arith.divf %sub3A_1655, %div3A_1657 : vector<16xf32>
      %convert_element_type3A_1659 = arith.fptosi %div3A_1658 : vector<16xf32> to vector<16xi32>
      %convert_element_type3A_1660 = arith.sitofp %convert_element_type3A_1659 : vector<16xi32> to vector<16xf32>
      %gt3A_1661 = arith.cmpf ogt, %div3A_1658, %convert_element_type3A_1660 : vector<16xf32>
      %add3A_1662 = arith.constant 1 : i32
      %add3A_1663 = vector.broadcast %add3A_1662 : i32 to vector<16xi32>
      %add3A_1664 = arith.addi %convert_element_type3A_1659, %add3A_1663 : vector<16xi32>
      %select_n3A_1665 = arith.select %gt3A_1661, %add3A_1664, %convert_element_type3A_1659 : vector<16xi1>, vector<16xi32>
      %convert_element_type3A_1666 = arith.sitofp %select_n3A_1665 : vector<16xi32> to vector<16xf32>
      %sub3A_1667 = arith.subf %convert_element_type3A_1666, %div3A_1658 : vector<16xf32>
      %mul3A_1668 = arith.mulf %get3A_1642, %sub3A_1667 : vector<16xf32>
      tpu.vector_store_idx %arg9[%convert_element_type3A_1659, %add3A_45], %mul3A_1668 {add = true} : memref<51x512xf32, #tpu.memory_space<vmem>>[vector<16xi32>, vector<16xi32>], vector<16xf32>,
      %sub3A_1669 = arith.subf %div3A_1658, %convert_element_type3A_1660 : vector<16xf32>
      %mul3A_1670 = arith.mulf %get3A_1642, %sub3A_1669 : vector<16xf32>
      tpu.vector_store_idx %arg9[%select_n3A_1665, %add3A_45], %mul3A_1670 {add = true} : memref<51x512xf32, #tpu.memory_space<vmem>>[vector<16xi32>, vector<16xi32>], vector<16xf32>,
    }
    %scan3A_24 = arith.constant 32 : i32
    %mul3A_25 = arith.constant 512 : i32
    %mul3A_26 = arith.muli %add3A, %mul3A_25 : i32
    %dma_start3A_27 = arith.constant 0 : i32
    %dma_start3A_28 = tpu.memref_slice %arg5[%dma_start3A_27, %mul3A_26] : memref<51x16384xf32, #tpu.memory_space<hbm>> -> memref<51x512xf32, #tpu.memory_space<hbm>>
    %dma_start3A_29 = arith.constant 0 : i32
    %dma_start3A_30 = tpu.memref_slice %arg5[%dma_start3A_29, %mul3A_26] : memref<51x16384xf32, #tpu.memory_space<hbm>> -> memref<51x512xf32, #tpu.memory_space<hbm>>
    tpu.enqueue_dma source(%arg9 : memref<51x512xf32, #tpu.memory_space<vmem>>) target(%dma_start3A_30 : memref<51x512xf32, #tpu.memory_space<hbm>>) target_semaphore(%arg11 : memref<!tpu.dma_semaphore, #tpu.memory_space<semaphore_mem>>)
    %dma_wait3A_31 = arith.constant 0 : i32
    %dma_wait3A_32 = tpu.memref_slice %arg5[%dma_wait3A_31, %mul3A_26] : memref<51x16384xf32, #tpu.memory_space<hbm>> -> memref<51x512xf32, #tpu.memory_space<hbm>>
    %dma_wait3A_33 = arith.constant 0 : i32
    %dma_wait3A_34 = tpu.memref_slice %arg5[%dma_wait3A_33, %mul3A_26] : memref<51x16384xf32, #tpu.memory_space<hbm>> -> memref<51x512xf32, #tpu.memory_space<hbm>>
    tpu.wait_dma2 semaphore(%arg11 : memref<!tpu.dma_semaphore, #tpu.memory_space<semaphore_mem>>) src(%arg9 : memref<51x512xf32, #tpu.memory_space<vmem>>) dst(%dma_wait3A_34 : memref<51x512xf32, #tpu.memory_space<hbm>>)
    return
  }
}

module attributes {stable_mosaic.version = 14 : i64} {
  func.func @_tc_body(%arg0: i32, %arg1: memref<51x1xf32, #tpu.memory_space<vmem>>, %arg2: memref<18x51x1024xf32, #tpu.memory_space<vmem>>, %arg3: memref<51x1024xf32, #tpu.memory_space<vmem>>) attributes {dimension_semantics = [#tpu.dimension_semantics<arbitrary>], iteration_bounds = array<i64: 16>, scalar_prefetch = 0 : i64, scratch_operands = 0 : i64, tpu.core_type = #tpu.core_type<tc>, window_params = [{pipeline_mode = #tpu.pipeline_mode<synchronous>, transform_indices = @transform_0, window_bounds = array<i64: 51, 1>}, {transform_indices = @transform_1, window_bounds = array<i64: 18, 51, 1024>}, {transform_indices = @transform_2, window_bounds = array<i64: 51, 1024>}]} {
    %get3A = arith.constant 0 : index
    %get3A_0 = arith.constant 0 : index
    %get3A_1 = vector.load %arg1[%get3A, %get3A_0] : memref<51x1xf32, #tpu.memory_space<vmem>>, vector<51x1xf32>
    %get3A_2 = arith.constant 0 : index
    %get3A_3 = arith.constant 0 : index
    %get3A_4 = arith.constant 0 : index
    %get3A_5 = vector.load %arg2[%get3A_2, %get3A_3, %get3A_4] : memref<18x51x1024xf32, #tpu.memory_space<vmem>>, vector<1x51x1024xf32>
    %get3A_6 = vector.shape_cast %get3A_5 : vector<1x51x1024xf32> to vector<51x1024xf32>
    %reduce_sum3A = arith.constant dense<0.000000e+00> : vector<1024xf32>
    %reduce_sum3A_7 = vector.multi_reduction <add>, %get3A_6, %reduce_sum3A [0] : vector<51x1024xf32> to vector<1024xf32>
    %mul3A = vector.broadcast %get3A_1 : vector<51x1xf32> to vector<51x1024xf32>
    %mul3A_8 = arith.mulf %get3A_6, %mul3A : vector<51x1024xf32>
    %reduce_sum3A_9 = arith.constant dense<0.000000e+00> : vector<1024xf32>
    %reduce_sum3A_10 = vector.multi_reduction <add>, %mul3A_8, %reduce_sum3A_9 [0] : vector<51x1024xf32> to vector<1024xf32>
    %get3A_11 = arith.constant 1 : index
    %get3A_12 = arith.constant 0 : index
    %get3A_13 = arith.constant 0 : index
    %get3A_14 = vector.load %arg2[%get3A_11, %get3A_12, %get3A_13] : memref<18x51x1024xf32, #tpu.memory_space<vmem>>, vector<1x51x1024xf32>
    %get3A_15 = vector.shape_cast %get3A_14 : vector<1x51x1024xf32> to vector<51x1024xf32>
    %reduce_sum3A_16 = arith.constant dense<0.000000e+00> : vector<1024xf32>
    %reduce_sum3A_17 = vector.multi_reduction <add>, %get3A_15, %reduce_sum3A_16 [0] : vector<51x1024xf32> to vector<1024xf32>
    %mul3A_18 = vector.broadcast %get3A_1 : vector<51x1xf32> to vector<51x1024xf32>
    %mul3A_19 = arith.mulf %get3A_15, %mul3A_18 : vector<51x1024xf32>
    %reduce_sum3A_20 = arith.constant dense<0.000000e+00> : vector<1024xf32>
    %reduce_sum3A_21 = vector.multi_reduction <add>, %mul3A_19, %reduce_sum3A_20 [0] : vector<51x1024xf32> to vector<1024xf32>
    %mul3A_22 = arith.mulf %reduce_sum3A_21, %reduce_sum3A_7 : vector<1024xf32>
    %mul3A_23 = arith.mulf %reduce_sum3A_10, %reduce_sum3A_17 : vector<1024xf32>
    %gt3A = arith.cmpf ogt, %mul3A_22, %mul3A_23 : vector<1024xf32>
    %select_n3A = arith.select %gt3A, %reduce_sum3A_21, %reduce_sum3A_10 : vector<1024xi1>, vector<1024xf32>
    %select_n3A_24 = arith.select %gt3A, %reduce_sum3A_17, %reduce_sum3A_7 : vector<1024xi1>, vector<1024xf32>
    %broadcast_in_dim3A = vector.shape_cast %gt3A : vector<1024xi1> to vector<1x1024xi1>
    %broadcast_in_dim3A_25 = vector.shape_cast %broadcast_in_dim3A : vector<1x1024xi1> to vector<1x1024xi1>
    %broadcast_in_dim3A_26 = vector.broadcast %broadcast_in_dim3A_25 : vector<1x1024xi1> to vector<51x1024xi1>
    %select_n3A_27 = arith.select %broadcast_in_dim3A_26, %get3A_15, %get3A_6 : vector<51x1024xi1>, vector<51x1024xf32>
    %get3A_28 = arith.constant 2 : index
    %get3A_29 = arith.constant 0 : index
    %get3A_30 = arith.constant 0 : index
    %get3A_31 = vector.load %arg2[%get3A_28, %get3A_29, %get3A_30] : memref<18x51x1024xf32, #tpu.memory_space<vmem>>, vector<1x51x1024xf32>
    %get3A_32 = vector.shape_cast %get3A_31 : vector<1x51x1024xf32> to vector<51x1024xf32>
    %reduce_sum3A_33 = arith.constant dense<0.000000e+00> : vector<1024xf32>
    %reduce_sum3A_34 = vector.multi_reduction <add>, %get3A_32, %reduce_sum3A_33 [0] : vector<51x1024xf32> to vector<1024xf32>
    %mul3A_35 = vector.broadcast %get3A_1 : vector<51x1xf32> to vector<51x1024xf32>
    %mul3A_36 = arith.mulf %get3A_32, %mul3A_35 : vector<51x1024xf32>
    %reduce_sum3A_37 = arith.constant dense<0.000000e+00> : vector<1024xf32>
    %reduce_sum3A_38 = vector.multi_reduction <add>, %mul3A_36, %reduce_sum3A_37 [0] : vector<51x1024xf32> to vector<1024xf32>
    %mul3A_39 = arith.mulf %reduce_sum3A_38, %select_n3A_24 : vector<1024xf32>
    %mul3A_40 = arith.mulf %select_n3A, %reduce_sum3A_34 : vector<1024xf32>
    %gt3A_41 = arith.cmpf ogt, %mul3A_39, %mul3A_40 : vector<1024xf32>
    %select_n3A_42 = arith.select %gt3A_41, %reduce_sum3A_38, %select_n3A : vector<1024xi1>, vector<1024xf32>
    %select_n3A_43 = arith.select %gt3A_41, %reduce_sum3A_34, %select_n3A_24 : vector<1024xi1>, vector<1024xf32>
    %broadcast_in_dim3A_44 = vector.shape_cast %gt3A_41 : vector<1024xi1> to vector<1x1024xi1>
    %broadcast_in_dim3A_45 = vector.shape_cast %broadcast_in_dim3A_44 : vector<1x1024xi1> to vector<1x1024xi1>
    %broadcast_in_dim3A_46 = vector.broadcast %broadcast_in_dim3A_45 : vector<1x1024xi1> to vector<51x1024xi1>
    %select_n3A_47 = arith.select %broadcast_in_dim3A_46, %get3A_32, %select_n3A_27 : vector<51x1024xi1>, vector<51x1024xf32>
    %get3A_48 = arith.constant 3 : index
    %get3A_49 = arith.constant 0 : index
    %get3A_50 = arith.constant 0 : index
    %get3A_51 = vector.load %arg2[%get3A_48, %get3A_49, %get3A_50] : memref<18x51x1024xf32, #tpu.memory_space<vmem>>, vector<1x51x1024xf32>
    %get3A_52 = vector.shape_cast %get3A_51 : vector<1x51x1024xf32> to vector<51x1024xf32>
    %reduce_sum3A_53 = arith.constant dense<0.000000e+00> : vector<1024xf32>
    %reduce_sum3A_54 = vector.multi_reduction <add>, %get3A_52, %reduce_sum3A_53 [0] : vector<51x1024xf32> to vector<1024xf32>
    %mul3A_55 = vector.broadcast %get3A_1 : vector<51x1xf32> to vector<51x1024xf32>
    %mul3A_56 = arith.mulf %get3A_52, %mul3A_55 : vector<51x1024xf32>
    %reduce_sum3A_57 = arith.constant dense<0.000000e+00> : vector<1024xf32>
    %reduce_sum3A_58 = vector.multi_reduction <add>, %mul3A_56, %reduce_sum3A_57 [0] : vector<51x1024xf32> to vector<1024xf32>
    %mul3A_59 = arith.mulf %reduce_sum3A_58, %select_n3A_43 : vector<1024xf32>
    %mul3A_60 = arith.mulf %select_n3A_42, %reduce_sum3A_54 : vector<1024xf32>
    %gt3A_61 = arith.cmpf ogt, %mul3A_59, %mul3A_60 : vector<1024xf32>
    %select_n3A_62 = arith.select %gt3A_61, %reduce_sum3A_58, %select_n3A_42 : vector<1024xi1>, vector<1024xf32>
    %select_n3A_63 = arith.select %gt3A_61, %reduce_sum3A_54, %select_n3A_43 : vector<1024xi1>, vector<1024xf32>
    %broadcast_in_dim3A_64 = vector.shape_cast %gt3A_61 : vector<1024xi1> to vector<1x1024xi1>
    %broadcast_in_dim3A_65 = vector.shape_cast %broadcast_in_dim3A_64 : vector<1x1024xi1> to vector<1x1024xi1>
    %broadcast_in_dim3A_66 = vector.broadcast %broadcast_in_dim3A_65 : vector<1x1024xi1> to vector<51x1024xi1>
    %select_n3A_67 = arith.select %broadcast_in_dim3A_66, %get3A_52, %select_n3A_47 : vector<51x1024xi1>, vector<51x1024xf32>
    %get3A_68 = arith.constant 4 : index
    %get3A_69 = arith.constant 0 : index
    %get3A_70 = arith.constant 0 : index
    %get3A_71 = vector.load %arg2[%get3A_68, %get3A_69, %get3A_70] : memref<18x51x1024xf32, #tpu.memory_space<vmem>>, vector<1x51x1024xf32>
    %get3A_72 = vector.shape_cast %get3A_71 : vector<1x51x1024xf32> to vector<51x1024xf32>
    %reduce_sum3A_73 = arith.constant dense<0.000000e+00> : vector<1024xf32>
    %reduce_sum3A_74 = vector.multi_reduction <add>, %get3A_72, %reduce_sum3A_73 [0] : vector<51x1024xf32> to vector<1024xf32>
    %mul3A_75 = vector.broadcast %get3A_1 : vector<51x1xf32> to vector<51x1024xf32>
    %mul3A_76 = arith.mulf %get3A_72, %mul3A_75 : vector<51x1024xf32>
    %reduce_sum3A_77 = arith.constant dense<0.000000e+00> : vector<1024xf32>
    %reduce_sum3A_78 = vector.multi_reduction <add>, %mul3A_76, %reduce_sum3A_77 [0] : vector<51x1024xf32> to vector<1024xf32>
    %mul3A_79 = arith.mulf %reduce_sum3A_78, %select_n3A_63 : vector<1024xf32>
    %mul3A_80 = arith.mulf %select_n3A_62, %reduce_sum3A_74 : vector<1024xf32>
    %gt3A_81 = arith.cmpf ogt, %mul3A_79, %mul3A_80 : vector<1024xf32>
    %select_n3A_82 = arith.select %gt3A_81, %reduce_sum3A_78, %select_n3A_62 : vector<1024xi1>, vector<1024xf32>
    %select_n3A_83 = arith.select %gt3A_81, %reduce_sum3A_74, %select_n3A_63 : vector<1024xi1>, vector<1024xf32>
    %broadcast_in_dim3A_84 = vector.shape_cast %gt3A_81 : vector<1024xi1> to vector<1x1024xi1>
    %broadcast_in_dim3A_85 = vector.shape_cast %broadcast_in_dim3A_84 : vector<1x1024xi1> to vector<1x1024xi1>
    %broadcast_in_dim3A_86 = vector.broadcast %broadcast_in_dim3A_85 : vector<1x1024xi1> to vector<51x1024xi1>
    %select_n3A_87 = arith.select %broadcast_in_dim3A_86, %get3A_72, %select_n3A_67 : vector<51x1024xi1>, vector<51x1024xf32>
    %get3A_88 = arith.constant 5 : index
    %get3A_89 = arith.constant 0 : index
    %get3A_90 = arith.constant 0 : index
    %get3A_91 = vector.load %arg2[%get3A_88, %get3A_89, %get3A_90] : memref<18x51x1024xf32, #tpu.memory_space<vmem>>, vector<1x51x1024xf32>
    %get3A_92 = vector.shape_cast %get3A_91 : vector<1x51x1024xf32> to vector<51x1024xf32>
    %reduce_sum3A_93 = arith.constant dense<0.000000e+00> : vector<1024xf32>
    %reduce_sum3A_94 = vector.multi_reduction <add>, %get3A_92, %reduce_sum3A_93 [0] : vector<51x1024xf32> to vector<1024xf32>
    %mul3A_95 = vector.broadcast %get3A_1 : vector<51x1xf32> to vector<51x1024xf32>
    %mul3A_96 = arith.mulf %get3A_92, %mul3A_95 : vector<51x1024xf32>
    %reduce_sum3A_97 = arith.constant dense<0.000000e+00> : vector<1024xf32>
    %reduce_sum3A_98 = vector.multi_reduction <add>, %mul3A_96, %reduce_sum3A_97 [0] : vector<51x1024xf32> to vector<1024xf32>
    %mul3A_99 = arith.mulf %reduce_sum3A_98, %select_n3A_83 : vector<1024xf32>
    %mul3A_100 = arith.mulf %select_n3A_82, %reduce_sum3A_94 : vector<1024xf32>
    %gt3A_101 = arith.cmpf ogt, %mul3A_99, %mul3A_100 : vector<1024xf32>
    %select_n3A_102 = arith.select %gt3A_101, %reduce_sum3A_98, %select_n3A_82 : vector<1024xi1>, vector<1024xf32>
    %select_n3A_103 = arith.select %gt3A_101, %reduce_sum3A_94, %select_n3A_83 : vector<1024xi1>, vector<1024xf32>
    %broadcast_in_dim3A_104 = vector.shape_cast %gt3A_101 : vector<1024xi1> to vector<1x1024xi1>
    %broadcast_in_dim3A_105 = vector.shape_cast %broadcast_in_dim3A_104 : vector<1x1024xi1> to vector<1x1024xi1>
    %broadcast_in_dim3A_106 = vector.broadcast %broadcast_in_dim3A_105 : vector<1x1024xi1> to vector<51x1024xi1>
    %select_n3A_107 = arith.select %broadcast_in_dim3A_106, %get3A_92, %select_n3A_87 : vector<51x1024xi1>, vector<51x1024xf32>
    %get3A_108 = arith.constant 6 : index
    %get3A_109 = arith.constant 0 : index
    %get3A_110 = arith.constant 0 : index
    %get3A_111 = vector.load %arg2[%get3A_108, %get3A_109, %get3A_110] : memref<18x51x1024xf32, #tpu.memory_space<vmem>>, vector<1x51x1024xf32>
    %get3A_112 = vector.shape_cast %get3A_111 : vector<1x51x1024xf32> to vector<51x1024xf32>
    %reduce_sum3A_113 = arith.constant dense<0.000000e+00> : vector<1024xf32>
    %reduce_sum3A_114 = vector.multi_reduction <add>, %get3A_112, %reduce_sum3A_113 [0] : vector<51x1024xf32> to vector<1024xf32>
    %mul3A_115 = vector.broadcast %get3A_1 : vector<51x1xf32> to vector<51x1024xf32>
    %mul3A_116 = arith.mulf %get3A_112, %mul3A_115 : vector<51x1024xf32>
    %reduce_sum3A_117 = arith.constant dense<0.000000e+00> : vector<1024xf32>
    %reduce_sum3A_118 = vector.multi_reduction <add>, %mul3A_116, %reduce_sum3A_117 [0] : vector<51x1024xf32> to vector<1024xf32>
    %mul3A_119 = arith.mulf %reduce_sum3A_118, %select_n3A_103 : vector<1024xf32>
    %mul3A_120 = arith.mulf %select_n3A_102, %reduce_sum3A_114 : vector<1024xf32>
    %gt3A_121 = arith.cmpf ogt, %mul3A_119, %mul3A_120 : vector<1024xf32>
    %select_n3A_122 = arith.select %gt3A_121, %reduce_sum3A_118, %select_n3A_102 : vector<1024xi1>, vector<1024xf32>
    %select_n3A_123 = arith.select %gt3A_121, %reduce_sum3A_114, %select_n3A_103 : vector<1024xi1>, vector<1024xf32>
    %broadcast_in_dim3A_124 = vector.shape_cast %gt3A_121 : vector<1024xi1> to vector<1x1024xi1>
    %broadcast_in_dim3A_125 = vector.shape_cast %broadcast_in_dim3A_124 : vector<1x1024xi1> to vector<1x1024xi1>
    %broadcast_in_dim3A_126 = vector.broadcast %broadcast_in_dim3A_125 : vector<1x1024xi1> to vector<51x1024xi1>
    %select_n3A_127 = arith.select %broadcast_in_dim3A_126, %get3A_112, %select_n3A_107 : vector<51x1024xi1>, vector<51x1024xf32>
    %get3A_128 = arith.constant 7 : index
    %get3A_129 = arith.constant 0 : index
    %get3A_130 = arith.constant 0 : index
    %get3A_131 = vector.load %arg2[%get3A_128, %get3A_129, %get3A_130] : memref<18x51x1024xf32, #tpu.memory_space<vmem>>, vector<1x51x1024xf32>
    %get3A_132 = vector.shape_cast %get3A_131 : vector<1x51x1024xf32> to vector<51x1024xf32>
    %reduce_sum3A_133 = arith.constant dense<0.000000e+00> : vector<1024xf32>
    %reduce_sum3A_134 = vector.multi_reduction <add>, %get3A_132, %reduce_sum3A_133 [0] : vector<51x1024xf32> to vector<1024xf32>
    %mul3A_135 = vector.broadcast %get3A_1 : vector<51x1xf32> to vector<51x1024xf32>
    %mul3A_136 = arith.mulf %get3A_132, %mul3A_135 : vector<51x1024xf32>
    %reduce_sum3A_137 = arith.constant dense<0.000000e+00> : vector<1024xf32>
    %reduce_sum3A_138 = vector.multi_reduction <add>, %mul3A_136, %reduce_sum3A_137 [0] : vector<51x1024xf32> to vector<1024xf32>
    %mul3A_139 = arith.mulf %reduce_sum3A_138, %select_n3A_123 : vector<1024xf32>
    %mul3A_140 = arith.mulf %select_n3A_122, %reduce_sum3A_134 : vector<1024xf32>
    %gt3A_141 = arith.cmpf ogt, %mul3A_139, %mul3A_140 : vector<1024xf32>
    %select_n3A_142 = arith.select %gt3A_141, %reduce_sum3A_138, %select_n3A_122 : vector<1024xi1>, vector<1024xf32>
    %select_n3A_143 = arith.select %gt3A_141, %reduce_sum3A_134, %select_n3A_123 : vector<1024xi1>, vector<1024xf32>
    %broadcast_in_dim3A_144 = vector.shape_cast %gt3A_141 : vector<1024xi1> to vector<1x1024xi1>
    %broadcast_in_dim3A_145 = vector.shape_cast %broadcast_in_dim3A_144 : vector<1x1024xi1> to vector<1x1024xi1>
    %broadcast_in_dim3A_146 = vector.broadcast %broadcast_in_dim3A_145 : vector<1x1024xi1> to vector<51x1024xi1>
    %select_n3A_147 = arith.select %broadcast_in_dim3A_146, %get3A_132, %select_n3A_127 : vector<51x1024xi1>, vector<51x1024xf32>
    %get3A_148 = arith.constant 8 : index
    %get3A_149 = arith.constant 0 : index
    %get3A_150 = arith.constant 0 : index
    %get3A_151 = vector.load %arg2[%get3A_148, %get3A_149, %get3A_150] : memref<18x51x1024xf32, #tpu.memory_space<vmem>>, vector<1x51x1024xf32>
    %get3A_152 = vector.shape_cast %get3A_151 : vector<1x51x1024xf32> to vector<51x1024xf32>
    %reduce_sum3A_153 = arith.constant dense<0.000000e+00> : vector<1024xf32>
    %reduce_sum3A_154 = vector.multi_reduction <add>, %get3A_152, %reduce_sum3A_153 [0] : vector<51x1024xf32> to vector<1024xf32>
    %mul3A_155 = vector.broadcast %get3A_1 : vector<51x1xf32> to vector<51x1024xf32>
    %mul3A_156 = arith.mulf %get3A_152, %mul3A_155 : vector<51x1024xf32>
    %reduce_sum3A_157 = arith.constant dense<0.000000e+00> : vector<1024xf32>
    %reduce_sum3A_158 = vector.multi_reduction <add>, %mul3A_156, %reduce_sum3A_157 [0] : vector<51x1024xf32> to vector<1024xf32>
    %mul3A_159 = arith.mulf %reduce_sum3A_158, %select_n3A_143 : vector<1024xf32>
    %mul3A_160 = arith.mulf %select_n3A_142, %reduce_sum3A_154 : vector<1024xf32>
    %gt3A_161 = arith.cmpf ogt, %mul3A_159, %mul3A_160 : vector<1024xf32>
    %select_n3A_162 = arith.select %gt3A_161, %reduce_sum3A_158, %select_n3A_142 : vector<1024xi1>, vector<1024xf32>
    %select_n3A_163 = arith.select %gt3A_161, %reduce_sum3A_154, %select_n3A_143 : vector<1024xi1>, vector<1024xf32>
    %broadcast_in_dim3A_164 = vector.shape_cast %gt3A_161 : vector<1024xi1> to vector<1x1024xi1>
    %broadcast_in_dim3A_165 = vector.shape_cast %broadcast_in_dim3A_164 : vector<1x1024xi1> to vector<1x1024xi1>
    %broadcast_in_dim3A_166 = vector.broadcast %broadcast_in_dim3A_165 : vector<1x1024xi1> to vector<51x1024xi1>
    %select_n3A_167 = arith.select %broadcast_in_dim3A_166, %get3A_152, %select_n3A_147 : vector<51x1024xi1>, vector<51x1024xf32>
    %get3A_168 = arith.constant 9 : index
    %get3A_169 = arith.constant 0 : index
    %get3A_170 = arith.constant 0 : index
    %get3A_171 = vector.load %arg2[%get3A_168, %get3A_169, %get3A_170] : memref<18x51x1024xf32, #tpu.memory_space<vmem>>, vector<1x51x1024xf32>
    %get3A_172 = vector.shape_cast %get3A_171 : vector<1x51x1024xf32> to vector<51x1024xf32>
    %reduce_sum3A_173 = arith.constant dense<0.000000e+00> : vector<1024xf32>
    %reduce_sum3A_174 = vector.multi_reduction <add>, %get3A_172, %reduce_sum3A_173 [0] : vector<51x1024xf32> to vector<1024xf32>
    %mul3A_175 = vector.broadcast %get3A_1 : vector<51x1xf32> to vector<51x1024xf32>
    %mul3A_176 = arith.mulf %get3A_172, %mul3A_175 : vector<51x1024xf32>
    %reduce_sum3A_177 = arith.constant dense<0.000000e+00> : vector<1024xf32>
    %reduce_sum3A_178 = vector.multi_reduction <add>, %mul3A_176, %reduce_sum3A_177 [0] : vector<51x1024xf32> to vector<1024xf32>
    %mul3A_179 = arith.mulf %reduce_sum3A_178, %select_n3A_163 : vector<1024xf32>
    %mul3A_180 = arith.mulf %select_n3A_162, %reduce_sum3A_174 : vector<1024xf32>
    %gt3A_181 = arith.cmpf ogt, %mul3A_179, %mul3A_180 : vector<1024xf32>
    %select_n3A_182 = arith.select %gt3A_181, %reduce_sum3A_178, %select_n3A_162 : vector<1024xi1>, vector<1024xf32>
    %select_n3A_183 = arith.select %gt3A_181, %reduce_sum3A_174, %select_n3A_163 : vector<1024xi1>, vector<1024xf32>
    %broadcast_in_dim3A_184 = vector.shape_cast %gt3A_181 : vector<1024xi1> to vector<1x1024xi1>
    %broadcast_in_dim3A_185 = vector.shape_cast %broadcast_in_dim3A_184 : vector<1x1024xi1> to vector<1x1024xi1>
    %broadcast_in_dim3A_186 = vector.broadcast %broadcast_in_dim3A_185 : vector<1x1024xi1> to vector<51x1024xi1>
    %select_n3A_187 = arith.select %broadcast_in_dim3A_186, %get3A_172, %select_n3A_167 : vector<51x1024xi1>, vector<51x1024xf32>
    %get3A_188 = arith.constant 10 : index
    %get3A_189 = arith.constant 0 : index
    %get3A_190 = arith.constant 0 : index
    %get3A_191 = vector.load %arg2[%get3A_188, %get3A_189, %get3A_190] : memref<18x51x1024xf32, #tpu.memory_space<vmem>>, vector<1x51x1024xf32>
    %get3A_192 = vector.shape_cast %get3A_191 : vector<1x51x1024xf32> to vector<51x1024xf32>
    %reduce_sum3A_193 = arith.constant dense<0.000000e+00> : vector<1024xf32>
    %reduce_sum3A_194 = vector.multi_reduction <add>, %get3A_192, %reduce_sum3A_193 [0] : vector<51x1024xf32> to vector<1024xf32>
    %mul3A_195 = vector.broadcast %get3A_1 : vector<51x1xf32> to vector<51x1024xf32>
    %mul3A_196 = arith.mulf %get3A_192, %mul3A_195 : vector<51x1024xf32>
    %reduce_sum3A_197 = arith.constant dense<0.000000e+00> : vector<1024xf32>
    %reduce_sum3A_198 = vector.multi_reduction <add>, %mul3A_196, %reduce_sum3A_197 [0] : vector<51x1024xf32> to vector<1024xf32>
    %mul3A_199 = arith.mulf %reduce_sum3A_198, %select_n3A_183 : vector<1024xf32>
    %mul3A_200 = arith.mulf %select_n3A_182, %reduce_sum3A_194 : vector<1024xf32>
    %gt3A_201 = arith.cmpf ogt, %mul3A_199, %mul3A_200 : vector<1024xf32>
    %select_n3A_202 = arith.select %gt3A_201, %reduce_sum3A_198, %select_n3A_182 : vector<1024xi1>, vector<1024xf32>
    %select_n3A_203 = arith.select %gt3A_201, %reduce_sum3A_194, %select_n3A_183 : vector<1024xi1>, vector<1024xf32>
    %broadcast_in_dim3A_204 = vector.shape_cast %gt3A_201 : vector<1024xi1> to vector<1x1024xi1>
    %broadcast_in_dim3A_205 = vector.shape_cast %broadcast_in_dim3A_204 : vector<1x1024xi1> to vector<1x1024xi1>
    %broadcast_in_dim3A_206 = vector.broadcast %broadcast_in_dim3A_205 : vector<1x1024xi1> to vector<51x1024xi1>
    %select_n3A_207 = arith.select %broadcast_in_dim3A_206, %get3A_192, %select_n3A_187 : vector<51x1024xi1>, vector<51x1024xf32>
    %get3A_208 = arith.constant 11 : index
    %get3A_209 = arith.constant 0 : index
    %get3A_210 = arith.constant 0 : index
    %get3A_211 = vector.load %arg2[%get3A_208, %get3A_209, %get3A_210] : memref<18x51x1024xf32, #tpu.memory_space<vmem>>, vector<1x51x1024xf32>
    %get3A_212 = vector.shape_cast %get3A_211 : vector<1x51x1024xf32> to vector<51x1024xf32>
    %reduce_sum3A_213 = arith.constant dense<0.000000e+00> : vector<1024xf32>
    %reduce_sum3A_214 = vector.multi_reduction <add>, %get3A_212, %reduce_sum3A_213 [0] : vector<51x1024xf32> to vector<1024xf32>
    %mul3A_215 = vector.broadcast %get3A_1 : vector<51x1xf32> to vector<51x1024xf32>
    %mul3A_216 = arith.mulf %get3A_212, %mul3A_215 : vector<51x1024xf32>
    %reduce_sum3A_217 = arith.constant dense<0.000000e+00> : vector<1024xf32>
    %reduce_sum3A_218 = vector.multi_reduction <add>, %mul3A_216, %reduce_sum3A_217 [0] : vector<51x1024xf32> to vector<1024xf32>
    %mul3A_219 = arith.mulf %reduce_sum3A_218, %select_n3A_203 : vector<1024xf32>
    %mul3A_220 = arith.mulf %select_n3A_202, %reduce_sum3A_214 : vector<1024xf32>
    %gt3A_221 = arith.cmpf ogt, %mul3A_219, %mul3A_220 : vector<1024xf32>
    %select_n3A_222 = arith.select %gt3A_221, %reduce_sum3A_218, %select_n3A_202 : vector<1024xi1>, vector<1024xf32>
    %select_n3A_223 = arith.select %gt3A_221, %reduce_sum3A_214, %select_n3A_203 : vector<1024xi1>, vector<1024xf32>
    %broadcast_in_dim3A_224 = vector.shape_cast %gt3A_221 : vector<1024xi1> to vector<1x1024xi1>
    %broadcast_in_dim3A_225 = vector.shape_cast %broadcast_in_dim3A_224 : vector<1x1024xi1> to vector<1x1024xi1>
    %broadcast_in_dim3A_226 = vector.broadcast %broadcast_in_dim3A_225 : vector<1x1024xi1> to vector<51x1024xi1>
    %select_n3A_227 = arith.select %broadcast_in_dim3A_226, %get3A_212, %select_n3A_207 : vector<51x1024xi1>, vector<51x1024xf32>
    %get3A_228 = arith.constant 12 : index
    %get3A_229 = arith.constant 0 : index
    %get3A_230 = arith.constant 0 : index
    %get3A_231 = vector.load %arg2[%get3A_228, %get3A_229, %get3A_230] : memref<18x51x1024xf32, #tpu.memory_space<vmem>>, vector<1x51x1024xf32>
    %get3A_232 = vector.shape_cast %get3A_231 : vector<1x51x1024xf32> to vector<51x1024xf32>
    %reduce_sum3A_233 = arith.constant dense<0.000000e+00> : vector<1024xf32>
    %reduce_sum3A_234 = vector.multi_reduction <add>, %get3A_232, %reduce_sum3A_233 [0] : vector<51x1024xf32> to vector<1024xf32>
    %mul3A_235 = vector.broadcast %get3A_1 : vector<51x1xf32> to vector<51x1024xf32>
    %mul3A_236 = arith.mulf %get3A_232, %mul3A_235 : vector<51x1024xf32>
    %reduce_sum3A_237 = arith.constant dense<0.000000e+00> : vector<1024xf32>
    %reduce_sum3A_238 = vector.multi_reduction <add>, %mul3A_236, %reduce_sum3A_237 [0] : vector<51x1024xf32> to vector<1024xf32>
    %mul3A_239 = arith.mulf %reduce_sum3A_238, %select_n3A_223 : vector<1024xf32>
    %mul3A_240 = arith.mulf %select_n3A_222, %reduce_sum3A_234 : vector<1024xf32>
    %gt3A_241 = arith.cmpf ogt, %mul3A_239, %mul3A_240 : vector<1024xf32>
    %select_n3A_242 = arith.select %gt3A_241, %reduce_sum3A_238, %select_n3A_222 : vector<1024xi1>, vector<1024xf32>
    %select_n3A_243 = arith.select %gt3A_241, %reduce_sum3A_234, %select_n3A_223 : vector<1024xi1>, vector<1024xf32>
    %broadcast_in_dim3A_244 = vector.shape_cast %gt3A_241 : vector<1024xi1> to vector<1x1024xi1>
    %broadcast_in_dim3A_245 = vector.shape_cast %broadcast_in_dim3A_244 : vector<1x1024xi1> to vector<1x1024xi1>
    %broadcast_in_dim3A_246 = vector.broadcast %broadcast_in_dim3A_245 : vector<1x1024xi1> to vector<51x1024xi1>
    %select_n3A_247 = arith.select %broadcast_in_dim3A_246, %get3A_232, %select_n3A_227 : vector<51x1024xi1>, vector<51x1024xf32>
    %get3A_248 = arith.constant 13 : index
    %get3A_249 = arith.constant 0 : index
    %get3A_250 = arith.constant 0 : index
    %get3A_251 = vector.load %arg2[%get3A_248, %get3A_249, %get3A_250] : memref<18x51x1024xf32, #tpu.memory_space<vmem>>, vector<1x51x1024xf32>
    %get3A_252 = vector.shape_cast %get3A_251 : vector<1x51x1024xf32> to vector<51x1024xf32>
    %reduce_sum3A_253 = arith.constant dense<0.000000e+00> : vector<1024xf32>
    %reduce_sum3A_254 = vector.multi_reduction <add>, %get3A_252, %reduce_sum3A_253 [0] : vector<51x1024xf32> to vector<1024xf32>
    %mul3A_255 = vector.broadcast %get3A_1 : vector<51x1xf32> to vector<51x1024xf32>
    %mul3A_256 = arith.mulf %get3A_252, %mul3A_255 : vector<51x1024xf32>
    %reduce_sum3A_257 = arith.constant dense<0.000000e+00> : vector<1024xf32>
    %reduce_sum3A_258 = vector.multi_reduction <add>, %mul3A_256, %reduce_sum3A_257 [0] : vector<51x1024xf32> to vector<1024xf32>
    %mul3A_259 = arith.mulf %reduce_sum3A_258, %select_n3A_243 : vector<1024xf32>
    %mul3A_260 = arith.mulf %select_n3A_242, %reduce_sum3A_254 : vector<1024xf32>
    %gt3A_261 = arith.cmpf ogt, %mul3A_259, %mul3A_260 : vector<1024xf32>
    %select_n3A_262 = arith.select %gt3A_261, %reduce_sum3A_258, %select_n3A_242 : vector<1024xi1>, vector<1024xf32>
    %select_n3A_263 = arith.select %gt3A_261, %reduce_sum3A_254, %select_n3A_243 : vector<1024xi1>, vector<1024xf32>
    %broadcast_in_dim3A_264 = vector.shape_cast %gt3A_261 : vector<1024xi1> to vector<1x1024xi1>
    %broadcast_in_dim3A_265 = vector.shape_cast %broadcast_in_dim3A_264 : vector<1x1024xi1> to vector<1x1024xi1>
    %broadcast_in_dim3A_266 = vector.broadcast %broadcast_in_dim3A_265 : vector<1x1024xi1> to vector<51x1024xi1>
    %select_n3A_267 = arith.select %broadcast_in_dim3A_266, %get3A_252, %select_n3A_247 : vector<51x1024xi1>, vector<51x1024xf32>
    %get3A_268 = arith.constant 14 : index
    %get3A_269 = arith.constant 0 : index
    %get3A_270 = arith.constant 0 : index
    %get3A_271 = vector.load %arg2[%get3A_268, %get3A_269, %get3A_270] : memref<18x51x1024xf32, #tpu.memory_space<vmem>>, vector<1x51x1024xf32>
    %get3A_272 = vector.shape_cast %get3A_271 : vector<1x51x1024xf32> to vector<51x1024xf32>
    %reduce_sum3A_273 = arith.constant dense<0.000000e+00> : vector<1024xf32>
    %reduce_sum3A_274 = vector.multi_reduction <add>, %get3A_272, %reduce_sum3A_273 [0] : vector<51x1024xf32> to vector<1024xf32>
    %mul3A_275 = vector.broadcast %get3A_1 : vector<51x1xf32> to vector<51x1024xf32>
    %mul3A_276 = arith.mulf %get3A_272, %mul3A_275 : vector<51x1024xf32>
    %reduce_sum3A_277 = arith.constant dense<0.000000e+00> : vector<1024xf32>
    %reduce_sum3A_278 = vector.multi_reduction <add>, %mul3A_276, %reduce_sum3A_277 [0] : vector<51x1024xf32> to vector<1024xf32>
    %mul3A_279 = arith.mulf %reduce_sum3A_278, %select_n3A_263 : vector<1024xf32>
    %mul3A_280 = arith.mulf %select_n3A_262, %reduce_sum3A_274 : vector<1024xf32>
    %gt3A_281 = arith.cmpf ogt, %mul3A_279, %mul3A_280 : vector<1024xf32>
    %select_n3A_282 = arith.select %gt3A_281, %reduce_sum3A_278, %select_n3A_262 : vector<1024xi1>, vector<1024xf32>
    %select_n3A_283 = arith.select %gt3A_281, %reduce_sum3A_274, %select_n3A_263 : vector<1024xi1>, vector<1024xf32>
    %broadcast_in_dim3A_284 = vector.shape_cast %gt3A_281 : vector<1024xi1> to vector<1x1024xi1>
    %broadcast_in_dim3A_285 = vector.shape_cast %broadcast_in_dim3A_284 : vector<1x1024xi1> to vector<1x1024xi1>
    %broadcast_in_dim3A_286 = vector.broadcast %broadcast_in_dim3A_285 : vector<1x1024xi1> to vector<51x1024xi1>
    %select_n3A_287 = arith.select %broadcast_in_dim3A_286, %get3A_272, %select_n3A_267 : vector<51x1024xi1>, vector<51x1024xf32>
    %get3A_288 = arith.constant 15 : index
    %get3A_289 = arith.constant 0 : index
    %get3A_290 = arith.constant 0 : index
    %get3A_291 = vector.load %arg2[%get3A_288, %get3A_289, %get3A_290] : memref<18x51x1024xf32, #tpu.memory_space<vmem>>, vector<1x51x1024xf32>
    %get3A_292 = vector.shape_cast %get3A_291 : vector<1x51x1024xf32> to vector<51x1024xf32>
    %reduce_sum3A_293 = arith.constant dense<0.000000e+00> : vector<1024xf32>
    %reduce_sum3A_294 = vector.multi_reduction <add>, %get3A_292, %reduce_sum3A_293 [0] : vector<51x1024xf32> to vector<1024xf32>
    %mul3A_295 = vector.broadcast %get3A_1 : vector<51x1xf32> to vector<51x1024xf32>
    %mul3A_296 = arith.mulf %get3A_292, %mul3A_295 : vector<51x1024xf32>
    %reduce_sum3A_297 = arith.constant dense<0.000000e+00> : vector<1024xf32>
    %reduce_sum3A_298 = vector.multi_reduction <add>, %mul3A_296, %reduce_sum3A_297 [0] : vector<51x1024xf32> to vector<1024xf32>
    %mul3A_299 = arith.mulf %reduce_sum3A_298, %select_n3A_283 : vector<1024xf32>
    %mul3A_300 = arith.mulf %select_n3A_282, %reduce_sum3A_294 : vector<1024xf32>
    %gt3A_301 = arith.cmpf ogt, %mul3A_299, %mul3A_300 : vector<1024xf32>
    %select_n3A_302 = arith.select %gt3A_301, %reduce_sum3A_298, %select_n3A_282 : vector<1024xi1>, vector<1024xf32>
    %select_n3A_303 = arith.select %gt3A_301, %reduce_sum3A_294, %select_n3A_283 : vector<1024xi1>, vector<1024xf32>
    %broadcast_in_dim3A_304 = vector.shape_cast %gt3A_301 : vector<1024xi1> to vector<1x1024xi1>
    %broadcast_in_dim3A_305 = vector.shape_cast %broadcast_in_dim3A_304 : vector<1x1024xi1> to vector<1x1024xi1>
    %broadcast_in_dim3A_306 = vector.broadcast %broadcast_in_dim3A_305 : vector<1x1024xi1> to vector<51x1024xi1>
    %select_n3A_307 = arith.select %broadcast_in_dim3A_306, %get3A_292, %select_n3A_287 : vector<51x1024xi1>, vector<51x1024xf32>
    %get3A_308 = arith.constant 16 : index
    %get3A_309 = arith.constant 0 : index
    %get3A_310 = arith.constant 0 : index
    %get3A_311 = vector.load %arg2[%get3A_308, %get3A_309, %get3A_310] : memref<18x51x1024xf32, #tpu.memory_space<vmem>>, vector<1x51x1024xf32>
    %get3A_312 = vector.shape_cast %get3A_311 : vector<1x51x1024xf32> to vector<51x1024xf32>
    %reduce_sum3A_313 = arith.constant dense<0.000000e+00> : vector<1024xf32>
    %reduce_sum3A_314 = vector.multi_reduction <add>, %get3A_312, %reduce_sum3A_313 [0] : vector<51x1024xf32> to vector<1024xf32>
    %mul3A_315 = vector.broadcast %get3A_1 : vector<51x1xf32> to vector<51x1024xf32>
    %mul3A_316 = arith.mulf %get3A_312, %mul3A_315 : vector<51x1024xf32>
    %reduce_sum3A_317 = arith.constant dense<0.000000e+00> : vector<1024xf32>
    %reduce_sum3A_318 = vector.multi_reduction <add>, %mul3A_316, %reduce_sum3A_317 [0] : vector<51x1024xf32> to vector<1024xf32>
    %mul3A_319 = arith.mulf %reduce_sum3A_318, %select_n3A_303 : vector<1024xf32>
    %mul3A_320 = arith.mulf %select_n3A_302, %reduce_sum3A_314 : vector<1024xf32>
    %gt3A_321 = arith.cmpf ogt, %mul3A_319, %mul3A_320 : vector<1024xf32>
    %select_n3A_322 = arith.select %gt3A_321, %reduce_sum3A_318, %select_n3A_302 : vector<1024xi1>, vector<1024xf32>
    %select_n3A_323 = arith.select %gt3A_321, %reduce_sum3A_314, %select_n3A_303 : vector<1024xi1>, vector<1024xf32>
    %broadcast_in_dim3A_324 = vector.shape_cast %gt3A_321 : vector<1024xi1> to vector<1x1024xi1>
    %broadcast_in_dim3A_325 = vector.shape_cast %broadcast_in_dim3A_324 : vector<1x1024xi1> to vector<1x1024xi1>
    %broadcast_in_dim3A_326 = vector.broadcast %broadcast_in_dim3A_325 : vector<1x1024xi1> to vector<51x1024xi1>
    %select_n3A_327 = arith.select %broadcast_in_dim3A_326, %get3A_312, %select_n3A_307 : vector<51x1024xi1>, vector<51x1024xf32>
    %get3A_328 = arith.constant 17 : index
    %get3A_329 = arith.constant 0 : index
    %get3A_330 = arith.constant 0 : index
    %get3A_331 = vector.load %arg2[%get3A_328, %get3A_329, %get3A_330] : memref<18x51x1024xf32, #tpu.memory_space<vmem>>, vector<1x51x1024xf32>
    %get3A_332 = vector.shape_cast %get3A_331 : vector<1x51x1024xf32> to vector<51x1024xf32>
    %reduce_sum3A_333 = arith.constant dense<0.000000e+00> : vector<1024xf32>
    %reduce_sum3A_334 = vector.multi_reduction <add>, %get3A_332, %reduce_sum3A_333 [0] : vector<51x1024xf32> to vector<1024xf32>
    %mul3A_335 = vector.broadcast %get3A_1 : vector<51x1xf32> to vector<51x1024xf32>
    %mul3A_336 = arith.mulf %get3A_332, %mul3A_335 : vector<51x1024xf32>
    %reduce_sum3A_337 = arith.constant dense<0.000000e+00> : vector<1024xf32>
    %reduce_sum3A_338 = vector.multi_reduction <add>, %mul3A_336, %reduce_sum3A_337 [0] : vector<51x1024xf32> to vector<1024xf32>
    %mul3A_339 = arith.mulf %reduce_sum3A_338, %select_n3A_323 : vector<1024xf32>
    %mul3A_340 = arith.mulf %select_n3A_322, %reduce_sum3A_334 : vector<1024xf32>
    %gt3A_341 = arith.cmpf ogt, %mul3A_339, %mul3A_340 : vector<1024xf32>
    %select_n3A_342 = arith.select %gt3A_341, %reduce_sum3A_334, %select_n3A_323 : vector<1024xi1>, vector<1024xf32>
    %broadcast_in_dim3A_343 = vector.shape_cast %gt3A_341 : vector<1024xi1> to vector<1x1024xi1>
    %broadcast_in_dim3A_344 = vector.shape_cast %broadcast_in_dim3A_343 : vector<1x1024xi1> to vector<1x1024xi1>
    %broadcast_in_dim3A_345 = vector.broadcast %broadcast_in_dim3A_344 : vector<1x1024xi1> to vector<51x1024xi1>
    %select_n3A_346 = arith.select %broadcast_in_dim3A_345, %get3A_332, %select_n3A_327 : vector<51x1024xi1>, vector<51x1024xf32>
    %div3A = arith.constant 1.000000e+00 : f32
    %div3A_347 = vector.broadcast %div3A : f32 to vector<1024xf32>
    %div3A_348 = arith.divf %div3A_347, %select_n3A_342 : vector<1024xf32>
    %broadcast_in_dim3A_349 = vector.shape_cast %div3A_348 : vector<1024xf32> to vector<1x1024xf32>
    %mul3A_350 = vector.broadcast %broadcast_in_dim3A_349 : vector<1x1024xf32> to vector<51x1024xf32>
    %mul3A_351 = arith.mulf %select_n3A_346, %mul3A_350 : vector<51x1024xf32>
    %swap3A = arith.constant 0 : index
    %swap3A_352 = arith.constant 0 : index
    %swap3A_353 = vector.load %arg3[%swap3A, %swap3A_352] : memref<51x1024xf32, #tpu.memory_space<vmem>>, vector<51x1024xf32>
    tpu.vector_store %arg3[%swap3A, %swap3A_352], %mul3A_351 {strides = array<i32>} : memref<51x1024xf32, #tpu.memory_space<vmem>>, vector<51x1024xf32>,
    return
  }
  func.func @transform_0(%arg0: i32) -> (i32, i32) {
    %c0_i32 = arith.constant 0 : i32
    %c0_i32_0 = arith.constant 0 : i32
    %c0_i32_1 = arith.constant 0 : i32
    return %c0_i32, %c0_i32_0 : i32, i32
  }
  func.func @transform_1(%arg0: i32) -> (i32, i32, i32) {
    %c0_i32 = arith.constant 0 : i32
    %c0_i32_0 = arith.constant 0 : i32
    %c0_i32_1 = arith.constant 0 : i32
    return %c0_i32, %c0_i32_0, %arg0 : i32, i32, i32
  }
  func.func @transform_2(%arg0: i32) -> (i32, i32) {
    %c0_i32 = arith.constant 0 : i32
    %c0_i32_0 = arith.constant 0 : i32
    return %c0_i32, %arg0 : i32, i32
  }
}

</mosaic_0001>

<sc_bundles>
// kernel: kernel.4.cloned.1.call-start
scs
__scs_entry_jumppad:
0x0: {  	(pc) =	sbr.rel $0x88, $3  }
0x1: {  	(tag) =	ssettag $0x0;
	lr =	simm.s32 $0x1  }
0x2: {  	[smem:$0x3F9E] =	sst lr;
	_ =	strace $0xD0000000  }
0x3: {  	_ = 	snop  }
0x4: {  	_ = 	snop  }
0x5: {  	_ = 	snop  }
0x6: {  	_ = 	snop  }
0x7: {  	_ = 	snop  }
__scs_overlays_trampoline_lowered:
0x8: {  	[smem:$0x3FAD] =	sst s0  }
0x9: {  	[smem:$0x3FAE] =	sst s1  }
0xa: {  	[smem:$0x3FAF] =	sst s2  }
0xb: {  	[smem:$0x3FB0] =	sst s3  }
0xc: {  	[smem:$0x3FB1] =	sst s4  }
0xd: {  	[smem:$0x3FB2] =	sst s5  }
0xe: {  	[smem:$0x3FB3] =	sst s6  }
0xf: {  	[smem:$0x3FB4] =	sst s7  }
0x10: {  	[smem:$0x3FB5] =	sst s8  }
0x11: {  	[smem:$0x3FB6] =	sst s9;
	s0 =	simm.s32 @!p0 $0x0  }
0x12: {  	s1 =	sld [smem:$0x3F9C];
	s0 =	simm.s32 @p0 $0x1  }
0x13: {  	[smem:$0x3FB7] =	sst s0;
	s0 =	simm.s32 @!p1 $0x0  }
0x14: {  	s2 =	sld [smem:$0x3F9B];
	s0 =	simm.s32 @p1 $0x1  }
0x15: {  	[smem:$0x3FB8] =	sst s0;
	s0 =	simm.s32 @!p2 $0x0  }
0x16: {  	s3 =	sld [smem:$0x3FDB];
	s0 =	simm.s32 @p2 $0x1  }
0x17: {  	s4 =	simm.s32 $0x1BF5;
	[smem:$0x3FBA] =	sst s0  }
0x18: {  	s0 =	sld [smem:$0x3F9D];
	_ =	swait.ge [sflag:s4], $0x0  }
0x19: {  	s7 =	sld [smem:$0x3F9E]  }
0x1a: {  	s8 =	sadd.s32 $0xFFFFE003, lr  }
0x1b: {  	s9 =	sadd.s32 $0xFFFFFEF7, lr;
	s5 =	simm.s32 $0xFFFFFFFF;
	p2 =	slt.u32 s8, $0xFFFFF086  }
0x1c: {  	p1 =	slt.u32 s9, $0xF7A;
	s5 =	simm.s32 @!p2 $0x0  }
0x1d: {  	s5 =	simm.s32 @p1 $0x1;
	p0 =	seq.s32 s7, s2  }
0x1e: {  	s7 =	smul.u32 @!p0 $0xF7A, s2;
	p2 =	seq.s32 @!p0 s5, $0x0  }
0x1f: {  	s9 =	smul.u32 $0xF7A, s1;
	s8 =	simm.s32 @!p0 $0x1BF5;
	p2 =	por !p2, p0  }
0x20: {  	[sflag:s8] =	ssyncset.s32 @!p0 $0xFFFFF086;
	s6 =	sadd.s32 @!p0 s3, s7;
	s7 =	simm.s32 @!p0 $0x108  }
0x21: {  	s3 =	sadd.s32 s3, s9;
	s6 =	sadd.s32 @!p0 $0x88, s6;
	s7 =	simm.s32 @p2 $0x1082  }
0x22: {  	[simem:s7], [sflag:s8] =	dma.local @!p0 [hbm:s6], $0xF7A  }
0x23: {  	s9 =	sor.u32 $0xD0000000, s2;
	s6 =	simm.s32 $0x108;
	_ =	swait.ge @!p0 [sflag:s8], $0x0  }
0x24: {  	s3 =	sadd.s32 $0x88, s3;
	s6 =	simm.s32 @!p1 $0x1082;
	[sflag:s4] =	ssyncset.s32 $0xFFFFF086  }
0x25: {  	[simem:s6], [sflag:s4] =	dma.local [hbm:s3], $0xF7A  }
0x26: {  	[smem:$0x3F9E] =	sst s1;
	(tag) =	ssettag s2;
	_ =	strace s9  }
0x27: {  	s1 =	sld [smem:$0x3FAE]  }
0x28: {  	s2 =	sld [smem:$0x3FAF]  }
0x29: {  	s4 =	sld [smem:$0x3FB1]  }
0x2a: {  	p0 =	seq.s32 s5, $0x0;
	s5 =	sld [smem:$0x3FB2]  }
0x2b: {  	s6 =	sld [smem:$0x3FB3]  }
0x2c: {  	s7 =	sld [smem:$0x3FB4]  }
0x2d: {  	s3 =	simm.s32 $0x108;
	s8 =	sld [smem:$0x3FB5]  }
0x2e: {  	s3 =	simm.s32 @!p0 $0x1082;
	s9 =	sld [smem:$0x3FB6]  }
0x2f: {  	lr =	sadd.s32 s0, s3;
	s0 =	sld [smem:$0x3FAD]  }
0x30: {  	s3 =	sld [smem:$0x3FB0]  }
0x31: {  	[smem:$0x3FB9] =	sst s10  }
0x32: {  	s10 =	sld [smem:$0x3FB7];
	_ =	sdelay $0x3  }
0x33: {  	p0 =	seq.s32 s10, $0x1;
	s10 =	sld [smem:$0x3FB9];
	_ =	sdelay $0x3  }
0x34: {  	[smem:$0x3FB9] =	sst s10  }
0x35: {  	s10 =	sld [smem:$0x3FB8];
	_ =	sdelay $0x3  }
0x36: {  	p1 =	seq.s32 s10, $0x1;
	s10 =	sld [smem:$0x3FB9];
	_ =	sdelay $0x3  }
0x37: {  	[smem:$0x3FB9] =	sst s10  }
0x38: {  	s10 =	sld [smem:$0x3FBA]  }
0x39: {  	_ = 	snop;
	(pc) =	sbr.ind lr, $3  }
0x3a: {  	_ = 	snop  }
0x3b: {  	_ = 	snop  }
0x3c: {  	p2 =	seq.s32 s10, $0x1;
	s10 =	sld [smem:$0x3FB9]  }
0x3d: {  	_ =	shalt  }
0x3e: {  	_ =	shalt  }
0x3f: {  	_ =	shalt  }
0x40: {  	_ =	shalt  }
0x41: {  	_ =	shalt  }
0x42: {  	_ =	shalt  }
0x43: {  	_ =	shalt  }
0x44: {  	_ =	shalt  }
0x45: {  	_ =	shalt  }
0x46: {  	_ =	shalt  }
0x47: {  	_ =	shalt  }
0x48: {  	_ =	shalt  }
0x49: {  	_ =	shalt  }
0x4a: {  	_ =	shalt  }
0x4b: {  	_ =	shalt  }
0x4c: {  	_ =	shalt  }
0x4d: {  	_ =	shalt  }
0x4e: {  	_ =	shalt  }
0x4f: {  	_ =	shalt  }
0x50: {  	_ =	shalt  }
0x51: {  	_ =	shalt  }
0x52: {  	_ =	shalt  }
0x53: {  	_ =	shalt  }
0x54: {  	_ =	shalt  }
0x55: {  	_ =	shalt  }
0x56: {  	_ =	shalt  }
0x57: {  	_ =	shalt  }
0x58: {  	_ =	shalt  }
0x59: {  	_ =	shalt  }
0x5a: {  	_ =	shalt  }
0x5b: {  	_ =	shalt  }
0x5c: {  	_ =	shalt  }
0x5d: {  	_ =	shalt  }
0x5e: {  	_ =	shalt  }
0x5f: {  	_ =	shalt  }
0x60: {  	_ =	shalt  }
0x61: {  	_ =	shalt  }
0x62: {  	_ =	shalt  }
0x63: {  	_ =	shalt  }
0x64: {  	_ =	shalt  }
0x65: {  	_ =	shalt  }
0x66: {  	_ =	shalt  }
0x67: {  	_ =	shalt  }
0x68: {  	_ =	shalt  }
0x69: {  	_ =	shalt  }
0x6a: {  	_ =	shalt  }
0x6b: {  	_ =	shalt  }
0x6c: {  	_ =	shalt  }
0x6d: {  	_ =	shalt  }
0x6e: {  	_ =	shalt  }
0x6f: {  	_ =	shalt  }
0x70: {  	_ =	shalt  }
0x71: {  	_ =	shalt  }
0x72: {  	_ =	shalt  }
0x73: {  	_ =	shalt  }
0x74: {  	_ =	shalt  }
0x75: {  	_ =	shalt  }
0x76: {  	_ =	shalt  }
0x77: {  	_ =	shalt  }
0x78: {  	_ =	shalt  }
0x79: {  	_ =	shalt  }
0x7a: {  	_ =	shalt  }
0x7b: {  	_ =	shalt  }
0x7c: {  	_ =	shalt  }
0x7d: {  	_ =	shalt  }
0x7e: {  	_ =	shalt  }
0x7f: {  	_ =	shalt  }
0x80: {  	_ =	shalt  }
0x81: {  	_ =	shalt  }
0x82: {  	_ =	shalt  }
0x83: {  	_ =	shalt  }
0x84: {  	_ =	shalt  }
0x85: {  	_ =	shalt  }
0x86: {  	_ =	shalt  }
0x87: {  	_ =	shalt  }
.Lfunc_end0:
.L_simem_size_0:
called_computation_lowered:
.L_overlay_start_0:
0x88: {  	s2 =	sld [smem:$0x3FD9]  }
0x89: {  	s3 =	sld [smem:$0x3FFE];
	_ =	sdelay $0x1  }
0x8a: {  	s1 =	srdreg.scid  }
0x8b: {  	s0 =	sand.u32 $0x1, s1  }
0x8c: {  	s17 =	sshll.u32 s0, $0xA;
	s2 =	sadd.s32 s3, s2  }
0x8d: {  	s2 =	sadd.s32 s2, s17  }
0x8e: {  	[smem:$0x3FC5] =	sst s2  }
0x8f: {  	_ = 	snop  }
0x90: {  	s2 =	sld [smem:$0x3FC8]  }
0x91: {  	s18 =	sld [smem:$0x3FC7]  }
0x92: {  	s4 =	sld [smem:$0x3FD0];
	(tm) =	ssettm $0x1  }
0x93: {  	s5 =	sld [smem:$0x3FFB];
	_ =	sdelay $0x3  }
0x94: {  	_ =	strace s5  }
0x95: {  	s5 =	sld [smem:$0x3FFC];
	_ =	sdelay $0x3  }
0x96: {  	_ =	strace s5  }
0x97: {  	s5 =	sld [smem:$0x3FFD];
	_ =	sdelay $0x3  }
0x98: {  	_ =	strace s5  }
0x99: {  	_ =	strace $0x8FFFFFFF  }
0x9a: {  	s19 =	sld [smem:$0x3FDB];
	_ =	sdelay $0x1  }
0x9b: {  	s6 =	simm.s32 $_scs_section_size  }
0x9c: {  	s7 =	simm.s32 $_size__tile_overlayer_lowered;
	s8 =	simm.s32 $_tile_overlayer_lowered  }
0x9d: {  	s22 =	simm.s32 $0x1BFF;
	s21 =	sshll.u32 s8, $0x1;
	s5 =	sadd.s32 s6, s19  }
0x9e: {  	s9 =	simm.s32 $0x0;
	s20 =	sshll.u32 s7, $0x1;
	s7 =	sadd.s32 s21, s5  }
0x9f: {  	[timem:s9], [sflag:s22] =	dma.local [hbm:s7], s20  }
0xa0: {  	_ =	swait.ge [sflag:s22], s20  }
0xa1: {  	s6 =	ssub.s32 $0x0, s20;
	[sflag:s22] =	ssyncset.done $0x0  }
0xa2: {  	[sflag:s22] =	ssyncadd.s32 s6;
	_ =	sdelay $0x1  }
0xa3: {  	s23 =	simm.s32 $0x1B8B  }
0xa4: {  	_ =	swait.ge [sflag:s23], $0x1  }
0xa5: {  	[sflag:s23] =	ssyncset.done $0x0  }
0xa6: {  	s25 =	simm.s32 $0x1B8E;
	s24 =	sld [smem:$0x3FFE];
	[sflag:s23] =	ssyncadd.s32 $0xFFFFFFFF  }
0xa7: {  	s26 =	simm.s32 $execute0_lowered;
	[smem:$0x3FD2] =	sst s25  }
0xa8: {  	s7 =	sshll.u32 s26, $0x1;
	_ =	strace $0x80000046;
	[dreg:$0x1] =	wrdreg $0xFFFFFFFF  }
0xa9: {  	s28 =	simm.s32 $_size_execute0_lowered;
	s5 =	sadd.s32 s5, s7;
	[dreg:$0x0] =	wrdreg $0x0  }
0xaa: {  	s7 =	sshll.u32 s28, $0x1;
	[dreg:$0x2] =	wrdreg s5  }
0xab: {  	[dreg:$0x3] =	wrdreg s7  }
0xac: {  	[dreg:$0x4] =	wrdreg $0xC0  }
0xad: {  	_ =	task [dreg:s9], $0x5FFFF  }
0xae: {  	[dreg:$0x1] =	wrdreg $0xFFFFFFFF  }
0xaf: {  	[dreg:$0x0] =	wrdreg $0x60  }
0xb0: {  	[dreg:$0x2] =	wrdreg s4  }
0xb1: {  	[dreg:$0x3] =	wrdreg s2  }
0xb2: {  	[dreg:$0x4] =	wrdreg s18  }
0xb3: {  	[dreg:$0x5] =	wrdreg s24  }
0xb4: {  	[dreg:$0x6] =	wrdreg $0x9  }
0xb5: {  	_ =	task.clear_ibuf [dreg:s9], $0x7FFFF;
	_ =	strace $0x90000046  }
0xb6: {  	s29 =	simm.s32 $0x9;
	_ =	strace $0x80000048  }
0xb7: {  	_ =	swait.ge [sflag:s29], $0x1  }
0xb8: {  	[sflag:s29] =	ssyncadd.s32 $0xFFFFFFFF  }
0xb9: {  	_ =	strace $0x90000048  }
0xba: {  	_ =	sfence  }
0xbb: {  	s30 =	sld [smem:$0x0];
	_ =	sdelay $0x2  }
0xbc: {  	s31 =	sshll.u32 s1, $0xD;
	s1 =	sshrl.u32 s1, $0x2  }
0xbd: {  	s3 =	sand.u32 $0x4000, s31;
	s1 =	sadd.s32 s1, s30  }
0xbe: {  	s0 =	sor.u32 s3, s0;
	s1 =	sshll.u32 s1, $0x11  }
0xbf: {  	s0 =	sor.u32 s1, s0  }
0xc0: {  	s0 =	sadd.s32 $0x8F2B, s0  }
0xc1: {  	[sflag:s0] =	ssyncadd.remote.s32 $0x1  }
0xc2: {  	_ =	sfence.sel $0xFFFF  }
0xc3: {  	[dreg:$0x0] =	wrdreg $0xFFFFFFFF;
	(pc) =	sbr.abs _section_cstart, $3  }
0xc4: {  	[dreg:$0x1] =	wrdreg $0xFFFFFFFF  }
0xc5: {  	_ =	task.clear_ibuf [dreg:s9], $0x2FFFF;
	_ =	strace $0x9FFFFFFF  }
0xc6: {  	(tm) =	ssettm $0x7FFFFFFF  }
0xc7: {  	_ =	shalt  }
tec
execute0_lowered:
.L_overlay_start_1:
0x0: {  	(tag) =	ssettag $0x1  }
0x1: {  	s5 =	rddreg [dreg:$0x0]  }
0x2: {  	s3 =	rddreg [dreg:$0x1]  }
0x3: {  	s4 =	rddreg [dreg:$0x2]  }
0x4: {  	s6 =	rddreg [dreg:$0x3];
	s1 =	simm.s32 $0x0  }
0x5: {  	[smem:$0x7FF] =	sst s1  }
0x6: {  	s0 =	rddreg [dreg:$0x4];
	v0 =	vimm.f32 $4.000000060e-01;
	_ =	strace $0x80000047  }
0x7: {  	(erf) = vrcp.f32 v0;
	_ =	sdelay $0x1  }
0x8: {  	s7 =	srdreg.scid;
	s2 =	stileid.u32;
	s10 =	simm.s32 $0x6800  }
0x9: {  	s11 =	simm.s32 $0x200;
	s12 =	simm.s32 $0x4000;
	s13 =	simm.s32 $0x1  }
0xa: {  	s14 =	simm.s32 $0x6A00;
	s15 =	simm.s32 $0x2;
	s7 =	sand.u32 $0x1, s7  }
0xb: {  	s8 =	sshll.u32 s2, $0x7;
	s9 =	sshll.u32 s7, $0x6;
	s7 =	ssub.s32 $0x2, s7  }
0xc: {  	s16 =	simm.s32 $0x0;
	s8 =	sor.u32 s9, s8;
	s31 =	sshrl.u32 s7, $0x1  }
0xd: {  	v4 =	vlaneseq.u32;
	s9 =	simm.s32 $0x3;
	s6 =	sadd.s32 s8, s6;
	s7 =	ssub.s32 s7, s31  }
0xe: {  	v2 =	vimm.s32 $0x0;
	v3 =	vshrl.u32 v4, $0x3;
	s3 =	sadd.s32 s3, s8;
	s4 =	sadd.s32 s4, s8;
	s5 =	sadd.s32 s5, s8  }
0xf: {  	v4 =	vand.u32 $0x7, v4;
	v3 =	vmul.u32 $0x8, v3;
	v0 =	vimm.f32 $0.0e+00;
	s8 =	simm.s32 $0x6600;
	s6 =	sadd.s32 $0x600, s6;
	s7 =	smax.u32 s7, $0x1;
	v1 =	vpop (erf)  }
.LBB2_1:
0x10: {  	[tilespmem:s8], [sflag:$0x3] =	stream.linear.gather [hbm4b:s3+s1], $0x200, $0x38;
	[tilespmem:$0xD000] =	vst v63  }
0x11: {  	_ =	swait.ge [sflag:s9], $0x200  }
0x12: {  	[sflag:s9] =	ssyncset.done $0x0  }
0x13: {  	[sflag:s9] =	ssyncadd.s32 $0xFFFFFE00  }
0x14: {  	[tilespmem:s10], [sflag:$0x3] =	stream.linear.gather [hbm4b:s4+s1], $0x200, $0x38;
	[tilespmem:$0xD000] =	vst v63  }
0x15: {  	_ =	swait.ge [sflag:s9], $0x200  }
0x16: {  	[sflag:s9] =	ssyncset.done $0x0  }
0x17: {  	s17 =	simm.s32 $0x0;
	s18 =	simm.s32 $0x40;
	[sflag:s9] =	ssyncadd.s32 $0xFFFFFE00  }
0x18: {  	[tilespmem:s1], [sflag:$0x1] =	stream.strided.gather [hbm4b:s5+s11], $0x6600, s12, s11, $0x38;
	[tilespmem:$0xD000] =	vst v63  }
.LBB2_2:
0x19: {  	p0 =	sne.s32 s18, $0x7C0;
	[tilespmem:s17+$0xCE00] =	vst v0  }
0x1a: {  	[tilespmem:s17+$0x6A00] =	vst v0  }
0x1b: {  	[tilespmem:s17+$0x6C00] =	vst v0  }
0x1c: {  	[tilespmem:s17+$0x6E00] =	vst v0  }
0x1d: {  	[tilespmem:s17+$0x7000] =	vst v0  }
0x1e: {  	[tilespmem:s17+$0x7200] =	vst v0  }
0x1f: {  	[tilespmem:s17+$0x7400] =	vst v0  }
0x20: {  	[tilespmem:s17+$0x7600] =	vst v0  }
0x21: {  	[tilespmem:s17+$0x7800] =	vst v0  }
0x22: {  	[tilespmem:s17+$0x7A00] =	vst v0  }
0x23: {  	[tilespmem:s17+$0x7C00] =	vst v0  }
0x24: {  	[tilespmem:s17+$0x7E00] =	vst v0  }
0x25: {  	[tilespmem:s17+$0x8000] =	vst v0  }
0x26: {  	[tilespmem:s17+$0x8200] =	vst v0  }
0x27: {  	[tilespmem:s17+$0x8400] =	vst v0  }
0x28: {  	[tilespmem:s17+$0x8600] =	vst v0  }
0x29: {  	[tilespmem:s17+$0x8800] =	vst v0  }
0x2a: {  	[tilespmem:s17+$0x8A00] =	vst v0  }
0x2b: {  	[tilespmem:s17+$0x8C00] =	vst v0  }
0x2c: {  	[tilespmem:s17+$0x8E00] =	vst v0  }
0x2d: {  	[tilespmem:s17+$0x9000] =	vst v0  }
0x2e: {  	[tilespmem:s17+$0x9200] =	vst v0  }
0x2f: {  	[tilespmem:s17+$0x9400] =	vst v0  }
0x30: {  	[tilespmem:s17+$0x9600] =	vst v0  }
0x31: {  	[tilespmem:s17+$0x9800] =	vst v0  }
0x32: {  	[tilespmem:s17+$0x9A00] =	vst v0  }
0x33: {  	[tilespmem:s17+$0x9C00] =	vst v0  }
0x34: {  	[tilespmem:s17+$0x9E00] =	vst v0  }
0x35: {  	[tilespmem:s17+$0xA000] =	vst v0  }
0x36: {  	[tilespmem:s17+$0xA200] =	vst v0  }
0x37: {  	[tilespmem:s17+$0xA400] =	vst v0  }
0x38: {  	[tilespmem:s17+$0xA600] =	vst v0  }
0x39: {  	[tilespmem:s17+$0xA800] =	vst v0  }
0x3a: {  	[tilespmem:s17+$0xAA00] =	vst v0  }
0x3b: {  	[tilespmem:s17+$0xAC00] =	vst v0  }
0x3c: {  	[tilespmem:s17+$0xAE00] =	vst v0  }
0x3d: {  	[tilespmem:s17+$0xB000] =	vst v0  }
0x3e: {  	[tilespmem:s17+$0xB200] =	vst v0  }
0x3f: {  	[tilespmem:s17+$0xB400] =	vst v0  }
0x40: {  	[tilespmem:s17+$0xB600] =	vst v0  }
0x41: {  	[tilespmem:s17+$0xB800] =	vst v0  }
0x42: {  	[tilespmem:s17+$0xBA00] =	vst v0  }
0x43: {  	[tilespmem:s17+$0xBC00] =	vst v0  }
0x44: {  	[tilespmem:s17+$0xBE00] =	vst v0  }
0x45: {  	[tilespmem:s17+$0xC000] =	vst v0  }
0x46: {  	[tilespmem:s17+$0xC200] =	vst v0  }
.Ltmp0:
0x47: {  	[tilespmem:s17+$0xC400] =	vst v0;
	(pc) =	sbr.rel @p0 .LBB2_2-.Ltmp0, $4  }
0x48: {  	[tilespmem:s17+$0xC600] =	vst v0  }
0x49: {  	[tilespmem:s17+$0xC800] =	vst v0  }
0x4a: {  	[tilespmem:s17+$0xCA00] =	vst v0  }
0x4b: {  	[tilespmem:s17+$0xCC00] =	vst v0;
	s17 =	sshra.s32 s18, $0x2;
	s18 =	sadd.s32 $0x40, s18  }
0x4c: {  	[tilespmem:s17+$0xCE00] =	vst v0  }
0x4d: {  	[tilespmem:s17+$0x6A00] =	vst v0  }
0x4e: {  	[tilespmem:s17+$0x6C00] =	vst v0  }
0x4f: {  	[tilespmem:s17+$0x6E00] =	vst v0  }
0x50: {  	[tilespmem:s17+$0x7000] =	vst v0  }
0x51: {  	[tilespmem:s17+$0x7200] =	vst v0  }
0x52: {  	[tilespmem:s17+$0x7400] =	vst v0  }
0x53: {  	[tilespmem:s17+$0x7600] =	vst v0  }
0x54: {  	[tilespmem:s17+$0x7800] =	vst v0  }
0x55: {  	[tilespmem:s17+$0x7A00] =	vst v0  }
0x56: {  	[tilespmem:s17+$0x7C00] =	vst v0  }
0x57: {  	[tilespmem:s17+$0x7E00] =	vst v0  }
0x58: {  	[tilespmem:s17+$0x8000] =	vst v0  }
0x59: {  	[tilespmem:s17+$0x8200] =	vst v0  }
0x5a: {  	[tilespmem:s17+$0x8400] =	vst v0  }
0x5b: {  	[tilespmem:s17+$0x8600] =	vst v0  }
0x5c: {  	[tilespmem:s17+$0x8800] =	vst v0  }
0x5d: {  	[tilespmem:s17+$0x8A00] =	vst v0  }
0x5e: {  	[tilespmem:s17+$0x8C00] =	vst v0  }
0x5f: {  	[tilespmem:s17+$0x8E00] =	vst v0  }
0x60: {  	[tilespmem:s17+$0x9000] =	vst v0  }
0x61: {  	[tilespmem:s17+$0x9200] =	vst v0  }
0x62: {  	[tilespmem:s17+$0x9400] =	vst v0  }
0x63: {  	[tilespmem:s17+$0x9600] =	vst v0  }
0x64: {  	[tilespmem:s17+$0x9800] =	vst v0  }
0x65: {  	[tilespmem:s17+$0x9A00] =	vst v0  }
0x66: {  	[tilespmem:s17+$0x9C00] =	vst v0  }
0x67: {  	[tilespmem:s17+$0x9E00] =	vst v0  }
0x68: {  	[tilespmem:s17+$0xA000] =	vst v0  }
0x69: {  	[tilespmem:s17+$0xA200] =	vst v0  }
0x6a: {  	[tilespmem:s17+$0xA400] =	vst v0  }
0x6b: {  	[tilespmem:s17+$0xA600] =	vst v0  }
0x6c: {  	[tilespmem:s17+$0xA800] =	vst v0  }
0x6d: {  	[tilespmem:s17+$0xAA00] =	vst v0  }
0x6e: {  	[tilespmem:s17+$0xAC00] =	vst v0  }
0x6f: {  	[tilespmem:s17+$0xAE00] =	vst v0  }
0x70: {  	[tilespmem:s17+$0xB000] =	vst v0  }
0x71: {  	[tilespmem:s17+$0xB200] =	vst v0  }
0x72: {  	[tilespmem:s17+$0xB400] =	vst v0  }
0x73: {  	[tilespmem:s17+$0xB600] =	vst v0  }
0x74: {  	[tilespmem:s17+$0xB800] =	vst v0  }
0x75: {  	[tilespmem:s17+$0xBA00] =	vst v0  }
0x76: {  	[tilespmem:s17+$0xBC00] =	vst v0  }
0x77: {  	[tilespmem:s17+$0xBE00] =	vst v0  }
0x78: {  	[tilespmem:s17+$0xC000] =	vst v0  }
0x79: {  	[tilespmem:s17+$0xC200] =	vst v0  }
0x7a: {  	[tilespmem:s17+$0xC400] =	vst v0  }
0x7b: {  	[tilespmem:s17+$0xC600] =	vst v0  }
0x7c: {  	[tilespmem:s17+$0xC800] =	vst v0  }
0x7d: {  	[tilespmem:s17+$0xCA00] =	vst v0  }
0x7e: {  	[tilespmem:s17+$0xCC00] =	vst v0  }
0x7f: {  	_ =	swait.ge [sflag:s13], $0x6600  }
0x80: {  	[sflag:s13] =	ssyncset.done $0x0  }
0x81: {  	s17 =	simm.s32 $0x0;
	s18 =	simm.s32 $0x0;
	[sflag:s13] =	ssyncadd.s32 $0xFFFF9A00  }
.LBB2_4:
0x82: {  	s19 =	sshra.s32 s18, $0x2  }
0x83: {  	v5 =	vld [tilespmem:s19+$0x6800];
	_ =	sdelay $0x3  }
0x84: {  	v6 =	vld [tilespmem:s19+$0x6600]  }
0x85: {  	v8 =	vmul.f32 $9.900000090e-01, v5;
	_ =	sdelay $0x1  }
0x86: {  	v7 =	vmul.f32 $1.000000000e+01, v8;
	_ =	sdelay $0x1  }
0x87: {  	v5 =	vsub.f32 v6, v7;
	_ =	sdelay $0x1  }
0x88: {  	v5 =	vmax.f32 v5, $-1.000000000e+01  }
0x89: {  	v5 =	vmin.f32 v5, $1.000000000e+01  }
0x8a: {  	v5 =	vadd.f32 $1.000000000e+01, v5;
	_ =	sdelay $0x1  }
0x8b: {  	v9 =	vmul.f32 v5, v1;
	v5 =	vmul.f32 $-9.600000380e+00, v8;
	_ =	sdelay $0x1  }
0x8c: {  	v10 =	vtrunc.f32 v9;
	v5 =	vadd.f32 v5, v6  }
0x8d: {  	v10 =	vcvt.f32.s32 v10  }
0x8e: {  	v14 =	vmul.f32 $-9.199999800e+00, v8;
	v5 =	vmax.f32 v5, $-1.000000000e+01  }
0x8f: {  	v11 =	vcvt.s32.f32 v10;
	v5 =	vmin.f32 v5, $1.000000000e+01  }
0x90: {  	v14 =	vadd.f32 v14, v6;
	v5 =	vadd.f32 $1.000000000e+01, v5  }
0x91: {  	vm0 =	vgt.f32 v9, v11  }
0x92: {  	v14 =	vmax.f32 v14, $-1.000000000e+01;
	v12 =	vsel vm0, $0x1, v2;
	v13 =	vmul.f32 v5, v1  }
0x93: {  	v15 =	vld [tilespmem:s19+$0x0];
	v5 =	vor.u32 s17, v3;
	v12 =	vadd.s32 v10, v12;
	v10 =	vshll.u32 v10, $0x9  }
0x94: {  	v16 =	vcvt.s32.f32 v12;
	v10 =	vadd.s32 v5, v10;
	v12 =	vshll.u32 v12, $0x9  }
0x95: {  	v17 =	vtrunc.f32 v13;
	v10 =	vor.u32 v4, v10;
	v12 =	vadd.s32 v5, v12  }
0x96: {  	v17 =	vcvt.f32.s32 v17;
	v16 =	vsub.f32 v16, v9;
	v12 =	vor.u32 v4, v12  }
0x97: {  	v62 =	vmin.f32 v14, $1.000000000e+01;
	v9 =	vsub.f32 v9, v11  }
0x98: {  	v11 =	vadd.f32 $1.000000000e+01, v62;
	v18 =	vcvt.s32.f32 v17;
	v63 =	vmul.f32 v16, v15  }
0x99: {  	v9 =	vmul.f32 v9, v15  }
0x9a: {  	v11 =	vmul.f32 v11, v1;
	vm14 =	vgt.f32 v13, v18;
	[tilespmem:v10+s14+$0x0] =	vst.idx.add.f32.msk $0xffff, v63  }
0x9b: {  	v22 =	vshll.u32 v17, $0x9;
	v19 =	vsel vm14, $0x1, v2;
	[tilespmem:v12+s14+$0x0] =	vst.idx.add.f32.msk $0xffff, v9  }
0x9c: {  	v15 =	vadd.s32 v5, v22;
	v23 =	vtrunc.f32 v11;
	v20 =	vadd.s32 v17, v19;
	v14 =	vld [tilespmem:s19+$0x200]  }
0x9d: {  	v9 =	vmul.f32 $8.799999240e+00, v8;
	v21 =	vcvt.s32.f32 v20;
	v10 =	vshll.u32 v20, $0x9  }
0x9e: {  	v15 =	vor.u32 v4, v15;
	v16 =	vcvt.f32.s32 v23;
	v10 =	vadd.s32 v5, v10  }
0x9f: {  	v24 =	vsub.f32 v6, v9;
	v12 =	vsub.f32 v21, v13;
	v10 =	vor.u32 v4, v10  }
0xa0: {  	v19 =	vcvt.s32.f32 v16;
	v13 =	vsub.f32 v13, v18  }
0xa1: {  	v29 =	vmul.f32 $-8.399999610e+00, v8;
	v17 =	vmax.f32 v24, $-1.000000000e+01;
	v12 =	vmul.f32 v12, v14  }
0xa2: {  	vm15 =	vgt.f32 v11, v19;
	v17 =	vmin.f32 v17, $1.000000000e+01;
	v13 =	vmul.f32 v13, v14  }
0xa3: {  	v25 =	vsel vm15, $0x1, v2;
	v17 =	vadd.f32 $1.000000000e+01, v17;
	[tilespmem:v15+s14+$0x0] =	vst.idx.add.f32.msk $0xffff, v12  }
0xa4: {  	v26 =	vadd.s32 v16, v25;
	v14 =	vadd.f32 v29, v6;
	[tilespmem:v10+s14+$0x0] =	vst.idx.add.f32.msk $0xffff, v13  }
0xa5: {  	v27 =	vshll.u32 v16, $0x9;
	v30 =	vcvt.s32.f32 v26;
	v28 =	vmul.f32 v17, v1;
	v15 =	vld [tilespmem:s19+$0x400]  }
0xa6: {  	v12 =	vshll.u32 v26, $0x9;
	v14 =	vmax.f32 v14, $-1.000000000e+01;
	v10 =	vadd.s32 v5, v27  }
0xa7: {  	v12 =	vadd.s32 v5, v12;
	v17 =	vtrunc.f32 v28;
	v10 =	vor.u32 v4, v10  }
0xa8: {  	v16 =	vsub.f32 v30, v11;
	v12 =	vor.u32 v4, v12;
	v17 =	vcvt.f32.s32 v17  }
0xa9: {  	v11 =	vsub.f32 v11, v19;
	v14 =	vmin.f32 v14, $1.000000000e+01  }
0xaa: {  	v14 =	vadd.f32 $1.000000000e+01, v14;
	v31 =	vcvt.s32.f32 v17;
	v16 =	vmul.f32 v16, v15  }
0xab: {  	v11 =	vmul.f32 v11, v15  }
0xac: {  	v14 =	vmul.f32 v14, v1;
	vm4 =	vgt.f32 v28, v31;
	[tilespmem:v10+s14+$0x0] =	vst.idx.add.f32.msk $0xffff, v16  }
0xad: {  	v34 =	vmul.f32 $-8.000000000e+00, v8;
	v32 =	vsel vm4, $0x1, v2;
	[tilespmem:v12+s14+$0x0] =	vst.idx.add.f32.msk $0xffff, v11  }
0xae: {  	v33 =	vshll.u32 v17, $0x9;
	v37 =	vtrunc.f32 v14;
	v10 =	vadd.s32 v17, v32;
	v35 =	vld [tilespmem:s19+$0x600]  }
0xaf: {  	v36 =	vcvt.s32.f32 v10;
	v11 =	vadd.s32 v5, v33;
	v10 =	vshll.u32 v10, $0x9  }
0xb0: {  	v17 =	vcvt.f32.s32 v37;
	v11 =	vor.u32 v4, v11;
	v10 =	vadd.s32 v5, v10  }
0xb1: {  	v12 =	vadd.f32 v34, v6;
	v16 =	vsub.f32 v36, v28;
	v10 =	vor.u32 v4, v10  }
0xb2: {  	v44 =	vmul.f32 $-7.600000380e+00, v8;
	v13 =	vsub.f32 v28, v31;
	v38 =	vcvt.s32.f32 v17  }
0xb3: {  	v42 =	vshll.u32 v17, $0x9;
	v12 =	vmax.f32 v12, $-1.000000000e+01;
	v16 =	vmul.f32 v16, v35  }
0xb4: {  	v12 =	vmin.f32 v12, $1.000000000e+01;
	vm5 =	vgt.f32 v14, v38;
	v13 =	vmul.f32 v13, v35  }
0xb5: {  	v15 =	vadd.s32 v5, v42;
	v12 =	vadd.f32 $1.000000000e+01, v12;
	v39 =	vsel vm5, $0x1, v2;
	[tilespmem:v11+s14+$0x0] =	vst.idx.add.f32.msk $0xffff, v16  }
0xb6: {  	v40 =	vadd.s32 v17, v39;
	v17 =	vadd.f32 v44, v6;
	[tilespmem:v10+s14+$0x0] =	vst.idx.add.f32.msk $0xffff, v13  }
0xb7: {  	v15 =	vor.u32 v4, v15;
	v12 =	vmul.f32 v12, v1;
	v13 =	vld [tilespmem:s19+$0x800]  }
0xb8: {  	v41 =	vcvt.s32.f32 v40;
	v17 =	vmax.f32 v17, $-1.000000000e+01;
	v11 =	vshll.u32 v40, $0x9  }
0xb9: {  	v43 =	vtrunc.f32 v12;
	v17 =	vmin.f32 v17, $1.000000000e+01;
	v11 =	vadd.s32 v5, v11  }
0xba: {  	v16 =	vcvt.f32.s32 v43;
	v10 =	vsub.f32 v41, v14;
	v11 =	vor.u32 v4, v11  }
0xbb: {  	v14 =	vsub.f32 v14, v38;
	v17 =	vadd.f32 $1.000000000e+01, v17  }
0xbc: {  	v45 =	vcvt.s32.f32 v16;
	v10 =	vmul.f32 v10, v13  }
0xbd: {  	v49 =	vmul.f32 v17, v1;
	v13 =	vmul.f32 v13, v14  }
0xbe: {  	vm6 =	vgt.f32 v12, v45;
	[tilespmem:v15+s14+$0x0] =	vst.idx.add.f32.msk $0xffff, v10  }
0xbf: {  	v50 =	vmul.f32 $-7.200000290e+00, v8;
	v17 =	vtrunc.f32 v49;
	v46 =	vsel vm6, $0x1, v2;
	[tilespmem:v11+s14+$0x0] =	vst.idx.add.f32.msk $0xffff, v13  }
0xc0: {  	v48 =	vshll.u32 v16, $0x9;
	v17 =	vcvt.f32.s32 v17;
	v47 =	vadd.s32 v16, v46;
	v15 =	vld [tilespmem:s19+$0xA00]  }
0xc1: {  	v51 =	vcvt.s32.f32 v47;
	v10 =	vshll.u32 v47, $0x9;
	v11 =	vadd.s32 v5, v48  }
0xc2: {  	v14 =	vadd.f32 v50, v6;
	v10 =	vadd.s32 v5, v10;
	v11 =	vor.u32 v4, v11  }
0xc3: {  	v16 =	vsub.f32 v51, v12;
	v10 =	vor.u32 v4, v10  }
0xc4: {  	v52 =	vcvt.s32.f32 v17;
	v14 =	vmax.f32 v14, $-1.000000000e+01;
	v12 =	vsub.f32 v12, v45  }
0xc5: {  	v14 =	vmin.f32 v14, $1.000000000e+01;
	v16 =	vmul.f32 v15, v16  }
0xc6: {  	vm7 =	vgt.f32 v49, v52;
	v14 =	vadd.f32 $1.000000000e+01, v14;
	v12 =	vmul.f32 v15, v12  }
0xc7: {  	v53 =	vsel vm7, $0x1, v2;
	[tilespmem:v11+s14+$0x0] =	vst.idx.add.f32.msk $0xffff, v16  }
0xc8: {  	v54 =	vadd.s32 v17, v53;
	v14 =	vmul.f32 v14, v1;
	[tilespmem:v10+s14+$0x0] =	vst.idx.add.f32.msk $0xffff, v12  }
0xc9: {  	v56 =	vmul.f32 $-6.800000670e+00, v8;
	v55 =	vshll.u32 v17, $0x9;
	v58 =	vcvt.s32.f32 v54;
	v57 =	vld [tilespmem:s19+$0xC00]  }
0xca: {  	v59 =	vtrunc.f32 v14;
	v11 =	vadd.s32 v5, v55;
	v10 =	vshll.u32 v54, $0x9  }
0xcb: {  	v17 =	vcvt.f32.s32 v59;
	v11 =	vor.u32 v4, v11;
	v10 =	vadd.s32 v5, v10  }
0xcc: {  	v16 =	vsub.f32 v58, v49;
	v12 =	vadd.f32 v56, v6;
	v10 =	vor.u32 v4, v10  }
0xcd: {  	v22 =	vmul.f32 $-6.400000100e+00, v8;
	v13 =	vsub.f32 v49, v52;
	v60 =	vcvt.s32.f32 v17  }
0xce: {  	v20 =	vshll.u32 v17, $0x9;
	v12 =	vmax.f32 v12, $-1.000000000e+01;
	v16 =	vmul.f32 v57, v16  }
0xcf: {  	vm8 =	vgt.f32 v14, v60;
	v12 =	vmin.f32 v12, $1.000000000e+01;
	v13 =	vmul.f32 v57, v13  }
0xd0: {  	v15 =	vadd.s32 v5, v20;
	v61 =	vsel vm8, $0x1, v2;
	v12 =	vadd.f32 $1.000000000e+01, v12;
	[tilespmem:v11+s14+$0x0] =	vst.idx.add.f32.msk $0xffff, v16  }
0xd1: {  	v62 =	vadd.s32 v17, v61;
	v17 =	vadd.f32 v22, v6;
	[tilespmem:v10+s14+$0x0] =	vst.idx.add.f32.msk $0xffff, v13  }
0xd2: {  	v15 =	vor.u32 v4, v15;
	v12 =	vmul.f32 v12, v1;
	v13 =	vld [tilespmem:s19+$0xE00]  }
0xd3: {  	v63 =	vcvt.s32.f32 v62;
	v17 =	vmax.f32 v17, $-1.000000000e+01;
	v11 =	vshll.u32 v62, $0x9  }
0xd4: {  	v17 =	vmin.f32 v17, $1.000000000e+01;
	v21 =	vtrunc.f32 v12;
	v11 =	vadd.s32 v5, v11  }
0xd5: {  	v16 =	vcvt.f32.s32 v21;
	v10 =	vsub.f32 v63, v14;
	v11 =	vor.u32 v4, v11  }
0xd6: {  	v17 =	vadd.f32 $1.000000000e+01, v17;
	v14 =	vsub.f32 v14, v60  }
0xd7: {  	v23 =	vcvt.s32.f32 v16;
	v10 =	vmul.f32 v13, v10  }
0xd8: {  	v27 =	vmul.f32 v17, v1;
	v13 =	vmul.f32 v13, v14  }
0xd9: {  	vm9 =	vgt.f32 v12, v23;
	[tilespmem:v15+s14+$0x0] =	vst.idx.add.f32.msk $0xffff, v10  }
0xda: {  	v28 =	vmul.f32 $-6.000000000e+00, v8;
	v17 =	vtrunc.f32 v27;
	v24 =	vsel vm9, $0x1, v2;
	[tilespmem:v11+s14+$0x0] =	vst.idx.add.f32.msk $0xffff, v13  }
0xdb: {  	v26 =	vshll.u32 v16, $0x9;
	v17 =	vcvt.f32.s32 v17;
	v25 =	vadd.s32 v16, v24;
	v15 =	vld [tilespmem:s19+$0x1000]  }
0xdc: {  	v29 =	vcvt.s32.f32 v25;
	v10 =	vshll.u32 v25, $0x9;
	v11 =	vadd.s32 v5, v26  }
0xdd: {  	v14 =	vadd.f32 v28, v6;
	v10 =	vadd.s32 v5, v10;
	v11 =	vor.u32 v4, v11  }
0xde: {  	v16 =	vsub.f32 v29, v12;
	v10 =	vor.u32 v4, v10  }
0xdf: {  	v30 =	vcvt.s32.f32 v17;
	v14 =	vmax.f32 v14, $-1.000000000e+01;
	v12 =	vsub.f32 v12, v23  }
0xe0: {  	v14 =	vmin.f32 v14, $1.000000000e+01;
	v16 =	vmul.f32 v15, v16  }
0xe1: {  	vm10 =	vgt.f32 v27, v30;
	v14 =	vadd.f32 $1.000000000e+01, v14;
	v12 =	vmul.f32 v15, v12  }
0xe2: {  	v31 =	vsel vm10, $0x1, v2;
	[tilespmem:v11+s14+$0x0] =	vst.idx.add.f32.msk $0xffff, v16  }
0xe3: {  	v32 =	vadd.s32 v17, v31;
	v14 =	vmul.f32 v14, v1;
	[tilespmem:v10+s14+$0x0] =	vst.idx.add.f32.msk $0xffff, v12  }
0xe4: {  	v34 =	vmul.f32 $-5.599999900e+00, v8;
	v33 =	vshll.u32 v17, $0x9;
	v36 =	vcvt.s32.f32 v32;
	v35 =	vld [tilespmem:s19+$0x1200]  }
0xe5: {  	v37 =	vtrunc.f32 v14;
	v11 =	vadd.s32 v5, v33;
	v10 =	vshll.u32 v32, $0x9  }
0xe6: {  	v17 =	vcvt.f32.s32 v37;
	v11 =	vor.u32 v4, v11;
	v10 =	vadd.s32 v5, v10  }
0xe7: {  	v16 =	vsub.f32 v36, v27;
	v12 =	vadd.f32 v34, v6;
	v10 =	vor.u32 v4, v10  }
0xe8: {  	v44 =	vmul.f32 $-5.199999810e+00, v8;
	v13 =	vsub.f32 v27, v30;
	v38 =	vcvt.s32.f32 v17  }
0xe9: {  	v42 =	vshll.u32 v17, $0x9;
	v12 =	vmax.f32 v12, $-1.000000000e+01;
	v16 =	vmul.f32 v35, v16  }
0xea: {  	vm11 =	vgt.f32 v14, v38;
	v12 =	vmin.f32 v12, $1.000000000e+01;
	v13 =	vmul.f32 v35, v13  }
0xeb: {  	v15 =	vadd.s32 v5, v42;
	v39 =	vsel vm11, $0x1, v2;
	v12 =	vadd.f32 $1.000000000e+01, v12;
	[tilespmem:v11+s14+$0x0] =	vst.idx.add.f32.msk $0xffff, v16  }
0xec: {  	v40 =	vadd.s32 v17, v39;
	v17 =	vadd.f32 v44, v6;
	[tilespmem:v10+s14+$0x0] =	vst.idx.add.f32.msk $0xffff, v13  }
0xed: {  	v15 =	vor.u32 v4, v15;
	v12 =	vmul.f32 v12, v1;
	v13 =	vld [tilespmem:s19+$0x1400]  }
0xee: {  	v41 =	vcvt.s32.f32 v40;
	v17 =	vmax.f32 v17, $-1.000000000e+01;
	v11 =	vshll.u32 v40, $0x9  }
0xef: {  	v17 =	vmin.f32 v17, $1.000000000e+01;
	v43 =	vtrunc.f32 v12;
	v11 =	vadd.s32 v5, v11  }
0xf0: {  	v16 =	vcvt.f32.s32 v43;
	v10 =	vsub.f32 v41, v14;
	v11 =	vor.u32 v4, v11  }
0xf1: {  	v17 =	vadd.f32 $1.000000000e+01, v17;
	v14 =	vsub.f32 v14, v38  }
0xf2: {  	v45 =	vcvt.s32.f32 v16;
	v10 =	vmul.f32 v13, v10  }
0xf3: {  	v49 =	vmul.f32 v17, v1;
	v13 =	vmul.f32 v13, v14  }
0xf4: {  	vm12 =	vgt.f32 v12, v45;
	[tilespmem:v15+s14+$0x0] =	vst.idx.add.f32.msk $0xffff, v10  }
0xf5: {  	v50 =	vmul.f32 $-4.800000190e+00, v8;
	v17 =	vtrunc.f32 v49;
	v46 =	vsel vm12, $0x1, v2;
	[tilespmem:v11+s14+$0x0] =	vst.idx.add.f32.msk $0xffff, v13  }
0xf6: {  	v48 =	vshll.u32 v16, $0x9;
	v17 =	vcvt.f32.s32 v17;
	v47 =	vadd.s32 v16, v46;
	v15 =	vld [tilespmem:s19+$0x1600]  }
0xf7: {  	v51 =	vcvt.s32.f32 v47;
	v10 =	vshll.u32 v47, $0x9;
	v11 =	vadd.s32 v5, v48  }
0xf8: {  	v14 =	vadd.f32 v50, v6;
	v10 =	vadd.s32 v5, v10;
	v11 =	vor.u32 v4, v11  }
0xf9: {  	v16 =	vsub.f32 v51, v12;
	v10 =	vor.u32 v4, v10  }
0xfa: {  	v52 =	vcvt.s32.f32 v17;
	v14 =	vmax.f32 v14, $-1.000000000e+01;
	v12 =	vsub.f32 v12, v45  }
0xfb: {  	v14 =	vmin.f32 v14, $1.000000000e+01;
	v16 =	vmul.f32 v15, v16  }
0xfc: {  	vm13 =	vgt.f32 v49, v52;
	v14 =	vadd.f32 $1.000000000e+01, v14;
	v12 =	vmul.f32 v15, v12  }
0xfd: {  	v53 =	vsel vm13, $0x1, v2;
	[tilespmem:v11+s14+$0x0] =	vst.idx.add.f32.msk $0xffff, v16  }
0xfe: {  	v54 =	vadd.s32 v17, v53;
	v14 =	vmul.f32 v14, v1;
	[tilespmem:v10+s14+$0x0] =	vst.idx.add.f32.msk $0xffff, v12  }
0xff: {  	v56 =	vmul.f32 $-4.400000570e+00, v8;
	v55 =	vshll.u32 v17, $0x9;
	v58 =	vcvt.s32.f32 v54;
	v57 =	vld [tilespmem:s19+$0x1800]  }
0x100: {  	v59 =	vtrunc.f32 v14;
	v11 =	vadd.s32 v5, v55;
	v10 =	vshll.u32 v54, $0x9  }
0x101: {  	v17 =	vcvt.f32.s32 v59;
	v11 =	vor.u32 v4, v11;
	v10 =	vadd.s32 v5, v10  }
0x102: {  	v16 =	vsub.f32 v58, v49;
	v12 =	vadd.f32 v56, v6;
	v10 =	vor.u32 v4, v10  }
0x103: {  	v22 =	vmul.f32 $-4.000000480e+00, v8;
	v13 =	vsub.f32 v49, v52;
	v60 =	vcvt.s32.f32 v17  }
0x104: {  	v20 =	vshll.u32 v17, $0x9;
	v12 =	vmax.f32 v12, $-1.000000000e+01;
	v16 =	vmul.f32 v57, v16  }
0x105: {  	vm14 =	vgt.f32 v14, v60;
	v12 =	vmin.f32 v12, $1.000000000e+01;
	v13 =	vmul.f32 v57, v13  }
0x106: {  	v15 =	vadd.s32 v5, v20;
	v61 =	vsel vm14, $0x1, v2;
	v12 =	vadd.f32 $1.000000000e+01, v12;
	[tilespmem:v11+s14+$0x0] =	vst.idx.add.f32.msk $0xffff, v16  }
0x107: {  	v62 =	vadd.s32 v17, v61;
	v17 =	vadd.f32 v22, v6;
	[tilespmem:v10+s14+$0x0] =	vst.idx.add.f32.msk $0xffff, v13  }
0x108: {  	v15 =	vor.u32 v4, v15;
	v12 =	vmul.f32 v12, v1;
	v13 =	vld [tilespmem:s19+$0x1A00]  }
0x109: {  	v63 =	vcvt.s32.f32 v62;
	v17 =	vmax.f32 v17, $-1.000000000e+01;
	v11 =	vshll.u32 v62, $0x9  }
0x10a: {  	v17 =	vmin.f32 v17, $1.000000000e+01;
	v21 =	vtrunc.f32 v12;
	v11 =	vadd.s32 v5, v11  }
0x10b: {  	v16 =	vcvt.f32.s32 v21;
	v10 =	vsub.f32 v63, v14;
	v11 =	vor.u32 v4, v11  }
0x10c: {  	v17 =	vadd.f32 $1.000000000e+01, v17;
	v14 =	vsub.f32 v14, v60  }
0x10d: {  	v23 =	vcvt.s32.f32 v16;
	v10 =	vmul.f32 v13, v10  }
0x10e: {  	v27 =	vmul.f32 v17, v1;
	v13 =	vmul.f32 v13, v14  }
0x10f: {  	vm15 =	vgt.f32 v12, v23;
	[tilespmem:v15+s14+$0x0] =	vst.idx.add.f32.msk $0xffff, v10  }
0x110: {  	v28 =	vmul.f32 $-3.600000380e+00, v8;
	v17 =	vtrunc.f32 v27;
	v24 =	vsel vm15, $0x1, v2;
	[tilespmem:v11+s14+$0x0] =	vst.idx.add.f32.msk $0xffff, v13  }
0x111: {  	v26 =	vshll.u32 v16, $0x9;
	v17 =	vcvt.f32.s32 v17;
	v25 =	vadd.s32 v16, v24;
	v15 =	vld [tilespmem:s19+$0x1C00]  }
0x112: {  	v29 =	vcvt.s32.f32 v25;
	v10 =	vshll.u32 v25, $0x9;
	v11 =	vadd.s32 v5, v26  }
0x113: {  	v14 =	vadd.f32 v28, v6;
	v10 =	vadd.s32 v5, v10;
	v11 =	vor.u32 v4, v11  }
0x114: {  	v16 =	vsub.f32 v29, v12;
	v10 =	vor.u32 v4, v10  }
0x115: {  	v30 =	vcvt.s32.f32 v17;
	v14 =	vmax.f32 v14, $-1.000000000e+01;
	v12 =	vsub.f32 v12, v23  }
0x116: {  	v14 =	vmin.f32 v14, $1.000000000e+01;
	v16 =	vmul.f32 v15, v16  }
0x117: {  	vm4 =	vgt.f32 v27, v30;
	v14 =	vadd.f32 $1.000000000e+01, v14;
	v12 =	vmul.f32 v15, v12  }
0x118: {  	v31 =	vsel vm4, $0x1, v2;
	[tilespmem:v11+s14+$0x0] =	vst.idx.add.f32.msk $0xffff, v16  }
0x119: {  	v32 =	vadd.s32 v17, v31;
	v14 =	vmul.f32 v14, v1;
	[tilespmem:v10+s14+$0x0] =	vst.idx.add.f32.msk $0xffff, v12  }
0x11a: {  	v34 =	vmul.f32 $-3.199999570e+00, v8;
	v33 =	vshll.u32 v17, $0x9;
	v36 =	vcvt.s32.f32 v32;
	v35 =	vld [tilespmem:s19+$0x1E00]  }
0x11b: {  	v37 =	vtrunc.f32 v14;
	v11 =	vadd.s32 v5, v33;
	v10 =	vshll.u32 v32, $0x9  }
0x11c: {  	v17 =	vcvt.f32.s32 v37;
	v11 =	vor.u32 v4, v11;
	v10 =	vadd.s32 v5, v10  }
0x11d: {  	v16 =	vsub.f32 v36, v27;
	v12 =	vadd.f32 v34, v6;
	v10 =	vor.u32 v4, v10  }
0x11e: {  	v44 =	vmul.f32 $-2.799999710e+00, v8;
	v13 =	vsub.f32 v27, v30;
	v38 =	vcvt.s32.f32 v17  }
0x11f: {  	v42 =	vshll.u32 v17, $0x9;
	v12 =	vmax.f32 v12, $-1.000000000e+01;
	v16 =	vmul.f32 v35, v16  }
0x120: {  	vm5 =	vgt.f32 v14, v38;
	v12 =	vmin.f32 v12, $1.000000000e+01;
	v13 =	vmul.f32 v35, v13  }
0x121: {  	v15 =	vadd.s32 v5, v42;
	v39 =	vsel vm5, $0x1, v2;
	v12 =	vadd.f32 $1.000000000e+01, v12;
	[tilespmem:v11+s14+$0x0] =	vst.idx.add.f32.msk $0xffff, v16  }
0x122: {  	v40 =	vadd.s32 v17, v39;
	v17 =	vadd.f32 v44, v6;
	[tilespmem:v10+s14+$0x0] =	vst.idx.add.f32.msk $0xffff, v13  }
0x123: {  	v15 =	vor.u32 v4, v15;
	v12 =	vmul.f32 v12, v1;
	v13 =	vld [tilespmem:s19+$0x2000]  }
0x124: {  	v41 =	vcvt.s32.f32 v40;
	v17 =	vmax.f32 v17, $-1.000000000e+01;
	v11 =	vshll.u32 v40, $0x9  }
0x125: {  	v17 =	vmin.f32 v17, $1.000000000e+01;
	v43 =	vtrunc.f32 v12;
	v11 =	vadd.s32 v5, v11  }
0x126: {  	v16 =	vcvt.f32.s32 v43;
	v10 =	vsub.f32 v41, v14;
	v11 =	vor.u32 v4, v11  }
0x127: {  	v17 =	vadd.f32 $1.000000000e+01, v17;
	v14 =	vsub.f32 v14, v38  }
0x128: {  	v45 =	vcvt.s32.f32 v16;
	v10 =	vmul.f32 v13, v10  }
0x129: {  	v49 =	vmul.f32 v17, v1;
	v13 =	vmul.f32 v13, v14  }
0x12a: {  	vm6 =	vgt.f32 v12, v45;
	[tilespmem:v15+s14+$0x0] =	vst.idx.add.f32.msk $0xffff, v10  }
0x12b: {  	v50 =	vmul.f32 $-2.400000100e+00, v8;
	v17 =	vtrunc.f32 v49;
	v46 =	vsel vm6, $0x1, v2;
	[tilespmem:v11+s14+$0x0] =	vst.idx.add.f32.msk $0xffff, v13  }
0x12c: {  	v48 =	vshll.u32 v16, $0x9;
	v17 =	vcvt.f32.s32 v17;
	v47 =	vadd.s32 v16, v46;
	v15 =	vld [tilespmem:s19+$0x2200]  }
0x12d: {  	v51 =	vcvt.s32.f32 v47;
	v10 =	vshll.u32 v47, $0x9;
	v11 =	vadd.s32 v5, v48  }
0x12e: {  	v14 =	vadd.f32 v50, v6;
	v10 =	vadd.s32 v5, v10;
	v11 =	vor.u32 v4, v11  }
0x12f: {  	v16 =	vsub.f32 v51, v12;
	v10 =	vor.u32 v4, v10  }
0x130: {  	v52 =	vcvt.s32.f32 v17;
	v14 =	vmax.f32 v14, $-1.000000000e+01;
	v12 =	vsub.f32 v12, v45  }
0x131: {  	v14 =	vmin.f32 v14, $1.000000000e+01;
	v16 =	vmul.f32 v15, v16  }
0x132: {  	vm7 =	vgt.f32 v49, v52;
	v14 =	vadd.f32 $1.000000000e+01, v14;
	v12 =	vmul.f32 v15, v12  }
0x133: {  	v53 =	vsel vm7, $0x1, v2;
	[tilespmem:v11+s14+$0x0] =	vst.idx.add.f32.msk $0xffff, v16  }
0x134: {  	v54 =	vadd.s32 v17, v53;
	v14 =	vmul.f32 v14, v1;
	[tilespmem:v10+s14+$0x0] =	vst.idx.add.f32.msk $0xffff, v12  }
0x135: {  	v56 =	vmul.f32 $-2.000000240e+00, v8;
	v55 =	vshll.u32 v17, $0x9;
	v58 =	vcvt.s32.f32 v54;
	v57 =	vld [tilespmem:s19+$0x2400]  }
0x136: {  	v59 =	vtrunc.f32 v14;
	v11 =	vadd.s32 v5, v55;
	v10 =	vshll.u32 v54, $0x9  }
0x137: {  	v17 =	vcvt.f32.s32 v59;
	v11 =	vor.u32 v4, v11;
	v10 =	vadd.s32 v5, v10  }
0x138: {  	v16 =	vsub.f32 v58, v49;
	v12 =	vadd.f32 v56, v6;
	v10 =	vor.u32 v4, v10  }
0x139: {  	v22 =	vmul.f32 $-1.600000380e+00, v8;
	v13 =	vsub.f32 v49, v52;
	v60 =	vcvt.s32.f32 v17  }
0x13a: {  	v20 =	vshll.u32 v17, $0x9;
	v12 =	vmax.f32 v12, $-1.000000000e+01;
	v16 =	vmul.f32 v57, v16  }
0x13b: {  	vm8 =	vgt.f32 v14, v60;
	v12 =	vmin.f32 v12, $1.000000000e+01;
	v13 =	vmul.f32 v57, v13  }
0x13c: {  	v15 =	vadd.s32 v5, v20;
	v61 =	vsel vm8, $0x1, v2;
	v12 =	vadd.f32 $1.000000000e+01, v12;
	[tilespmem:v11+s14+$0x0] =	vst.idx.add.f32.msk $0xffff, v16  }
0x13d: {  	v62 =	vadd.s32 v17, v61;
	v17 =	vadd.f32 v22, v6;
	[tilespmem:v10+s14+$0x0] =	vst.idx.add.f32.msk $0xffff, v13  }
0x13e: {  	v15 =	vor.u32 v4, v15;
	v12 =	vmul.f32 v12, v1;
	v13 =	vld [tilespmem:s19+$0x2600]  }
0x13f: {  	v63 =	vcvt.s32.f32 v62;
	v17 =	vmax.f32 v17, $-1.000000000e+01;
	v11 =	vshll.u32 v62, $0x9  }
0x140: {  	v17 =	vmin.f32 v17, $1.000000000e+01;
	v21 =	vtrunc.f32 v12;
	v11 =	vadd.s32 v5, v11  }
0x141: {  	v16 =	vcvt.f32.s32 v21;
	v10 =	vsub.f32 v63, v14;
	v11 =	vor.u32 v4, v11  }
0x142: {  	v17 =	vadd.f32 $1.000000000e+01, v17;
	v14 =	vsub.f32 v14, v60  }
0x143: {  	v23 =	vcvt.s32.f32 v16;
	v10 =	vmul.f32 v13, v10  }
0x144: {  	v27 =	vmul.f32 v17, v1;
	v13 =	vmul.f32 v13, v14  }
0x145: {  	vm9 =	vgt.f32 v12, v23;
	[tilespmem:v15+s14+$0x0] =	vst.idx.add.f32.msk $0xffff, v10  }
0x146: {  	v28 =	vmul.f32 $-1.200000170e+00, v8;
	v17 =	vtrunc.f32 v27;
	v24 =	vsel vm9, $0x1, v2;
	[tilespmem:v11+s14+$0x0] =	vst.idx.add.f32.msk $0xffff, v13  }
0x147: {  	v26 =	vshll.u32 v16, $0x9;
	v17 =	vcvt.f32.s32 v17;
	v25 =	vadd.s32 v16, v24;
	v15 =	vld [tilespmem:s19+$0x2800]  }
0x148: {  	v29 =	vcvt.s32.f32 v25;
	v10 =	vshll.u32 v25, $0x9;
	v11 =	vadd.s32 v5, v26  }
0x149: {  	v14 =	vadd.f32 v28, v6;
	v10 =	vadd.s32 v5, v10;
	v11 =	vor.u32 v4, v11  }
0x14a: {  	v16 =	vsub.f32 v29, v12;
	v10 =	vor.u32 v4, v10  }
0x14b: {  	v30 =	vcvt.s32.f32 v17;
	v14 =	vmax.f32 v14, $-1.000000000e+01;
	v12 =	vsub.f32 v12, v23  }
0x14c: {  	v14 =	vmin.f32 v14, $1.000000000e+01;
	v16 =	vmul.f32 v15, v16  }
0x14d: {  	vm10 =	vgt.f32 v27, v30;
	v14 =	vadd.f32 $1.000000000e+01, v14;
	v12 =	vmul.f32 v15, v12  }
0x14e: {  	v31 =	vsel vm10, $0x1, v2;
	[tilespmem:v11+s14+$0x0] =	vst.idx.add.f32.msk $0xffff, v16  }
0x14f: {  	v32 =	vadd.s32 v17, v31;
	v14 =	vmul.f32 v14, v1;
	[tilespmem:v10+s14+$0x0] =	vst.idx.add.f32.msk $0xffff, v12  }
0x150: {  	v34 =	vmul.f32 $-8.000003690e-01, v8;
	v33 =	vshll.u32 v17, $0x9;
	v36 =	vcvt.s32.f32 v32;
	v35 =	vld [tilespmem:s19+$0x2A00]  }
0x151: {  	v37 =	vtrunc.f32 v14;
	v11 =	vadd.s32 v5, v33;
	v10 =	vshll.u32 v32, $0x9  }
0x152: {  	v17 =	vcvt.f32.s32 v37;
	v11 =	vor.u32 v4, v11;
	v10 =	vadd.s32 v5, v10  }
0x153: {  	v16 =	vsub.f32 v36, v27;
	v12 =	vadd.f32 v34, v6;
	v10 =	vor.u32 v4, v10  }
0x154: {  	v44 =	vmul.f32 $-4.000000950e-01, v8;
	v13 =	vsub.f32 v27, v30;
	v38 =	vcvt.s32.f32 v17  }
0x155: {  	v42 =	vshll.u32 v17, $0x9;
	v12 =	vmax.f32 v12, $-1.000000000e+01;
	v16 =	vmul.f32 v35, v16  }
0x156: {  	vm11 =	vgt.f32 v14, v38;
	v12 =	vmin.f32 v12, $1.000000000e+01;
	v13 =	vmul.f32 v35, v13  }
0x157: {  	v15 =	vadd.s32 v5, v42;
	v39 =	vsel vm11, $0x1, v2;
	v12 =	vadd.f32 $1.000000000e+01, v12;
	[tilespmem:v11+s14+$0x0] =	vst.idx.add.f32.msk $0xffff, v16  }
0x158: {  	v40 =	vadd.s32 v17, v39;
	v17 =	vadd.f32 v44, v6;
	[tilespmem:v10+s14+$0x0] =	vst.idx.add.f32.msk $0xffff, v13  }
0x159: {  	v15 =	vor.u32 v4, v15;
	v12 =	vmul.f32 v12, v1;
	v13 =	vld [tilespmem:s19+$0x2C00]  }
0x15a: {  	v41 =	vcvt.s32.f32 v40;
	v17 =	vmax.f32 v17, $-1.000000000e+01;
	v11 =	vshll.u32 v40, $0x9  }
0x15b: {  	v17 =	vmin.f32 v17, $1.000000000e+01;
	v43 =	vtrunc.f32 v12;
	v11 =	vadd.s32 v5, v11  }
0x15c: {  	v16 =	vcvt.f32.s32 v43;
	v10 =	vsub.f32 v41, v14;
	v11 =	vor.u32 v4, v11  }
0x15d: {  	v17 =	vadd.f32 $1.000000000e+01, v17;
	v14 =	vsub.f32 v14, v38  }
0x15e: {  	v45 =	vcvt.s32.f32 v16;
	v10 =	vmul.f32 v13, v10  }
0x15f: {  	v49 =	vmul.f32 v17, v1;
	v13 =	vmul.f32 v13, v14  }
0x160: {  	vm12 =	vgt.f32 v12, v45;
	[tilespmem:v15+s14+$0x0] =	vst.idx.add.f32.msk $0xffff, v10  }
0x161: {  	v50 =	vmul.f32 $-2.980232240e-07, v8;
	v17 =	vtrunc.f32 v49;
	v46 =	vsel vm12, $0x1, v2;
	[tilespmem:v11+s14+$0x0] =	vst.idx.add.f32.msk $0xffff, v13  }
0x162: {  	v48 =	vshll.u32 v16, $0x9;
	v17 =	vcvt.f32.s32 v17;
	v47 =	vadd.s32 v16, v46;
	v15 =	vld [tilespmem:s19+$0x2E00]  }
0x163: {  	v51 =	vcvt.s32.f32 v47;
	v10 =	vshll.u32 v47, $0x9;
	v11 =	vadd.s32 v5, v48  }
0x164: {  	v14 =	vadd.f32 v50, v6;
	v10 =	vadd.s32 v5, v10;
	v11 =	vor.u32 v4, v11  }
0x165: {  	v16 =	vsub.f32 v51, v12;
	v10 =	vor.u32 v4, v10  }
0x166: {  	v52 =	vcvt.s32.f32 v17;
	v14 =	vmax.f32 v14, $-1.000000000e+01;
	v12 =	vsub.f32 v12, v45  }
0x167: {  	v14 =	vmin.f32 v14, $1.000000000e+01;
	v16 =	vmul.f32 v15, v16  }
0x168: {  	vm13 =	vgt.f32 v49, v52;
	v14 =	vadd.f32 $1.000000000e+01, v14;
	v12 =	vmul.f32 v15, v12  }
0x169: {  	v53 =	vsel vm13, $0x1, v2;
	[tilespmem:v11+s14+$0x0] =	vst.idx.add.f32.msk $0xffff, v16  }
0x16a: {  	v54 =	vadd.s32 v17, v53;
	v14 =	vmul.f32 v14, v1;
	[tilespmem:v10+s14+$0x0] =	vst.idx.add.f32.msk $0xffff, v12  }
0x16b: {  	v56 =	vmul.f32 $3.999994990e-01, v8;
	v55 =	vshll.u32 v17, $0x9;
	v58 =	vcvt.s32.f32 v54;
	v57 =	vld [tilespmem:s19+$0x3000]  }
0x16c: {  	v59 =	vtrunc.f32 v14;
	v11 =	vadd.s32 v5, v55;
	v10 =	vshll.u32 v54, $0x9  }
0x16d: {  	v17 =	vcvt.f32.s32 v59;
	v11 =	vor.u32 v4, v11;
	v10 =	vadd.s32 v5, v10  }
0x16e: {  	v16 =	vsub.f32 v58, v49;
	v12 =	vadd.f32 v56, v6;
	v10 =	vor.u32 v4, v10  }
0x16f: {  	v22 =	vmul.f32 $7.999992960e-01, v8;
	v13 =	vsub.f32 v49, v52;
	v60 =	vcvt.s32.f32 v17  }
0x170: {  	v20 =	vshll.u32 v17, $0x9;
	v12 =	vmax.f32 v12, $-1.000000000e+01;
	v16 =	vmul.f32 v57, v16  }
0x171: {  	vm14 =	vgt.f32 v14, v60;
	v12 =	vmin.f32 v12, $1.000000000e+01;
	v13 =	vmul.f32 v57, v13  }
0x172: {  	v15 =	vadd.s32 v5, v20;
	v61 =	vsel vm14, $0x1, v2;
	v12 =	vadd.f32 $1.000000000e+01, v12;
	[tilespmem:v11+s14+$0x0] =	vst.idx.add.f32.msk $0xffff, v16  }
0x173: {  	v62 =	vadd.s32 v17, v61;
	v17 =	vadd.f32 v22, v6;
	[tilespmem:v10+s14+$0x0] =	vst.idx.add.f32.msk $0xffff, v13  }
0x174: {  	v15 =	vor.u32 v4, v15;
	v12 =	vmul.f32 v12, v1;
	v13 =	vld [tilespmem:s19+$0x3200]  }
0x175: {  	v63 =	vcvt.s32.f32 v62;
	v17 =	vmax.f32 v17, $-1.000000000e+01;
	v11 =	vshll.u32 v62, $0x9  }
0x176: {  	v17 =	vmin.f32 v17, $1.000000000e+01;
	v21 =	vtrunc.f32 v12;
	v11 =	vadd.s32 v5, v11  }
0x177: {  	v16 =	vcvt.f32.s32 v21;
	v10 =	vsub.f32 v63, v14;
	v11 =	vor.u32 v4, v11  }
0x178: {  	v17 =	vadd.f32 $1.000000000e+01, v17;
	v14 =	vsub.f32 v14, v60  }
0x179: {  	v23 =	vcvt.s32.f32 v16;
	v10 =	vmul.f32 v13, v10  }
0x17a: {  	v27 =	vmul.f32 v17, v1;
	v13 =	vmul.f32 v13, v14  }
0x17b: {  	vm15 =	vgt.f32 v12, v23;
	[tilespmem:v15+s14+$0x0] =	vst.idx.add.f32.msk $0xffff, v10  }
0x17c: {  	v28 =	vmul.f32 $1.199999570e+00, v8;
	v17 =	vtrunc.f32 v27;
	v24 =	vsel vm15, $0x1, v2;
	[tilespmem:v11+s14+$0x0] =	vst.idx.add.f32.msk $0xffff, v13  }
0x17d: {  	v26 =	vshll.u32 v16, $0x9;
	v17 =	vcvt.f32.s32 v17;
	v25 =	vadd.s32 v16, v24;
	v15 =	vld [tilespmem:s19+$0x3400]  }
0x17e: {  	v29 =	vcvt.s32.f32 v25;
	v10 =	vshll.u32 v25, $0x9;
	v11 =	vadd.s32 v5, v26  }
0x17f: {  	v14 =	vadd.f32 v28, v6;
	v10 =	vadd.s32 v5, v10;
	v11 =	vor.u32 v4, v11  }
0x180: {  	v16 =	vsub.f32 v29, v12;
	v10 =	vor.u32 v4, v10  }
0x181: {  	v30 =	vcvt.s32.f32 v17;
	v14 =	vmax.f32 v14, $-1.000000000e+01;
	v12 =	vsub.f32 v12, v23  }
0x182: {  	v14 =	vmin.f32 v14, $1.000000000e+01;
	v16 =	vmul.f32 v15, v16  }
0x183: {  	vm4 =	vgt.f32 v27, v30;
	v14 =	vadd.f32 $1.000000000e+01, v14;
	v12 =	vmul.f32 v15, v12  }
0x184: {  	v31 =	vsel vm4, $0x1, v2;
	[tilespmem:v11+s14+$0x0] =	vst.idx.add.f32.msk $0xffff, v16  }
0x185: {  	v32 =	vadd.s32 v17, v31;
	v14 =	vmul.f32 v14, v1;
	[tilespmem:v10+s14+$0x0] =	vst.idx.add.f32.msk $0xffff, v12  }
0x186: {  	v34 =	vmul.f32 $1.599999430e+00, v8;
	v33 =	vshll.u32 v17, $0x9;
	v36 =	vcvt.s32.f32 v32;
	v35 =	vld [tilespmem:s19+$0x3600]  }
0x187: {  	v37 =	vtrunc.f32 v14;
	v11 =	vadd.s32 v5, v33;
	v10 =	vshll.u32 v32, $0x9  }
0x188: {  	v17 =	vcvt.f32.s32 v37;
	v11 =	vor.u32 v4, v11;
	v10 =	vadd.s32 v5, v10  }
0x189: {  	v16 =	vsub.f32 v36, v27;
	v12 =	vadd.f32 v34, v6;
	v10 =	vor.u32 v4, v10  }
0x18a: {  	v44 =	vmul.f32 $1.999999170e+00, v8;
	v13 =	vsub.f32 v27, v30;
	v38 =	vcvt.s32.f32 v17  }
0x18b: {  	v42 =	vshll.u32 v17, $0x9;
	v12 =	vmax.f32 v12, $-1.000000000e+01;
	v16 =	vmul.f32 v35, v16  }
0x18c: {  	vm5 =	vgt.f32 v14, v38;
	v12 =	vmin.f32 v12, $1.000000000e+01;
	v13 =	vmul.f32 v35, v13  }
0x18d: {  	v15 =	vadd.s32 v5, v42;
	v39 =	vsel vm5, $0x1, v2;
	v12 =	vadd.f32 $1.000000000e+01, v12;
	[tilespmem:v11+s14+$0x0] =	vst.idx.add.f32.msk $0xffff, v16  }
0x18e: {  	v40 =	vadd.s32 v17, v39;
	v17 =	vadd.f32 v44, v6;
	[tilespmem:v10+s14+$0x0] =	vst.idx.add.f32.msk $0xffff, v13  }
0x18f: {  	v15 =	vor.u32 v4, v15;
	v12 =	vmul.f32 v12, v1;
	v13 =	vld [tilespmem:s19+$0x3800]  }
0x190: {  	v41 =	vcvt.s32.f32 v40;
	v17 =	vmax.f32 v17, $-1.000000000e+01;
	v11 =	vshll.u32 v40, $0x9  }
0x191: {  	v17 =	vmin.f32 v17, $1.000000000e+01;
	v43 =	vtrunc.f32 v12;
	v11 =	vadd.s32 v5, v11  }
0x192: {  	v16 =	vcvt.f32.s32 v43;
	v10 =	vsub.f32 v41, v14;
	v11 =	vor.u32 v4, v11  }
0x193: {  	v17 =	vadd.f32 $1.000000000e+01, v17;
	v14 =	vsub.f32 v14, v38  }
0x194: {  	v45 =	vcvt.s32.f32 v16;
	v10 =	vmul.f32 v13, v10  }
0x195: {  	v49 =	vmul.f32 v17, v1;
	v13 =	vmul.f32 v13, v14  }
0x196: {  	vm6 =	vgt.f32 v12, v45;
	[tilespmem:v15+s14+$0x0] =	vst.idx.add.f32.msk $0xffff, v10  }
0x197: {  	v50 =	vmul.f32 $2.399999620e+00, v8;
	v17 =	vtrunc.f32 v49;
	v46 =	vsel vm6, $0x1, v2;
	[tilespmem:v11+s14+$0x0] =	vst.idx.add.f32.msk $0xffff, v13  }
0x198: {  	v48 =	vshll.u32 v16, $0x9;
	v17 =	vcvt.f32.s32 v17;
	v47 =	vadd.s32 v16, v46;
	v15 =	vld [tilespmem:s19+$0x3A00]  }
0x199: {  	v51 =	vcvt.s32.f32 v47;
	v10 =	vshll.u32 v47, $0x9;
	v11 =	vadd.s32 v5, v48  }
0x19a: {  	v14 =	vadd.f32 v50, v6;
	v10 =	vadd.s32 v5, v10;
	v11 =	vor.u32 v4, v11  }
0x19b: {  	v16 =	vsub.f32 v51, v12;
	v10 =	vor.u32 v4, v10  }
0x19c: {  	v52 =	vcvt.s32.f32 v17;
	v14 =	vmax.f32 v14, $-1.000000000e+01;
	v12 =	vsub.f32 v12, v45  }
0x19d: {  	v14 =	vmin.f32 v14, $1.000000000e+01;
	v16 =	vmul.f32 v15, v16  }
0x19e: {  	vm7 =	vgt.f32 v49, v52;
	v14 =	vadd.f32 $1.000000000e+01, v14;
	v12 =	vmul.f32 v15, v12  }
0x19f: {  	v53 =	vsel vm7, $0x1, v2;
	[tilespmem:v11+s14+$0x0] =	vst.idx.add.f32.msk $0xffff, v16  }
0x1a0: {  	v54 =	vadd.s32 v17, v53;
	v14 =	vmul.f32 v14, v1;
	[tilespmem:v10+s14+$0x0] =	vst.idx.add.f32.msk $0xffff, v12  }
0x1a1: {  	v56 =	vmul.f32 $2.799999480e+00, v8;
	v55 =	vshll.u32 v17, $0x9;
	v58 =	vcvt.s32.f32 v54;
	v57 =	vld [tilespmem:s19+$0x3C00]  }
0x1a2: {  	v59 =	vtrunc.f32 v14;
	v11 =	vadd.s32 v5, v55;
	v10 =	vshll.u32 v54, $0x9  }
0x1a3: {  	v17 =	vcvt.f32.s32 v59;
	v11 =	vor.u32 v4, v11;
	v10 =	vadd.s32 v5, v10  }
0x1a4: {  	v16 =	vsub.f32 v58, v49;
	v12 =	vadd.f32 v56, v6;
	v10 =	vor.u32 v4, v10  }
0x1a5: {  	v22 =	vmul.f32 $3.199999330e+00, v8;
	v13 =	vsub.f32 v49, v52;
	v60 =	vcvt.s32.f32 v17  }
0x1a6: {  	v20 =	vshll.u32 v17, $0x9;
	v12 =	vmax.f32 v12, $-1.000000000e+01;
	v16 =	vmul.f32 v57, v16  }
0x1a7: {  	vm8 =	vgt.f32 v14, v60;
	v12 =	vmin.f32 v12, $1.000000000e+01;
	v13 =	vmul.f32 v57, v13  }
0x1a8: {  	v15 =	vadd.s32 v5, v20;
	v61 =	vsel vm8, $0x1, v2;
	v12 =	vadd.f32 $1.000000000e+01, v12;
	[tilespmem:v11+s14+$0x0] =	vst.idx.add.f32.msk $0xffff, v16  }
0x1a9: {  	v62 =	vadd.s32 v17, v61;
	v17 =	vadd.f32 v22, v6;
	[tilespmem:v10+s14+$0x0] =	vst.idx.add.f32.msk $0xffff, v13  }
0x1aa: {  	v15 =	vor.u32 v4, v15;
	v12 =	vmul.f32 v12, v1;
	v13 =	vld [tilespmem:s19+$0x3E00]  }
0x1ab: {  	v63 =	vcvt.s32.f32 v62;
	v17 =	vmax.f32 v17, $-1.000000000e+01;
	v11 =	vshll.u32 v62, $0x9  }
0x1ac: {  	v17 =	vmin.f32 v17, $1.000000000e+01;
	v21 =	vtrunc.f32 v12;
	v11 =	vadd.s32 v5, v11  }
0x1ad: {  	v16 =	vcvt.f32.s32 v21;
	v10 =	vsub.f32 v63, v14;
	v11 =	vor.u32 v4, v11  }
0x1ae: {  	v17 =	vadd.f32 $1.000000000e+01, v17;
	v14 =	vsub.f32 v14, v60  }
0x1af: {  	v23 =	vcvt.s32.f32 v16;
	v10 =	vmul.f32 v13, v10  }
0x1b0: {  	v27 =	vmul.f32 v17, v1;
	v13 =	vmul.f32 v13, v14  }
0x1b1: {  	vm9 =	vgt.f32 v12, v23;
	[tilespmem:v15+s14+$0x0] =	vst.idx.add.f32.msk $0xffff, v10  }
0x1b2: {  	v28 =	vmul.f32 $3.599999900e+00, v8;
	v17 =	vtrunc.f32 v27;
	v24 =	vsel vm9, $0x1, v2;
	[tilespmem:v11+s14+$0x0] =	vst.idx.add.f32.msk $0xffff, v13  }
0x1b3: {  	v26 =	vshll.u32 v16, $0x9;
	v17 =	vcvt.f32.s32 v17;
	v25 =	vadd.s32 v16, v24;
	v15 =	vld [tilespmem:s19+$0x4000]  }
0x1b4: {  	v29 =	vcvt.s32.f32 v25;
	v10 =	vshll.u32 v25, $0x9;
	v11 =	vadd.s32 v5, v26  }
0x1b5: {  	v14 =	vadd.f32 v28, v6;
	v10 =	vadd.s32 v5, v10;
	v11 =	vor.u32 v4, v11  }
0x1b6: {  	v16 =	vsub.f32 v29, v12;
	v10 =	vor.u32 v4, v10  }
0x1b7: {  	v30 =	vcvt.s32.f32 v17;
	v14 =	vmax.f32 v14, $-1.000000000e+01;
	v12 =	vsub.f32 v12, v23  }
0x1b8: {  	v14 =	vmin.f32 v14, $1.000000000e+01;
	v16 =	vmul.f32 v15, v16  }
0x1b9: {  	vm10 =	vgt.f32 v27, v30;
	v14 =	vadd.f32 $1.000000000e+01, v14;
	v12 =	vmul.f32 v15, v12  }
0x1ba: {  	v31 =	vsel vm10, $0x1, v2;
	[tilespmem:v11+s14+$0x0] =	vst.idx.add.f32.msk $0xffff, v16  }
0x1bb: {  	v32 =	vadd.s32 v17, v31;
	v14 =	vmul.f32 v14, v1;
	[tilespmem:v10+s14+$0x0] =	vst.idx.add.f32.msk $0xffff, v12  }
0x1bc: {  	v34 =	vmul.f32 $3.999999520e+00, v8;
	v33 =	vshll.u32 v17, $0x9;
	v36 =	vcvt.s32.f32 v32;
	v35 =	vld [tilespmem:s19+$0x4200]  }
0x1bd: {  	v37 =	vtrunc.f32 v14;
	v11 =	vadd.s32 v5, v33;
	v10 =	vshll.u32 v32, $0x9  }
0x1be: {  	v17 =	vcvt.f32.s32 v37;
	v11 =	vor.u32 v4, v11;
	v10 =	vadd.s32 v5, v10  }
0x1bf: {  	v16 =	vsub.f32 v36, v27;
	v12 =	vadd.f32 v34, v6;
	v10 =	vor.u32 v4, v10  }
0x1c0: {  	v44 =	vmul.f32 $4.399999620e+00, v8;
	v13 =	vsub.f32 v27, v30;
	v38 =	vcvt.s32.f32 v17  }
0x1c1: {  	v42 =	vshll.u32 v17, $0x9;
	v12 =	vmax.f32 v12, $-1.000000000e+01;
	v16 =	vmul.f32 v35, v16  }
0x1c2: {  	vm11 =	vgt.f32 v14, v38;
	v12 =	vmin.f32 v12, $1.000000000e+01;
	v13 =	vmul.f32 v35, v13  }
0x1c3: {  	v15 =	vadd.s32 v5, v42;
	v39 =	vsel vm11, $0x1, v2;
	v12 =	vadd.f32 $1.000000000e+01, v12;
	[tilespmem:v11+s14+$0x0] =	vst.idx.add.f32.msk $0xffff, v16  }
0x1c4: {  	v40 =	vadd.s32 v17, v39;
	v17 =	vadd.f32 v44, v6;
	[tilespmem:v10+s14+$0x0] =	vst.idx.add.f32.msk $0xffff, v13  }
0x1c5: {  	v15 =	vor.u32 v4, v15;
	v12 =	vmul.f32 v12, v1;
	v13 =	vld [tilespmem:s19+$0x4400]  }
0x1c6: {  	v41 =	vcvt.s32.f32 v40;
	v17 =	vmax.f32 v17, $-1.000000000e+01;
	v11 =	vshll.u32 v40, $0x9  }
0x1c7: {  	v17 =	vmin.f32 v17, $1.000000000e+01;
	v43 =	vtrunc.f32 v12;
	v11 =	vadd.s32 v5, v11  }
0x1c8: {  	v16 =	vcvt.f32.s32 v43;
	v10 =	vsub.f32 v41, v14;
	v11 =	vor.u32 v4, v11  }
0x1c9: {  	v17 =	vadd.f32 $1.000000000e+01, v17;
	v14 =	vsub.f32 v14, v38  }
0x1ca: {  	v45 =	vcvt.s32.f32 v16;
	v10 =	vmul.f32 v13, v10  }
0x1cb: {  	v49 =	vmul.f32 v17, v1;
	v13 =	vmul.f32 v13, v14  }
0x1cc: {  	vm12 =	vgt.f32 v12, v45;
	[tilespmem:v15+s14+$0x0] =	vst.idx.add.f32.msk $0xffff, v10  }
0x1cd: {  	v50 =	vmul.f32 $4.799999710e+00, v8;
	v17 =	vtrunc.f32 v49;
	v46 =	vsel vm12, $0x1, v2;
	[tilespmem:v11+s14+$0x0] =	vst.idx.add.f32.msk $0xffff, v13  }
0x1ce: {  	v48 =	vshll.u32 v16, $0x9;
	v17 =	vcvt.f32.s32 v17;
	v47 =	vadd.s32 v16, v46;
	v15 =	vld [tilespmem:s19+$0x4600]  }
0x1cf: {  	v51 =	vcvt.s32.f32 v47;
	v10 =	vshll.u32 v47, $0x9;
	v11 =	vadd.s32 v5, v48  }
0x1d0: {  	v14 =	vadd.f32 v50, v6;
	v10 =	vadd.s32 v5, v10;
	v11 =	vor.u32 v4, v11  }
0x1d1: {  	v16 =	vsub.f32 v51, v12;
	v10 =	vor.u32 v4, v10  }
0x1d2: {  	v52 =	vcvt.s32.f32 v17;
	v14 =	vmax.f32 v14, $-1.000000000e+01;
	v12 =	vsub.f32 v12, v45  }
0x1d3: {  	v14 =	vmin.f32 v14, $1.000000000e+01;
	v16 =	vmul.f32 v15, v16  }
0x1d4: {  	vm13 =	vgt.f32 v49, v52;
	v14 =	vadd.f32 $1.000000000e+01, v14;
	v12 =	vmul.f32 v15, v12  }
0x1d5: {  	v53 =	vsel vm13, $0x1, v2;
	[tilespmem:v11+s14+$0x0] =	vst.idx.add.f32.msk $0xffff, v16  }
0x1d6: {  	v54 =	vadd.s32 v17, v53;
	v14 =	vmul.f32 v14, v1;
	[tilespmem:v10+s14+$0x0] =	vst.idx.add.f32.msk $0xffff, v12  }
0x1d7: {  	v56 =	vmul.f32 $5.199999330e+00, v8;
	v55 =	vshll.u32 v17, $0x9;
	v58 =	vcvt.s32.f32 v54;
	v57 =	vld [tilespmem:s19+$0x4800]  }
0x1d8: {  	v59 =	vtrunc.f32 v14;
	v11 =	vadd.s32 v5, v55;
	v10 =	vshll.u32 v54, $0x9  }
0x1d9: {  	v17 =	vcvt.f32.s32 v59;
	v11 =	vor.u32 v4, v11;
	v10 =	vadd.s32 v5, v10  }
0x1da: {  	v16 =	vsub.f32 v58, v49;
	v12 =	vadd.f32 v56, v6;
	v10 =	vor.u32 v4, v10  }
0x1db: {  	v22 =	vmul.f32 $5.599999430e+00, v8;
	v13 =	vsub.f32 v49, v52;
	v60 =	vcvt.s32.f32 v17  }
0x1dc: {  	v20 =	vshll.u32 v17, $0x9;
	v12 =	vmax.f32 v12, $-1.000000000e+01;
	v16 =	vmul.f32 v57, v16  }
0x1dd: {  	vm14 =	vgt.f32 v14, v60;
	v12 =	vmin.f32 v12, $1.000000000e+01;
	v13 =	vmul.f32 v57, v13  }
0x1de: {  	v15 =	vadd.s32 v5, v20;
	v61 =	vsel vm14, $0x1, v2;
	v12 =	vadd.f32 $1.000000000e+01, v12;
	[tilespmem:v11+s14+$0x0] =	vst.idx.add.f32.msk $0xffff, v16  }
0x1df: {  	v62 =	vadd.s32 v17, v61;
	v17 =	vadd.f32 v22, v6;
	[tilespmem:v10+s14+$0x0] =	vst.idx.add.f32.msk $0xffff, v13  }
0x1e0: {  	v15 =	vor.u32 v4, v15;
	v12 =	vmul.f32 v12, v1;
	v13 =	vld [tilespmem:s19+$0x4A00]  }
0x1e1: {  	v63 =	vcvt.s32.f32 v62;
	v17 =	vmax.f32 v17, $-1.000000000e+01;
	v11 =	vshll.u32 v62, $0x9  }
0x1e2: {  	v17 =	vmin.f32 v17, $1.000000000e+01;
	v21 =	vtrunc.f32 v12;
	v11 =	vadd.s32 v5, v11  }
0x1e3: {  	v16 =	vcvt.f32.s32 v21;
	v10 =	vsub.f32 v63, v14;
	v11 =	vor.u32 v4, v11  }
0x1e4: {  	v17 =	vadd.f32 $1.000000000e+01, v17;
	v14 =	vsub.f32 v14, v60  }
0x1e5: {  	v23 =	vcvt.s32.f32 v16;
	v10 =	vmul.f32 v13, v10  }
0x1e6: {  	v27 =	vmul.f32 v17, v1;
	v13 =	vmul.f32 v13, v14  }
0x1e7: {  	vm15 =	vgt.f32 v12, v23;
	[tilespmem:v15+s14+$0x0] =	vst.idx.add.f32.msk $0xffff, v10  }
0x1e8: {  	v28 =	vmul.f32 $5.999999040e+00, v8;
	v17 =	vtrunc.f32 v27;
	v24 =	vsel vm15, $0x1, v2;
	[tilespmem:v11+s14+$0x0] =	vst.idx.add.f32.msk $0xffff, v13  }
0x1e9: {  	v26 =	vshll.u32 v16, $0x9;
	v17 =	vcvt.f32.s32 v17;
	v25 =	vadd.s32 v16, v24;
	v15 =	vld [tilespmem:s19+$0x4C00]  }
0x1ea: {  	v29 =	vcvt.s32.f32 v25;
	v10 =	vshll.u32 v25, $0x9;
	v11 =	vadd.s32 v5, v26  }
0x1eb: {  	v14 =	vadd.f32 v28, v6;
	v10 =	vadd.s32 v5, v10;
	v11 =	vor.u32 v4, v11  }
0x1ec: {  	v16 =	vsub.f32 v29, v12;
	v10 =	vor.u32 v4, v10  }
0x1ed: {  	v30 =	vcvt.s32.f32 v17;
	v14 =	vmax.f32 v14, $-1.000000000e+01;
	v12 =	vsub.f32 v12, v23  }
0x1ee: {  	v14 =	vmin.f32 v14, $1.000000000e+01;
	v16 =	vmul.f32 v15, v16  }
0x1ef: {  	vm4 =	vgt.f32 v27, v30;
	v14 =	vadd.f32 $1.000000000e+01, v14;
	v12 =	vmul.f32 v15, v12  }
0x1f0: {  	v31 =	vsel vm4, $0x1, v2;
	[tilespmem:v11+s14+$0x0] =	vst.idx.add.f32.msk $0xffff, v16  }
0x1f1: {  	v32 =	vadd.s32 v17, v31;
	v14 =	vmul.f32 v14, v1;
	[tilespmem:v10+s14+$0x0] =	vst.idx.add.f32.msk $0xffff, v12  }
0x1f2: {  	v34 =	vmul.f32 $6.399999620e+00, v8;
	v33 =	vshll.u32 v17, $0x9;
	v36 =	vcvt.s32.f32 v32;
	v35 =	vld [tilespmem:s19+$0x4E00]  }
0x1f3: {  	v37 =	vtrunc.f32 v14;
	v11 =	vadd.s32 v5, v33;
	v10 =	vshll.u32 v32, $0x9  }
0x1f4: {  	v17 =	vcvt.f32.s32 v37;
	v11 =	vor.u32 v4, v11;
	v10 =	vadd.s32 v5, v10  }
0x1f5: {  	v16 =	vsub.f32 v36, v27;
	v12 =	vadd.f32 v34, v6;
	v10 =	vor.u32 v4, v10  }
0x1f6: {  	v44 =	vmul.f32 $6.799999240e+00, v8;
	v13 =	vsub.f32 v27, v30;
	v38 =	vcvt.s32.f32 v17  }
0x1f7: {  	v42 =	vshll.u32 v17, $0x9;
	v12 =	vmax.f32 v12, $-1.000000000e+01;
	v16 =	vmul.f32 v35, v16  }
0x1f8: {  	vm5 =	vgt.f32 v14, v38;
	v12 =	vmin.f32 v12, $1.000000000e+01;
	v13 =	vmul.f32 v35, v13  }
0x1f9: {  	v15 =	vadd.s32 v5, v42;
	v39 =	vsel vm5, $0x1, v2;
	v12 =	vadd.f32 $1.000000000e+01, v12;
	[tilespmem:v11+s14+$0x0] =	vst.idx.add.f32.msk $0xffff, v16  }
0x1fa: {  	v40 =	vadd.s32 v17, v39;
	v17 =	vadd.f32 v44, v6;
	[tilespmem:v10+s14+$0x0] =	vst.idx.add.f32.msk $0xffff, v13  }
0x1fb: {  	v15 =	vor.u32 v4, v15;
	v12 =	vmul.f32 v12, v1;
	v13 =	vld [tilespmem:s19+$0x5000]  }
0x1fc: {  	v41 =	vcvt.s32.f32 v40;
	v17 =	vmax.f32 v17, $-1.000000000e+01;
	v11 =	vshll.u32 v40, $0x9  }
0x1fd: {  	v17 =	vmin.f32 v17, $1.000000000e+01;
	v43 =	vtrunc.f32 v12;
	v11 =	vadd.s32 v5, v11  }
0x1fe: {  	v16 =	vcvt.f32.s32 v43;
	v10 =	vsub.f32 v41, v14;
	v11 =	vor.u32 v4, v11  }
0x1ff: {  	v17 =	vadd.f32 $1.000000000e+01, v17;
	v14 =	vsub.f32 v14, v38  }
0x200: {  	v45 =	vcvt.s32.f32 v16;
	v10 =	vmul.f32 v13, v10  }
0x201: {  	v49 =	vmul.f32 v17, v1;
	v13 =	vmul.f32 v13, v14  }
0x202: {  	vm6 =	vgt.f32 v12, v45;
	[tilespmem:v15+s14+$0x0] =	vst.idx.add.f32.msk $0xffff, v10  }
0x203: {  	v50 =	vmul.f32 $7.199998860e+00, v8;
	v17 =	vtrunc.f32 v49;
	v46 =	vsel vm6, $0x1, v2;
	[tilespmem:v11+s14+$0x0] =	vst.idx.add.f32.msk $0xffff, v13  }
0x204: {  	v48 =	vshll.u32 v16, $0x9;
	v17 =	vcvt.f32.s32 v17;
	v47 =	vadd.s32 v16, v46;
	v15 =	vld [tilespmem:s19+$0x5200]  }
0x205: {  	v51 =	vcvt.s32.f32 v47;
	v10 =	vshll.u32 v47, $0x9;
	v11 =	vadd.s32 v5, v48  }
0x206: {  	v14 =	vadd.f32 v50, v6;
	v10 =	vadd.s32 v5, v10;
	v11 =	vor.u32 v4, v11  }
0x207: {  	v16 =	vsub.f32 v51, v12;
	v10 =	vor.u32 v4, v10  }
0x208: {  	v52 =	vcvt.s32.f32 v17;
	v14 =	vmax.f32 v14, $-1.000000000e+01;
	v12 =	vsub.f32 v12, v45  }
0x209: {  	v14 =	vmin.f32 v14, $1.000000000e+01;
	v16 =	vmul.f32 v15, v16  }
0x20a: {  	vm7 =	vgt.f32 v49, v52;
	v14 =	vadd.f32 $1.000000000e+01, v14;
	v12 =	vmul.f32 v15, v12  }
0x20b: {  	v53 =	vsel vm7, $0x1, v2;
	[tilespmem:v11+s14+$0x0] =	vst.idx.add.f32.msk $0xffff, v16  }
0x20c: {  	v54 =	vadd.s32 v17, v53;
	v14 =	vmul.f32 v14, v1;
	[tilespmem:v10+s14+$0x0] =	vst.idx.add.f32.msk $0xffff, v12  }
0x20d: {  	v56 =	vmul.f32 $7.599999420e+00, v8;
	v55 =	vshll.u32 v17, $0x9;
	v58 =	vcvt.s32.f32 v54;
	v57 =	vld [tilespmem:s19+$0x5400]  }
0x20e: {  	v59 =	vtrunc.f32 v14;
	v11 =	vadd.s32 v5, v55;
	v10 =	vshll.u32 v54, $0x9  }
0x20f: {  	v17 =	vcvt.f32.s32 v59;
	v11 =	vor.u32 v4, v11;
	v10 =	vadd.s32 v5, v10  }
0x210: {  	v16 =	vsub.f32 v58, v49;
	v12 =	vadd.f32 v56, v6;
	v10 =	vor.u32 v4, v10  }
0x211: {  	v13 =	vsub.f32 v49, v52  }
0x212: {  	v60 =	vcvt.s32.f32 v17;
	v12 =	vmax.f32 v12, $-1.000000000e+01;
	v16 =	vmul.f32 v57, v16  }
0x213: {  	v22 =	vmul.f32 $7.999999040e+00, v8;
	v12 =	vmin.f32 v12, $1.000000000e+01;
	v13 =	vmul.f32 v57, v13  }
0x214: {  	v20 =	vshll.u32 v17, $0x9;
	vm8 =	vgt.f32 v14, v60;
	v12 =	vadd.f32 $1.000000000e+01, v12;
	[tilespmem:v11+s14+$0x0] =	vst.idx.add.f32.msk $0xffff, v16  }
0x215: {  	v15 =	vadd.s32 v5, v20;
	v61 =	vsel vm8, $0x1, v2;
	[tilespmem:v10+s14+$0x0] =	vst.idx.add.f32.msk $0xffff, v13  }
0x216: {  	v62 =	vadd.s32 v17, v61;
	v17 =	vadd.f32 v22, v6;
	v12 =	vmul.f32 v12, v1;
	v13 =	vld [tilespmem:s19+$0x5600]  }
0x217: {  	v15 =	vor.u32 v4, v15;
	v63 =	vcvt.s32.f32 v62;
	v11 =	vshll.u32 v62, $0x9  }
0x218: {  	v17 =	vmax.f32 v17, $-1.000000000e+01;
	v21 =	vtrunc.f32 v12;
	v11 =	vadd.s32 v5, v11  }
0x219: {  	v16 =	vcvt.f32.s32 v21;
	v10 =	vsub.f32 v63, v14;
	v11 =	vor.u32 v4, v11  }
0x21a: {  	v17 =	vmin.f32 v17, $1.000000000e+01;
	v14 =	vsub.f32 v14, v60  }
0x21b: {  	v17 =	vadd.f32 $1.000000000e+01, v17;
	v23 =	vcvt.s32.f32 v16;
	v10 =	vmul.f32 v13, v10  }
0x21c: {  	v13 =	vmul.f32 v13, v14  }
0x21d: {  	v27 =	vmul.f32 v17, v1;
	vm9 =	vgt.f32 v12, v23;
	[tilespmem:v15+s14+$0x0] =	vst.idx.add.f32.msk $0xffff, v10  }
0x21e: {  	v28 =	vmul.f32 $8.399998660e+00, v8;
	v24 =	vsel vm9, $0x1, v2;
	[tilespmem:v11+s14+$0x0] =	vst.idx.add.f32.msk $0xffff, v13  }
0x21f: {  	v26 =	vshll.u32 v16, $0x9;
	v17 =	vtrunc.f32 v27;
	v25 =	vadd.s32 v16, v24;
	v15 =	vld [tilespmem:s19+$0x5800]  }
0x220: {  	v29 =	vcvt.s32.f32 v25;
	v10 =	vshll.u32 v25, $0x9;
	v11 =	vadd.s32 v5, v26  }
0x221: {  	v17 =	vcvt.f32.s32 v17;
	v10 =	vadd.s32 v5, v10;
	v11 =	vor.u32 v4, v11  }
0x222: {  	v14 =	vadd.f32 v28, v6;
	v16 =	vsub.f32 v29, v12;
	v10 =	vor.u32 v4, v10  }
0x223: {  	v9 =	vadd.f32 v9, v6;
	v12 =	vsub.f32 v12, v23  }
0x224: {  	v30 =	vcvt.s32.f32 v17;
	v14 =	vmax.f32 v14, $-1.000000000e+01;
	v16 =	vmul.f32 v15, v16  }
0x225: {  	v14 =	vmin.f32 v14, $1.000000000e+01;
	v12 =	vmul.f32 v15, v12  }
0x226: {  	v9 =	vmax.f32 v9, $-1.000000000e+01;
	vm10 =	vgt.f32 v27, v30;
	v14 =	vadd.f32 $1.000000000e+01, v14;
	[tilespmem:v11+s14+$0x0] =	vst.idx.add.f32.msk $0xffff, v16  }
0x227: {  	v9 =	vmin.f32 v9, $1.000000000e+01;
	v31 =	vsel vm10, $0x1, v2;
	[tilespmem:v10+s14+$0x0] =	vst.idx.add.f32.msk $0xffff, v12  }
0x228: {  	v35 =	vshll.u32 v17, $0x9;
	v32 =	vadd.s32 v17, v31;
	v14 =	vmul.f32 v14, v1;
	v33 =	vld [tilespmem:s19+$0x5A00]  }
0x229: {  	v34 =	vcvt.s32.f32 v32;
	v15 =	vadd.s32 v5, v35;
	v10 =	vshll.u32 v32, $0x9  }
0x22a: {  	v36 =	vtrunc.f32 v14;
	v15 =	vor.u32 v4, v15;
	v10 =	vadd.s32 v5, v10  }
0x22b: {  	v16 =	vcvt.f32.s32 v36;
	v12 =	vsub.f32 v34, v27;
	v10 =	vor.u32 v4, v10  }
0x22c: {  	v9 =	vadd.f32 $1.000000000e+01, v9;
	v13 =	vsub.f32 v27, v30  }
0x22d: {  	v37 =	vcvt.s32.f32 v16;
	v12 =	vmul.f32 v33, v12  }
0x22e: {  	v9 =	vmul.f32 v9, v1;
	v11 =	vmul.f32 v33, v13  }
0x22f: {  	vm11 =	vgt.f32 v14, v37;
	[tilespmem:v15+s14+$0x0] =	vst.idx.add.f32.msk $0xffff, v12  }
0x230: {  	v44 =	vtrunc.f32 v9;
	v38 =	vsel vm11, $0x1, v2;
	[tilespmem:v10+s14+$0x0] =	vst.idx.add.f32.msk $0xffff, v11  }
0x231: {  	v41 =	vmul.f32 $9.199998850e+00, v8;
	v40 =	vshll.u32 v16, $0x9;
	v39 =	vadd.s32 v16, v38;
	v42 =	vld [tilespmem:s19+$0x5C00]  }
0x232: {  	v43 =	vcvt.s32.f32 v39;
	v12 =	vshll.u32 v39, $0x9;
	v10 =	vadd.s32 v5, v40  }
0x233: {  	v16 =	vcvt.f32.s32 v44;
	v12 =	vadd.s32 v5, v12;
	v10 =	vor.u32 v4, v10  }
0x234: {  	v15 =	vsub.f32 v43, v14;
	v11 =	vadd.f32 v41, v6;
	v12 =	vor.u32 v4, v12  }
0x235: {  	v8 =	vmul.f32 $9.599999420e+00, v8;
	v14 =	vsub.f32 v14, v37  }
0x236: {  	v45 =	vcvt.s32.f32 v16;
	v11 =	vmax.f32 v11, $-1.000000000e+01;
	v15 =	vmul.f32 v42, v15  }
0x237: {  	v8 =	vadd.f32 v8, v6;
	v11 =	vmin.f32 v11, $1.000000000e+01;
	v13 =	vmul.f32 v42, v14  }
0x238: {  	vm12 =	vgt.f32 v9, v45;
	v11 =	vadd.f32 $1.000000000e+01, v11;
	[tilespmem:v10+s14+$0x0] =	vst.idx.add.f32.msk $0xffff, v15  }
0x239: {  	v8 =	vmax.f32 v8, $-1.000000000e+01;
	v46 =	vsel vm12, $0x1, v2;
	[tilespmem:v12+s14+$0x0] =	vst.idx.add.f32.msk $0xffff, v13  }
0x23a: {  	v47 =	vshll.u32 v16, $0x9;
	v11 =	vmul.f32 v11, v1;
	v10 =	vadd.s32 v16, v46;
	v13 =	vld [tilespmem:s19+$0x5E00]  }
0x23b: {  	v48 =	vcvt.s32.f32 v10;
	v12 =	vadd.s32 v5, v47;
	v10 =	vshll.u32 v10, $0x9  }
0x23c: {  	v49 =	vtrunc.f32 v11;
	v12 =	vor.u32 v4, v12;
	v10 =	vadd.s32 v5, v10  }
0x23d: {  	v15 =	vcvt.f32.s32 v49;
	v14 =	vsub.f32 v48, v9;
	v10 =	vor.u32 v4, v10  }
0x23e: {  	v8 =	vmin.f32 v8, $1.000000000e+01;
	v9 =	vsub.f32 v9, v45  }
0x23f: {  	v8 =	vadd.f32 $1.000000000e+01, v8;
	v50 =	vcvt.s32.f32 v15;
	v14 =	vmul.f32 v13, v14  }
0x240: {  	v9 =	vmul.f32 v13, v9  }
0x241: {  	v8 =	vmul.f32 v8, v1;
	vm13 =	vgt.f32 v11, v50;
	[tilespmem:v12+s14+$0x0] =	vst.idx.add.f32.msk $0xffff, v14  }
0x242: {  	v51 =	vsel vm13, $0x1, v2;
	[tilespmem:v10+s14+$0x0] =	vst.idx.add.f32.msk $0xffff, v9  }
0x243: {  	v55 =	vtrunc.f32 v8;
	v54 =	vshll.u32 v15, $0x9;
	v52 =	vadd.s32 v15, v51;
	v10 =	vld [tilespmem:s19+$0x6000]  }
0x244: {  	v13 =	vadd.s32 v5, v54;
	v53 =	vcvt.s32.f32 v52;
	v12 =	vshll.u32 v52, $0x9  }
0x245: {  	v6 =	vadd.f32 v7, v6;
	v13 =	vor.u32 v4, v13;
	v12 =	vadd.s32 v5, v12  }
0x246: {  	v14 =	vcvt.f32.s32 v55;
	v9 =	vsub.f32 v53, v11;
	v12 =	vor.u32 v4, v12  }
0x247: {  	v7 =	vsub.f32 v11, v50  }
0x248: {  	v6 =	vmax.f32 v6, $-1.000000000e+01;
	v56 =	vcvt.s32.f32 v14;
	v9 =	vmul.f32 v10, v9  }
0x249: {  	v6 =	vmin.f32 v6, $1.000000000e+01;
	v7 =	vmul.f32 v10, v7  }
0x24a: {  	v6 =	vadd.f32 $1.000000000e+01, v6;
	vm14 =	vgt.f32 v8, v56;
	[tilespmem:v13+s14+$0x0] =	vst.idx.add.f32.msk $0xffff, v9  }
0x24b: {  	[tilespmem:v12+s14+$0x0] =	vst.idx.add.f32.msk $0xffff, v7;
	v7 =	vsel vm14, $0x1, v2  }
0x24c: {  	v6 =	vmul.f32 v6, v1;
	v57 =	vshll.u32 v14, $0x9;
	v9 =	vld [tilespmem:s19+$0x6200];
	v7 =	vadd.s32 v14, v7  }
0x24d: {  	v10 =	vadd.s32 v5, v57;
	v58 =	vcvt.s32.f32 v7;
	v7 =	vshll.u32 v7, $0x9  }
0x24e: {  	v59 =	vtrunc.f32 v6;
	v10 =	vor.u32 v4, v10;
	v7 =	vadd.s32 v5, v7  }
0x24f: {  	v13 =	vcvt.f32.s32 v59;
	v12 =	vsub.f32 v58, v8;
	v7 =	vor.u32 v4, v7  }
0x250: {  	v8 =	vsub.f32 v8, v56  }
0x251: {  	v61 =	vcvt.s32.f32 v13;
	v60 =	vmul.f32 v9, v12  }
0x252: {  	v8 =	vmul.f32 v9, v8  }
0x253: {  	vm15 =	vgt.f32 v6, v61;
	[tilespmem:v10+s14+$0x0] =	vst.idx.add.f32.msk $0xffff, v60  }
0x254: {  	[tilespmem:v7+s14+$0x0] =	vst.idx.add.f32.msk $0xffff, v8;
	v7 =	vsel vm15, $0x1, v2  }
0x255: {  	v62 =	vshll.u32 v13, $0x9;
	v8 =	vld [tilespmem:s19+$0x6400];
	v7 =	vadd.s32 v13, v7  }
0x256: {  	v9 =	vadd.s32 v5, v62;
	v63 =	vcvt.s32.f32 v7;
	v7 =	vshll.u32 v7, $0x9  }
0x257: {  	v9 =	vor.u32 v4, v9;
	v5 =	vadd.s32 v5, v7  }
0x258: {  	p0 =	sne.s32 s18, $0x7C0;
	v7 =	vsub.f32 v63, v6;
	v5 =	vor.u32 v4, v5  }
.Ltmp1:
0x259: {  	v6 =	vsub.f32 v6, v61;
	(pc) =	sbr.rel @p0 .LBB2_4-.Ltmp1, $4  }
0x25a: {  	v7 =	vmul.f32 v8, v7  }
0x25b: {  	v6 =	vmul.f32 v8, v6  }
0x25c: {  	[tilespmem:v9+s14+$0x0] =	vst.idx.add.f32.msk $0xffff, v7  }
0x25d: {  	s18 =	sadd.s32 $0x40, s18;
	s17 =	sadd.s32 $0x10, s17;
	[tilespmem:v5+s14+$0x0] =	vst.idx.add.f32.msk $0xffff, v6  }
0x25e: {  	s16 =	sadd.s32 $0x1, s16  }
0x25f: {  	p0 =	sne.s32 s16, s7  }
.Ltmp2:
0x260: {  	_ = 	snop;
	(pc) =	sbr.rel @p0 .LBB2_1-.Ltmp2, $4  }
0x261: {  	[hbm4b:s6+s11] =	stream.strided.scatter [tilespmem:s14], [sflag:$0x2], $0x6600, s12, s11, $0x38;
	[tilespmem:$0xD000] =	vst v63  }
0x262: {  	_ =	swait.ge [sflag:s15], $0x6600  }
0x263: {  	[sflag:s15] =	ssyncset.done $0x0  }
0x264: {  	[sflag:s15] =	ssyncadd.s32 $0xFFFF9A00  }
0x265: {  	_ =	sfence.sel $0x180000  }
0x266: {  	[bflag:$0x0] =	sbarrier.arrive $0xFFFF  }
0x267: {  	p0 =	sne.s32 s2, $0x0;
	_ =	strace $0x90000047  }
0x268: {  	s0 =	sadd.s32 @!p0 $0x100000, s0;
	[bflag:$0x2] =	sbarrier.arrive $0xFFFF  }
0x269: {  	[sflag:s0] =	ssyncadd.tile.s32 @!p0 $0x1;
	_ =	shalt  }
.Lfunc_end2:
_tile_overlayer_lowered:
.L_overlay_start_2:
0x26a: {  	(tag) =	ssettag $0x2  }
0x26b: {  	s0 =	rddreg [dreg:$0x0];
	s2 =	stileid.u32  }
0x26c: {  	s1 =	rddreg [dreg:$0x1];
	p0 =	sne.s32 s2, $0x0  }
0x26d: {  	s3 =	rddreg [dreg:$0x2];
	[bflag:$0x3] =	sbarrier.arrive $0xFFFF;
	s2 =	simm.s32 @!p0 $0x1C03  }
0x26e: {  	[timem:s3], [sflag:s2] =	dma.local @!p0 [hbm:s0], s1  }
0x26f: {  	s0 =	simm.s32 @!p0 $0x3  }
0x270: {  	_ =	swait.ge @!p0 [sflag:s0], s1  }
0x271: {  	s1 =	ssub.s32 @!p0 $0x0, s1;
	[sflag:s0] =	ssyncset.done @!p0 $0x0  }
0x272: {  	[sflag:s0] =	ssyncadd.s32 @!p0 s1  }
0x273: {  	[bflag:$0x3] =	sbarrier.arrive $0xFFFF  }
0x274: {  	_ =	shalt  }

</sc_bundles>
